<compile_context>
chip_gen: v7x
topology: tpu7x:2x2x1
jax: 0.10.2.dev20260603
libtpu: 0.0.44.dev20260713+nightly
codegen_flags: <defaults>
</compile_context>

<pallas_src>
import functools

import jax
import jax.numpy as jnp
from jax import lax
from jax.experimental import pallas as pl
from jax.experimental.pallas import tpu as pltpu
from jax.experimental.pallas import tpu_sc as plsc

B, T, C, P = 16, 4096, 128, 256
NSEG = P - 1
BT = B * T
PIECE = 384
NL = 16
NVEC = C // NL
MAXP = T // PIECE + 4


@functools.partial(
    pl.kernel,
    mesh=plsc.VectorSubcoreMesh(core_axis_name="c", subcore_axis_name="s"),
    out_type=jax.ShapeDtypeStruct((B * P, C), jnp.float32),
    scratch_types=[
        pltpu.VMEM((P,), jnp.int32),
        pltpu.VMEM((PIECE, C), jnp.float32),
        pltpu.VMEM((PIECE, C), jnp.float32),
        pltpu.VMEM((128, C), jnp.float32),
        pltpu.SMEM((P,), jnp.int32),
        pltpu.SMEM((MAXP,), jnp.int32),
        pltpu.SemaphoreType.DMA,
        pltpu.SemaphoreType.DMA,
    ],
)
def _pool_body(x_hbm, pos_hbm, out_hbm, posv, buf0, buf1, part, poss, jmax,
               sem0, sem1):
    h = lax.axis_index("c")
    b = lax.axis_index("s")
    base = b * T

    pltpu.sync_copy(pos_hbm.at[pl.ds(b * P, P)], posv)

    j0 = h * 128
    nseg_w = 128 - h
    jend = j0 + nseg_w

    g_start = base + posv[pl.ds(j0, NL)][0]
    g_end = base + posv[pl.ds(jend - (NL - 1), NL)][NL - 1]
    ga = (g_start // 8) * 8
    npieces = (g_end - ga + PIECE - 1) // PIECE
    nfull = npieces // 2

    def dma_start(p, buf, sem):
        dp = ga + p * PIECE
        a0 = pl.multiple_of(jnp.clip(dp, 0, BT - PIECE), 8)
        return pltpu.make_async_copy(x_hbm.at[pl.ds(a0, PIECE)], buf, sem)

    @pl.when(npieces > 0)
    def _():
        dma_start(0, buf0, sem0).start()

    def stage_body(i, c):
        v = posv[pl.ds(i * NL, NL)]
        for k in range(NL):
            poss[i * NL + k] = v[k]
        return c

    lax.fori_loop(j0 // NL, jend // NL + 1, stage_body, 0)

    def jmax_init(p, c):
        jmax[p] = j0
        return c

    lax.fori_loop(0, MAXP, jmax_init, 0)

    def jmax_seg(j, c):
        pj = jnp.clip((base + poss[j] - ga) // PIECE, 0, MAXP - 1)
        jmax[pj] = j
        return c

    lax.fori_loop(j0, jend, jmax_seg, 0)

    def jmax_fill(p, c):
        m = jnp.maximum(jmax[p - 1], jmax[p])
        jmax[p] = m
        return c

    lax.fori_loop(1, MAXP, jmax_fill, 0)

    def zero_body(j, c):
        z = jnp.zeros((NL,), jnp.float32)
        for k in range(NVEC):
            part[j, pl.ds(k * NL, NL)] = z
        return c

    lax.fori_loop(0, 128, zero_body, 0)

    def process(p, jj, buf):
        dp = ga + p * PIECE
        a0 = pl.multiple_of(jnp.clip(dp, 0, BT - PIECE), 8)
        d1 = jnp.minimum(dp + PIECE, g_end)
        phi = jnp.clip(p, 0, MAXP - 1)

        def seg_body(j, fin):
            gs = base + poss[j]
            ge = base + poss[j + 1]
            s = jnp.maximum(gs, dp)
            e = jnp.minimum(ge, d1)
            jl = j - j0
            z = tuple(jnp.zeros((NL,), jnp.float32) for _ in range(NVEC))

            @plsc.parallel_loop(s, e, 1, unroll=16, carry=z)
            def row_body(t, acc):
                r = t - a0
                return tuple(acc[k] + buf[r, pl.ds(k * NL, NL)]
                             for k in range(NVEC))

            for k in range(NVEC):
                plsc.addupdate(part.at[jl, pl.ds(k * NL, NL)], row_body[k])

            return fin + jnp.where(ge <= d1, 1, 0).astype(jnp.int32)

        return lax.fori_loop(jj, jmax[phi] + 1, seg_body, jj)

    def group_body(g, jj):
        p0 = 2 * g
        dma_start(p0 + 1, buf1, sem1).start()
        dma_start(p0, buf0, sem0).wait()
        jj = process(p0, jj, buf0)

        @pl.when(p0 + 2 < npieces)
        def _():
            dma_start(p0 + 2, buf0, sem0).start()

        dma_start(p0 + 1, buf1, sem1).wait()
        jj = process(p0 + 1, jj, buf1)
        return jj

    jj_after = lax.fori_loop(0, nfull, group_body, j0)

    @pl.when(npieces % 2 == 1)
    def _():
        dma_start(npieces - 1, buf0, sem0).wait()
        process(npieces - 1, jj_after, buf0)

    def div_body(j, c):
        cnt = poss[j0 + j + 1] - poss[j0 + j]
        iv = jnp.where(
            cnt > 0,
            1.0 / lax.broadcast_in_dim(cnt.astype(jnp.float32), (NL,), ()),
            jnp.zeros((NL,), jnp.float32))
        for k in range(NVEC):
            part[j, pl.ds(k * NL, NL)] = part[j, pl.ds(k * NL, NL)] * iv
        return c

    lax.fori_loop(0, nseg_w, div_body, 0)

    @pl.when(h == 1)
    def _():
        z = jnp.zeros((NL,), jnp.float32)
        for k in range(NVEC):
            part[127, pl.ds(k * NL, NL)] = z

    out_base = b * P + j0
    pltpu.sync_copy(part, out_hbm.at[pl.ds(out_base, 128)])


def kernel(x, x_pos):
    x_flat = x.reshape(BT, C)
    out = _pool_body(x_flat, x_pos.reshape(B * P))
    return out.reshape(B, P, C)[:, :NSEG, :]

# --- scband reference (transcript-rebuilt; emitter-appended) ---
"""Pipeline reference for scband-local-pooling1-d-80848464380246 (READ-ONLY COPY).

The authoritative reference and input builder live on the scoring server;
editing this copy changes nothing except your own understanding.
"""

import jax, jax.numpy as jnp
import numpy as np

B, T, C, P = 16, 4096, 128, 256

def setup_inputs(seed: int = 0) -> dict:
    key = jax.random.key(seed)
    k1, k2 = jax.random.split(key)
    x = jax.random.normal(k1, (B, T, C), dtype=jnp.float32)
    x_pos = jnp.sort(jax.random.randint(k2, (B, P), 0, T), axis=-1).astype(jnp.int32)
    return {"x": x, "x_pos": x_pos}

def _local_pool(x, x_pos):
    # Faithful vectorized translation of LocalPooling1D.call with mean pool_func.
    # Original: offsets x_pos by batch*n_steps, builds [start, end) bounds per
    # segment, flattens x to (B*T, C) and pools x[start:end] per segment.
    b, t_steps, c = x.shape
    p = x_pos.shape[1]
    n_seg = p - 1
    t = jnp.arange(t_steps)

    def per_batch(pos):
        # segment id of each timestep: index j such that pos[j] <= t < pos[j+1]
        sid = jnp.searchsorted(pos, t, side='right') - 1
        valid = (sid >= 0) & (sid < n_seg)
        return sid, valid

    sid, valid = jax.vmap(per_batch)(x_pos)          # [B, T], [B, T]
    offsets = (jnp.arange(b) * n_seg)[:, None]       # [B, 1]
    gid = jnp.where(valid, sid + offsets, b * n_seg)  # dump bucket for invalid
    flat_x = x.reshape(b * t_steps, c)
    flat_gid = gid.reshape(b * t_steps)
    sums = jax.ops.segment_sum(flat_x, flat_gid, num_segments=b * n_seg + 1)[: b * n_seg]
    counts = jax.ops.segment_sum(valid.reshape(-1).astype(jnp.float32), flat_gid,
                                 num_segments=b * n_seg + 1)[: b * n_seg]
    y = sums / jnp.maximum(counts, 1.0)[:, None]
    return y.reshape(b, n_seg, c)

def reference(x, x_pos):
    return _local_pool(x, x_pos)

if __name__ == "__main__":
    import jax
    _d = setup_inputs()
    print(jax.jit(kernel)(*tuple(_d.values())))

</pallas_src>

<mosaic_0001>
#map = affine_map<(d0, d1) -> (0, 0)>
#map1 = affine_map<(d0, d1) -> (0)>
module attributes {stable_mosaic.version = 14 : i64} {
  func.func @_pool_body(%arg0: i32, %arg1: i32, %arg2: memref<65536x128xf32, #tpu.memory_space<hbm>>, %arg3: memref<4096xi32, #tpu.memory_space<hbm>>, %arg4: memref<4096x128xf32, #tpu.memory_space<hbm>>, %arg5: memref<256xi32, #tpu.memory_space<vmem>>, %arg6: memref<384x128xf32, #tpu.memory_space<vmem>>, %arg7: memref<384x128xf32, #tpu.memory_space<vmem>>, %arg8: memref<128x128xf32, #tpu.memory_space<vmem>>, %arg9: memref<256xi32, #tpu.memory_space<smem>>, %arg10: memref<14xi32, #tpu.memory_space<smem>>, %arg11: memref<!tpu.dma_semaphore, #tpu.memory_space<semaphore_mem>>, %arg12: memref<!tpu.dma_semaphore, #tpu.memory_space<semaphore_mem>>) attributes {dimension_semantics = [#tpu.dimension_semantics<core_parallel>, #tpu.dimension_semantics<subcore_parallel>], iteration_bounds = array<i64: 2, 16>, scalar_prefetch = 0 : i64, scratch_operands = 8 : i64, tpu.core_type = #tpu.core_type<sc_vector_subcore>, window_params = [{transform_indices = #map}, {transform_indices = #map1}, {transform_indices = #map}]} {
    %mul3A = arith.constant 4096 : i32
    %mul3A_0 = arith.muli %arg1, %mul3A : i32
    %mul3A_1 = arith.constant 256 : i32
    %mul3A_2 = arith.muli %arg1, %mul3A_1 : i32
    "tpu.region"() ({
      %run_scoped3A = tpu.sem_alloc : memref<!tpu.dma_semaphore, #tpu.memory_space<semaphore_mem>>
      %dma_start3A = tpu.memref_slice %arg3[%mul3A_2] : memref<4096xi32, #tpu.memory_space<hbm>> -> memref<256xi32, #tpu.memory_space<hbm>>
      %dma_start3A_223 = tpu.memref_slice %arg3[%mul3A_2] : memref<4096xi32, #tpu.memory_space<hbm>> -> memref<256xi32, #tpu.memory_space<hbm>>
      tpu.enqueue_dma source(%dma_start3A_223 : memref<256xi32, #tpu.memory_space<hbm>>) target(%arg5 : memref<256xi32, #tpu.memory_space<vmem>>) target_semaphore(%run_scoped3A : memref<!tpu.dma_semaphore, #tpu.memory_space<semaphore_mem>>)
      %dma_wait3A = tpu.memref_slice %arg3[%mul3A_2] : memref<4096xi32, #tpu.memory_space<hbm>> -> memref<256xi32, #tpu.memory_space<hbm>>
      %dma_wait3A_224 = tpu.memref_slice %arg3[%mul3A_2] : memref<4096xi32, #tpu.memory_space<hbm>> -> memref<256xi32, #tpu.memory_space<hbm>>
      tpu.wait_dma2 semaphore(%run_scoped3A : memref<!tpu.dma_semaphore, #tpu.memory_space<semaphore_mem>>) src(%dma_wait3A_224 : memref<256xi32, #tpu.memory_space<hbm>>) dst(%arg5 : memref<256xi32, #tpu.memory_space<vmem>>)
      tpu.yield
    }) : () -> ()
    %mul3A_3 = arith.constant 128 : i32
    %mul3A_4 = arith.muli %arg0, %mul3A_3 : i32
    %sub3A = arith.constant 128 : i32
    %sub3A_5 = arith.subi %sub3A, %arg0 : i32
    %add3A = arith.addi %mul3A_4, %sub3A_5 : i32
    %get3A = arith.index_cast %mul3A_4 : i32 to index
    %get3A_6 = tpu.vector_load %arg5[%get3A] {strides = array<i32>} : memref<256xi32, #tpu.memory_space<vmem>>, vector<16xi32>,
    %get3A_7 = vector.shape_cast %get3A_6 : vector<16xi32> to vector<16xi32>
    %slice3A = vector.extract_strided_slice %get3A_7 {offsets = [0], sizes = [1], strides = [1]} : vector<16xi32> to vector<1xi32>
    %squeeze3A = vector.extract %slice3A[0] : i32 from vector<1xi32>
    %add3A_8 = arith.addi %mul3A_0, %squeeze3A : i32
    %sub3A_9 = arith.constant 15 : i32
    %sub3A_10 = arith.subi %add3A, %sub3A_9 : i32
    %get3A_11 = arith.index_cast %sub3A_10 : i32 to index
    %get3A_12 = tpu.vector_load %arg5[%get3A_11] {strides = array<i32>} : memref<256xi32, #tpu.memory_space<vmem>>, vector<16xi32>,
    %get3A_13 = vector.shape_cast %get3A_12 : vector<16xi32> to vector<16xi32>
    %slice3A_14 = vector.extract_strided_slice %get3A_13 {offsets = [15], sizes = [1], strides = [1]} : vector<16xi32> to vector<1xi32>
    %squeeze3A_15 = vector.extract %slice3A_14[0] : i32 from vector<1xi32>
    %add3A_16 = arith.addi %mul3A_0, %squeeze3A_15 : i32
    %jit3A = arith.constant 8 : i32
    %div3A = arith.divsi %add3A_8, %jit3A : i32
    %sign3A = arith.constant 0 : i32
    %sign3A_17 = arith.cmpi sgt, %add3A_8, %sign3A : i32
    %sign3A_18 = arith.extui %sign3A_17 : i1 to i32
    %sign3A_19 = arith.constant 0 : i32
    %sign3A_20 = arith.cmpi slt, %add3A_8, %sign3A_19 : i32
    %sign3A_21 = arith.extui %sign3A_20 : i1 to i32
    %sign3A_22 = arith.subi %sign3A_18, %sign3A_21 : i32
    %sign3A_23 = arith.constant 0 : i32
    %sign3A_24 = arith.cmpi sgt, %jit3A, %sign3A_23 : i32
    %sign3A_25 = arith.extui %sign3A_24 : i1 to i32
    %sign3A_26 = arith.constant 0 : i32
    %sign3A_27 = arith.cmpi slt, %jit3A, %sign3A_26 : i32
    %sign3A_28 = arith.extui %sign3A_27 : i1 to i32
    %sign3A_29 = arith.subi %sign3A_25, %sign3A_28 : i32
    %ne3A = arith.cmpi ne, %sign3A_22, %sign3A_29 : i32
    %rem3A = arith.remsi %add3A_8, %jit3A : i32
    %ne3A_30 = arith.constant 0 : i32
    %ne3A_31 = arith.cmpi ne, %rem3A, %ne3A_30 : i32
    %and3A = arith.andi %ne3A, %ne3A_31 : i1
    %sub3A_32 = arith.constant 1 : i32
    %sub3A_33 = arith.subi %div3A, %sub3A_32 : i32
    %select_n3A = arith.select %and3A, %sub3A_33, %div3A : i32
    %mul3A_34 = arith.constant 8 : i32
    %mul3A_35 = arith.muli %select_n3A, %mul3A_34 : i32
    %sub3A_36 = arith.subi %add3A_16, %mul3A_35 : i32
    %add3A_37 = arith.constant 384 : i32
    %add3A_38 = arith.addi %sub3A_36, %add3A_37 : i32
    %sub3A_39 = arith.constant 1 : i32
    %sub3A_40 = arith.subi %add3A_38, %sub3A_39 : i32
    %jit3A_41 = arith.constant 384 : i32
    %div3A_42 = arith.divsi %sub3A_40, %jit3A_41 : i32
    %sign3A_43 = arith.constant 0 : i32
    %sign3A_44 = arith.cmpi sgt, %sub3A_40, %sign3A_43 : i32
    %sign3A_45 = arith.extui %sign3A_44 : i1 to i32
    %sign3A_46 = arith.constant 0 : i32
    %sign3A_47 = arith.cmpi slt, %sub3A_40, %sign3A_46 : i32
    %sign3A_48 = arith.extui %sign3A_47 : i1 to i32
    %sign3A_49 = arith.subi %sign3A_45, %sign3A_48 : i32
    %sign3A_50 = arith.constant 0 : i32
    %sign3A_51 = arith.cmpi sgt, %jit3A_41, %sign3A_50 : i32
    %sign3A_52 = arith.extui %sign3A_51 : i1 to i32
    %sign3A_53 = arith.constant 0 : i32
    %sign3A_54 = arith.cmpi slt, %jit3A_41, %sign3A_53 : i32
    %sign3A_55 = arith.extui %sign3A_54 : i1 to i32
    %sign3A_56 = arith.subi %sign3A_52, %sign3A_55 : i32
    %ne3A_57 = arith.cmpi ne, %sign3A_49, %sign3A_56 : i32
    %rem3A_58 = arith.remsi %sub3A_40, %jit3A_41 : i32
    %ne3A_59 = arith.constant 0 : i32
    %ne3A_60 = arith.cmpi ne, %rem3A_58, %ne3A_59 : i32
    %and3A_61 = arith.andi %ne3A_57, %ne3A_60 : i1
    %sub3A_62 = arith.constant 1 : i32
    %sub3A_63 = arith.subi %div3A_42, %sub3A_62 : i32
    %select_n3A_64 = arith.select %and3A_61, %sub3A_63, %div3A_42 : i32
    %jit3A_65 = arith.constant 2 : i32
    %div3A_66 = arith.divsi %select_n3A_64, %jit3A_65 : i32
    %sign3A_67 = arith.constant 0 : i32
    %sign3A_68 = arith.cmpi sgt, %select_n3A_64, %sign3A_67 : i32
    %sign3A_69 = arith.extui %sign3A_68 : i1 to i32
    %sign3A_70 = arith.constant 0 : i32
    %sign3A_71 = arith.cmpi slt, %select_n3A_64, %sign3A_70 : i32
    %sign3A_72 = arith.extui %sign3A_71 : i1 to i32
    %sign3A_73 = arith.subi %sign3A_69, %sign3A_72 : i32
    %sign3A_74 = arith.constant 0 : i32
    %sign3A_75 = arith.cmpi sgt, %jit3A_65, %sign3A_74 : i32
    %sign3A_76 = arith.extui %sign3A_75 : i1 to i32
    %sign3A_77 = arith.constant 0 : i32
    %sign3A_78 = arith.cmpi slt, %jit3A_65, %sign3A_77 : i32
    %sign3A_79 = arith.extui %sign3A_78 : i1 to i32
    %sign3A_80 = arith.subi %sign3A_76, %sign3A_79 : i32
    %ne3A_81 = arith.cmpi ne, %sign3A_73, %sign3A_80 : i32
    %rem3A_82 = arith.remsi %select_n3A_64, %jit3A_65 : i32
    %ne3A_83 = arith.constant 0 : i32
    %ne3A_84 = arith.cmpi ne, %rem3A_82, %ne3A_83 : i32
    %and3A_85 = arith.andi %ne3A_81, %ne3A_84 : i1
    %sub3A_86 = arith.constant 1 : i32
    %sub3A_87 = arith.subi %div3A_66, %sub3A_86 : i32
    %select_n3A_88 = arith.select %and3A_85, %sub3A_87, %div3A_66 : i32
    %gt3A = arith.constant 0 : i32
    %gt3A_89 = arith.cmpi sgt, %select_n3A_64, %gt3A : i32
    %convert_element_type3A = arith.extui %gt3A_89 : i1 to i32
    %cond3A = arith.constant 0 : i32
    %cond3A_90 = arith.cmpi ne, %convert_element_type3A, %cond3A : i32
    scf.if %cond3A_90 {
      %add3A_223 = arith.constant 0 : i32
      %add3A_224 = arith.addi %mul3A_35, %add3A_223 : i32
      %jit3A_225 = arith.constant 0 : i32
      %jit3A_226 = arith.constant 65152 : i32
      %max3A = arith.maxsi %jit3A_225, %add3A_224 : i32
      %min3A = arith.minsi %jit3A_226, %max3A : i32
      %multiple_of3A = tpu.assume_multiple %min3A, 8 : i32
      %dma_start3A = arith.constant 0 : i32
      %dma_start3A_227 = tpu.memref_slice %arg2[%multiple_of3A, %dma_start3A] : memref<65536x128xf32, #tpu.memory_space<hbm>> -> memref<384x128xf32, #tpu.memory_space<hbm>>
      %dma_start3A_228 = arith.constant 0 : i32
      %dma_start3A_229 = tpu.memref_slice %arg2[%multiple_of3A, %dma_start3A_228] : memref<65536x128xf32, #tpu.memory_space<hbm>> -> memref<384x128xf32, #tpu.memory_space<hbm>>
      tpu.enqueue_dma source(%dma_start3A_229 : memref<384x128xf32, #tpu.memory_space<hbm>>) target(%arg6 : memref<384x128xf32, #tpu.memory_space<vmem>>) target_semaphore(%arg11 : memref<!tpu.dma_semaphore, #tpu.memory_space<semaphore_mem>>)
    } else {
    }
    %jit3A_91 = arith.constant 16 : i32
    %div3A_92 = arith.divsi %mul3A_4, %jit3A_91 : i32
    %sign3A_93 = arith.constant 0 : i32
    %sign3A_94 = arith.cmpi sgt, %mul3A_4, %sign3A_93 : i32
    %sign3A_95 = arith.extui %sign3A_94 : i1 to i32
    %sign3A_96 = arith.constant 0 : i32
    %sign3A_97 = arith.cmpi slt, %mul3A_4, %sign3A_96 : i32
    %sign3A_98 = arith.extui %sign3A_97 : i1 to i32
    %sign3A_99 = arith.subi %sign3A_95, %sign3A_98 : i32
    %sign3A_100 = arith.constant 0 : i32
    %sign3A_101 = arith.cmpi sgt, %jit3A_91, %sign3A_100 : i32
    %sign3A_102 = arith.extui %sign3A_101 : i1 to i32
    %sign3A_103 = arith.constant 0 : i32
    %sign3A_104 = arith.cmpi slt, %jit3A_91, %sign3A_103 : i32
    %sign3A_105 = arith.extui %sign3A_104 : i1 to i32
    %sign3A_106 = arith.subi %sign3A_102, %sign3A_105 : i32
    %ne3A_107 = arith.cmpi ne, %sign3A_99, %sign3A_106 : i32
    %rem3A_108 = arith.remsi %mul3A_4, %jit3A_91 : i32
    %ne3A_109 = arith.constant 0 : i32
    %ne3A_110 = arith.cmpi ne, %rem3A_108, %ne3A_109 : i32
    %and3A_111 = arith.andi %ne3A_107, %ne3A_110 : i1
    %sub3A_112 = arith.constant 1 : i32
    %sub3A_113 = arith.subi %div3A_92, %sub3A_112 : i32
    %select_n3A_114 = arith.select %and3A_111, %sub3A_113, %div3A_92 : i32
    %jit3A_115 = arith.constant 16 : i32
    %div3A_116 = arith.divsi %add3A, %jit3A_115 : i32
    %sign3A_117 = arith.constant 0 : i32
    %sign3A_118 = arith.cmpi sgt, %add3A, %sign3A_117 : i32
    %sign3A_119 = arith.extui %sign3A_118 : i1 to i32
    %sign3A_120 = arith.constant 0 : i32
    %sign3A_121 = arith.cmpi slt, %add3A, %sign3A_120 : i32
    %sign3A_122 = arith.extui %sign3A_121 : i1 to i32
    %sign3A_123 = arith.subi %sign3A_119, %sign3A_122 : i32
    %sign3A_124 = arith.constant 0 : i32
    %sign3A_125 = arith.cmpi sgt, %jit3A_115, %sign3A_124 : i32
    %sign3A_126 = arith.extui %sign3A_125 : i1 to i32
    %sign3A_127 = arith.constant 0 : i32
    %sign3A_128 = arith.cmpi slt, %jit3A_115, %sign3A_127 : i32
    %sign3A_129 = arith.extui %sign3A_128 : i1 to i32
    %sign3A_130 = arith.subi %sign3A_126, %sign3A_129 : i32
    %ne3A_131 = arith.cmpi ne, %sign3A_123, %sign3A_130 : i32
    %rem3A_132 = arith.remsi %add3A, %jit3A_115 : i32
    %ne3A_133 = arith.constant 0 : i32
    %ne3A_134 = arith.cmpi ne, %rem3A_132, %ne3A_133 : i32
    %and3A_135 = arith.andi %ne3A_131, %ne3A_134 : i1
    %sub3A_136 = arith.constant 1 : i32
    %sub3A_137 = arith.subi %div3A_116, %sub3A_136 : i32
    %select_n3A_138 = arith.select %and3A_135, %sub3A_137, %div3A_116 : i32
    %add3A_139 = arith.constant 1 : i32
    %add3A_140 = arith.addi %select_n3A_138, %add3A_139 : i32
    %while3A = arith.constant 0 : i32
    %while3A_141 = arith.subi %add3A_140, %select_n3A_114 : i32
    %while3A_142 = arith.addi %select_n3A_114, %while3A_141 : i32
    %while3A_143 = arith.constant 1 : i32
    %while3A_144 = arith.divsi %while3A_141, %while3A_143 : i32
    %while3A_145 = arith.muli %while3A_144, %while3A_143 : i32
    %while3A_146 = arith.addi %select_n3A_114, %while3A_145 : i32
    %while3A_147 = arith.constant 1 : i32
    scf.for %while3A_223 = %select_n3A_114 to %while3A_146 step %while3A_147  : i32 {
      %mul3A_224 = arith.constant 16 : i32
      %mul3A_225 = arith.muli %while3A_223, %mul3A_224 : i32
      %get3A_226 = arith.index_cast %mul3A_225 : i32 to index
      %get3A_227 = tpu.vector_load %arg5[%get3A_226] {strides = array<i32>} : memref<256xi32, #tpu.memory_space<vmem>>, vector<16xi32>,
      %get3A_228 = vector.shape_cast %get3A_227 : vector<16xi32> to vector<16xi32>
      %slice3A_229 = vector.extract_strided_slice %get3A_228 {offsets = [0], sizes = [1], strides = [1]} : vector<16xi32> to vector<1xi32>
      %squeeze3A_230 = vector.extract %slice3A_229[0] : i32 from vector<1xi32>
      %mul3A_231 = arith.constant 16 : i32
      %mul3A_232 = arith.muli %while3A_223, %mul3A_231 : i32
      %add3A_233 = arith.constant 0 : i32
      %add3A_234 = arith.addi %mul3A_232, %add3A_233 : i32
      %swap3A = arith.index_cast %add3A_234 : i32 to index
      %swap3A_235 = memref.load %arg9[%swap3A] : memref<256xi32, #tpu.memory_space<smem>>
      memref.store %squeeze3A_230, %arg9[%swap3A] : memref<256xi32, #tpu.memory_space<smem>>
      %slice3A_236 = vector.extract_strided_slice %get3A_228 {offsets = [1], sizes = [1], strides = [1]} : vector<16xi32> to vector<1xi32>
      %squeeze3A_237 = vector.extract %slice3A_236[0] : i32 from vector<1xi32>
      %mul3A_238 = arith.constant 16 : i32
      %mul3A_239 = arith.muli %while3A_223, %mul3A_238 : i32
      %add3A_240 = arith.constant 1 : i32
      %add3A_241 = arith.addi %mul3A_239, %add3A_240 : i32
      %swap3A_242 = arith.index_cast %add3A_241 : i32 to index
      %swap3A_243 = memref.load %arg9[%swap3A_242] : memref<256xi32, #tpu.memory_space<smem>>
      memref.store %squeeze3A_237, %arg9[%swap3A_242] : memref<256xi32, #tpu.memory_space<smem>>
      %slice3A_244 = vector.extract_strided_slice %get3A_228 {offsets = [2], sizes = [1], strides = [1]} : vector<16xi32> to vector<1xi32>
      %squeeze3A_245 = vector.extract %slice3A_244[0] : i32 from vector<1xi32>
      %mul3A_246 = arith.constant 16 : i32
      %mul3A_247 = arith.muli %while3A_223, %mul3A_246 : i32
      %add3A_248 = arith.constant 2 : i32
      %add3A_249 = arith.addi %mul3A_247, %add3A_248 : i32
      %swap3A_250 = arith.index_cast %add3A_249 : i32 to index
      %swap3A_251 = memref.load %arg9[%swap3A_250] : memref<256xi32, #tpu.memory_space<smem>>
      memref.store %squeeze3A_245, %arg9[%swap3A_250] : memref<256xi32, #tpu.memory_space<smem>>
      %slice3A_252 = vector.extract_strided_slice %get3A_228 {offsets = [3], sizes = [1], strides = [1]} : vector<16xi32> to vector<1xi32>
      %squeeze3A_253 = vector.extract %slice3A_252[0] : i32 from vector<1xi32>
      %mul3A_254 = arith.constant 16 : i32
      %mul3A_255 = arith.muli %while3A_223, %mul3A_254 : i32
      %add3A_256 = arith.constant 3 : i32
      %add3A_257 = arith.addi %mul3A_255, %add3A_256 : i32
      %swap3A_258 = arith.index_cast %add3A_257 : i32 to index
      %swap3A_259 = memref.load %arg9[%swap3A_258] : memref<256xi32, #tpu.memory_space<smem>>
      memref.store %squeeze3A_253, %arg9[%swap3A_258] : memref<256xi32, #tpu.memory_space<smem>>
      %slice3A_260 = vector.extract_strided_slice %get3A_228 {offsets = [4], sizes = [1], strides = [1]} : vector<16xi32> to vector<1xi32>
      %squeeze3A_261 = vector.extract %slice3A_260[0] : i32 from vector<1xi32>
      %mul3A_262 = arith.constant 16 : i32
      %mul3A_263 = arith.muli %while3A_223, %mul3A_262 : i32
      %add3A_264 = arith.constant 4 : i32
      %add3A_265 = arith.addi %mul3A_263, %add3A_264 : i32
      %swap3A_266 = arith.index_cast %add3A_265 : i32 to index
      %swap3A_267 = memref.load %arg9[%swap3A_266] : memref<256xi32, #tpu.memory_space<smem>>
      memref.store %squeeze3A_261, %arg9[%swap3A_266] : memref<256xi32, #tpu.memory_space<smem>>
      %slice3A_268 = vector.extract_strided_slice %get3A_228 {offsets = [5], sizes = [1], strides = [1]} : vector<16xi32> to vector<1xi32>
      %squeeze3A_269 = vector.extract %slice3A_268[0] : i32 from vector<1xi32>
      %mul3A_270 = arith.constant 16 : i32
      %mul3A_271 = arith.muli %while3A_223, %mul3A_270 : i32
      %add3A_272 = arith.constant 5 : i32
      %add3A_273 = arith.addi %mul3A_271, %add3A_272 : i32
      %swap3A_274 = arith.index_cast %add3A_273 : i32 to index
      %swap3A_275 = memref.load %arg9[%swap3A_274] : memref<256xi32, #tpu.memory_space<smem>>
      memref.store %squeeze3A_269, %arg9[%swap3A_274] : memref<256xi32, #tpu.memory_space<smem>>
      %slice3A_276 = vector.extract_strided_slice %get3A_228 {offsets = [6], sizes = [1], strides = [1]} : vector<16xi32> to vector<1xi32>
      %squeeze3A_277 = vector.extract %slice3A_276[0] : i32 from vector<1xi32>
      %mul3A_278 = arith.constant 16 : i32
      %mul3A_279 = arith.muli %while3A_223, %mul3A_278 : i32
      %add3A_280 = arith.constant 6 : i32
      %add3A_281 = arith.addi %mul3A_279, %add3A_280 : i32
      %swap3A_282 = arith.index_cast %add3A_281 : i32 to index
      %swap3A_283 = memref.load %arg9[%swap3A_282] : memref<256xi32, #tpu.memory_space<smem>>
      memref.store %squeeze3A_277, %arg9[%swap3A_282] : memref<256xi32, #tpu.memory_space<smem>>
      %slice3A_284 = vector.extract_strided_slice %get3A_228 {offsets = [7], sizes = [1], strides = [1]} : vector<16xi32> to vector<1xi32>
      %squeeze3A_285 = vector.extract %slice3A_284[0] : i32 from vector<1xi32>
      %mul3A_286 = arith.constant 16 : i32
      %mul3A_287 = arith.muli %while3A_223, %mul3A_286 : i32
      %add3A_288 = arith.constant 7 : i32
      %add3A_289 = arith.addi %mul3A_287, %add3A_288 : i32
      %swap3A_290 = arith.index_cast %add3A_289 : i32 to index
      %swap3A_291 = memref.load %arg9[%swap3A_290] : memref<256xi32, #tpu.memory_space<smem>>
      memref.store %squeeze3A_285, %arg9[%swap3A_290] : memref<256xi32, #tpu.memory_space<smem>>
      %slice3A_292 = vector.extract_strided_slice %get3A_228 {offsets = [8], sizes = [1], strides = [1]} : vector<16xi32> to vector<1xi32>
      %squeeze3A_293 = vector.extract %slice3A_292[0] : i32 from vector<1xi32>
      %mul3A_294 = arith.constant 16 : i32
      %mul3A_295 = arith.muli %while3A_223, %mul3A_294 : i32
      %add3A_296 = arith.constant 8 : i32
      %add3A_297 = arith.addi %mul3A_295, %add3A_296 : i32
      %swap3A_298 = arith.index_cast %add3A_297 : i32 to index
      %swap3A_299 = memref.load %arg9[%swap3A_298] : memref<256xi32, #tpu.memory_space<smem>>
      memref.store %squeeze3A_293, %arg9[%swap3A_298] : memref<256xi32, #tpu.memory_space<smem>>
      %slice3A_300 = vector.extract_strided_slice %get3A_228 {offsets = [9], sizes = [1], strides = [1]} : vector<16xi32> to vector<1xi32>
      %squeeze3A_301 = vector.extract %slice3A_300[0] : i32 from vector<1xi32>
      %mul3A_302 = arith.constant 16 : i32
      %mul3A_303 = arith.muli %while3A_223, %mul3A_302 : i32
      %add3A_304 = arith.constant 9 : i32
      %add3A_305 = arith.addi %mul3A_303, %add3A_304 : i32
      %swap3A_306 = arith.index_cast %add3A_305 : i32 to index
      %swap3A_307 = memref.load %arg9[%swap3A_306] : memref<256xi32, #tpu.memory_space<smem>>
      memref.store %squeeze3A_301, %arg9[%swap3A_306] : memref<256xi32, #tpu.memory_space<smem>>
      %slice3A_308 = vector.extract_strided_slice %get3A_228 {offsets = [10], sizes = [1], strides = [1]} : vector<16xi32> to vector<1xi32>
      %squeeze3A_309 = vector.extract %slice3A_308[0] : i32 from vector<1xi32>
      %mul3A_310 = arith.constant 16 : i32
      %mul3A_311 = arith.muli %while3A_223, %mul3A_310 : i32
      %add3A_312 = arith.constant 10 : i32
      %add3A_313 = arith.addi %mul3A_311, %add3A_312 : i32
      %swap3A_314 = arith.index_cast %add3A_313 : i32 to index
      %swap3A_315 = memref.load %arg9[%swap3A_314] : memref<256xi32, #tpu.memory_space<smem>>
      memref.store %squeeze3A_309, %arg9[%swap3A_314] : memref<256xi32, #tpu.memory_space<smem>>
      %slice3A_316 = vector.extract_strided_slice %get3A_228 {offsets = [11], sizes = [1], strides = [1]} : vector<16xi32> to vector<1xi32>
      %squeeze3A_317 = vector.extract %slice3A_316[0] : i32 from vector<1xi32>
      %mul3A_318 = arith.constant 16 : i32
      %mul3A_319 = arith.muli %while3A_223, %mul3A_318 : i32
      %add3A_320 = arith.constant 11 : i32
      %add3A_321 = arith.addi %mul3A_319, %add3A_320 : i32
      %swap3A_322 = arith.index_cast %add3A_321 : i32 to index
      %swap3A_323 = memref.load %arg9[%swap3A_322] : memref<256xi32, #tpu.memory_space<smem>>
      memref.store %squeeze3A_317, %arg9[%swap3A_322] : memref<256xi32, #tpu.memory_space<smem>>
      %slice3A_324 = vector.extract_strided_slice %get3A_228 {offsets = [12], sizes = [1], strides = [1]} : vector<16xi32> to vector<1xi32>
      %squeeze3A_325 = vector.extract %slice3A_324[0] : i32 from vector<1xi32>
      %mul3A_326 = arith.constant 16 : i32
      %mul3A_327 = arith.muli %while3A_223, %mul3A_326 : i32
      %add3A_328 = arith.constant 12 : i32
      %add3A_329 = arith.addi %mul3A_327, %add3A_328 : i32
      %swap3A_330 = arith.index_cast %add3A_329 : i32 to index
      %swap3A_331 = memref.load %arg9[%swap3A_330] : memref<256xi32, #tpu.memory_space<smem>>
      memref.store %squeeze3A_325, %arg9[%swap3A_330] : memref<256xi32, #tpu.memory_space<smem>>
      %slice3A_332 = vector.extract_strided_slice %get3A_228 {offsets = [13], sizes = [1], strides = [1]} : vector<16xi32> to vector<1xi32>
      %squeeze3A_333 = vector.extract %slice3A_332[0] : i32 from vector<1xi32>
      %mul3A_334 = arith.constant 16 : i32
      %mul3A_335 = arith.muli %while3A_223, %mul3A_334 : i32
      %add3A_336 = arith.constant 13 : i32
      %add3A_337 = arith.addi %mul3A_335, %add3A_336 : i32
      %swap3A_338 = arith.index_cast %add3A_337 : i32 to index
      %swap3A_339 = memref.load %arg9[%swap3A_338] : memref<256xi32, #tpu.memory_space<smem>>
      memref.store %squeeze3A_333, %arg9[%swap3A_338] : memref<256xi32, #tpu.memory_space<smem>>
      %slice3A_340 = vector.extract_strided_slice %get3A_228 {offsets = [14], sizes = [1], strides = [1]} : vector<16xi32> to vector<1xi32>
      %squeeze3A_341 = vector.extract %slice3A_340[0] : i32 from vector<1xi32>
      %mul3A_342 = arith.constant 16 : i32
      %mul3A_343 = arith.muli %while3A_223, %mul3A_342 : i32
      %add3A_344 = arith.constant 14 : i32
      %add3A_345 = arith.addi %mul3A_343, %add3A_344 : i32
      %swap3A_346 = arith.index_cast %add3A_345 : i32 to index
      %swap3A_347 = memref.load %arg9[%swap3A_346] : memref<256xi32, #tpu.memory_space<smem>>
      memref.store %squeeze3A_341, %arg9[%swap3A_346] : memref<256xi32, #tpu.memory_space<smem>>
      %slice3A_348 = vector.extract_strided_slice %get3A_228 {offsets = [15], sizes = [1], strides = [1]} : vector<16xi32> to vector<1xi32>
      %squeeze3A_349 = vector.extract %slice3A_348[0] : i32 from vector<1xi32>
      %mul3A_350 = arith.constant 16 : i32
      %mul3A_351 = arith.muli %while3A_223, %mul3A_350 : i32
      %add3A_352 = arith.constant 15 : i32
      %add3A_353 = arith.addi %mul3A_351, %add3A_352 : i32
      %swap3A_354 = arith.index_cast %add3A_353 : i32 to index
      %swap3A_355 = memref.load %arg9[%swap3A_354] : memref<256xi32, #tpu.memory_space<smem>>
      memref.store %squeeze3A_349, %arg9[%swap3A_354] : memref<256xi32, #tpu.memory_space<smem>>
    }
    %while3A_148 = arith.constant 1 : i32
    scf.for %while3A_223 = %while3A_146 to %while3A_142 step %while3A_148  : i32 {
      %mul3A_224 = arith.constant 16 : i32
      %mul3A_225 = arith.muli %while3A_223, %mul3A_224 : i32
      %get3A_226 = arith.index_cast %mul3A_225 : i32 to index
      %get3A_227 = tpu.vector_load %arg5[%get3A_226] {strides = array<i32>} : memref<256xi32, #tpu.memory_space<vmem>>, vector<16xi32>,
      %get3A_228 = vector.shape_cast %get3A_227 : vector<16xi32> to vector<16xi32>
      %slice3A_229 = vector.extract_strided_slice %get3A_228 {offsets = [0], sizes = [1], strides = [1]} : vector<16xi32> to vector<1xi32>
      %squeeze3A_230 = vector.extract %slice3A_229[0] : i32 from vector<1xi32>
      %mul3A_231 = arith.constant 16 : i32
      %mul3A_232 = arith.muli %while3A_223, %mul3A_231 : i32
      %add3A_233 = arith.constant 0 : i32
      %add3A_234 = arith.addi %mul3A_232, %add3A_233 : i32
      %swap3A = arith.index_cast %add3A_234 : i32 to index
      %swap3A_235 = memref.load %arg9[%swap3A] : memref<256xi32, #tpu.memory_space<smem>>
      memref.store %squeeze3A_230, %arg9[%swap3A] : memref<256xi32, #tpu.memory_space<smem>>
      %slice3A_236 = vector.extract_strided_slice %get3A_228 {offsets = [1], sizes = [1], strides = [1]} : vector<16xi32> to vector<1xi32>
      %squeeze3A_237 = vector.extract %slice3A_236[0] : i32 from vector<1xi32>
      %mul3A_238 = arith.constant 16 : i32
      %mul3A_239 = arith.muli %while3A_223, %mul3A_238 : i32
      %add3A_240 = arith.constant 1 : i32
      %add3A_241 = arith.addi %mul3A_239, %add3A_240 : i32
      %swap3A_242 = arith.index_cast %add3A_241 : i32 to index
      %swap3A_243 = memref.load %arg9[%swap3A_242] : memref<256xi32, #tpu.memory_space<smem>>
      memref.store %squeeze3A_237, %arg9[%swap3A_242] : memref<256xi32, #tpu.memory_space<smem>>
      %slice3A_244 = vector.extract_strided_slice %get3A_228 {offsets = [2], sizes = [1], strides = [1]} : vector<16xi32> to vector<1xi32>
      %squeeze3A_245 = vector.extract %slice3A_244[0] : i32 from vector<1xi32>
      %mul3A_246 = arith.constant 16 : i32
      %mul3A_247 = arith.muli %while3A_223, %mul3A_246 : i32
      %add3A_248 = arith.constant 2 : i32
      %add3A_249 = arith.addi %mul3A_247, %add3A_248 : i32
      %swap3A_250 = arith.index_cast %add3A_249 : i32 to index
      %swap3A_251 = memref.load %arg9[%swap3A_250] : memref<256xi32, #tpu.memory_space<smem>>
      memref.store %squeeze3A_245, %arg9[%swap3A_250] : memref<256xi32, #tpu.memory_space<smem>>
      %slice3A_252 = vector.extract_strided_slice %get3A_228 {offsets = [3], sizes = [1], strides = [1]} : vector<16xi32> to vector<1xi32>
      %squeeze3A_253 = vector.extract %slice3A_252[0] : i32 from vector<1xi32>
      %mul3A_254 = arith.constant 16 : i32
      %mul3A_255 = arith.muli %while3A_223, %mul3A_254 : i32
      %add3A_256 = arith.constant 3 : i32
      %add3A_257 = arith.addi %mul3A_255, %add3A_256 : i32
      %swap3A_258 = arith.index_cast %add3A_257 : i32 to index
      %swap3A_259 = memref.load %arg9[%swap3A_258] : memref<256xi32, #tpu.memory_space<smem>>
      memref.store %squeeze3A_253, %arg9[%swap3A_258] : memref<256xi32, #tpu.memory_space<smem>>
      %slice3A_260 = vector.extract_strided_slice %get3A_228 {offsets = [4], sizes = [1], strides = [1]} : vector<16xi32> to vector<1xi32>
      %squeeze3A_261 = vector.extract %slice3A_260[0] : i32 from vector<1xi32>
      %mul3A_262 = arith.constant 16 : i32
      %mul3A_263 = arith.muli %while3A_223, %mul3A_262 : i32
      %add3A_264 = arith.constant 4 : i32
      %add3A_265 = arith.addi %mul3A_263, %add3A_264 : i32
      %swap3A_266 = arith.index_cast %add3A_265 : i32 to index
      %swap3A_267 = memref.load %arg9[%swap3A_266] : memref<256xi32, #tpu.memory_space<smem>>
      memref.store %squeeze3A_261, %arg9[%swap3A_266] : memref<256xi32, #tpu.memory_space<smem>>
      %slice3A_268 = vector.extract_strided_slice %get3A_228 {offsets = [5], sizes = [1], strides = [1]} : vector<16xi32> to vector<1xi32>
      %squeeze3A_269 = vector.extract %slice3A_268[0] : i32 from vector<1xi32>
      %mul3A_270 = arith.constant 16 : i32
      %mul3A_271 = arith.muli %while3A_223, %mul3A_270 : i32
      %add3A_272 = arith.constant 5 : i32
      %add3A_273 = arith.addi %mul3A_271, %add3A_272 : i32
      %swap3A_274 = arith.index_cast %add3A_273 : i32 to index
      %swap3A_275 = memref.load %arg9[%swap3A_274] : memref<256xi32, #tpu.memory_space<smem>>
      memref.store %squeeze3A_269, %arg9[%swap3A_274] : memref<256xi32, #tpu.memory_space<smem>>
      %slice3A_276 = vector.extract_strided_slice %get3A_228 {offsets = [6], sizes = [1], strides = [1]} : vector<16xi32> to vector<1xi32>
      %squeeze3A_277 = vector.extract %slice3A_276[0] : i32 from vector<1xi32>
      %mul3A_278 = arith.constant 16 : i32
      %mul3A_279 = arith.muli %while3A_223, %mul3A_278 : i32
      %add3A_280 = arith.constant 6 : i32
      %add3A_281 = arith.addi %mul3A_279, %add3A_280 : i32
      %swap3A_282 = arith.index_cast %add3A_281 : i32 to index
      %swap3A_283 = memref.load %arg9[%swap3A_282] : memref<256xi32, #tpu.memory_space<smem>>
      memref.store %squeeze3A_277, %arg9[%swap3A_282] : memref<256xi32, #tpu.memory_space<smem>>
      %slice3A_284 = vector.extract_strided_slice %get3A_228 {offsets = [7], sizes = [1], strides = [1]} : vector<16xi32> to vector<1xi32>
      %squeeze3A_285 = vector.extract %slice3A_284[0] : i32 from vector<1xi32>
      %mul3A_286 = arith.constant 16 : i32
      %mul3A_287 = arith.muli %while3A_223, %mul3A_286 : i32
      %add3A_288 = arith.constant 7 : i32
      %add3A_289 = arith.addi %mul3A_287, %add3A_288 : i32
      %swap3A_290 = arith.index_cast %add3A_289 : i32 to index
      %swap3A_291 = memref.load %arg9[%swap3A_290] : memref<256xi32, #tpu.memory_space<smem>>
      memref.store %squeeze3A_285, %arg9[%swap3A_290] : memref<256xi32, #tpu.memory_space<smem>>
      %slice3A_292 = vector.extract_strided_slice %get3A_228 {offsets = [8], sizes = [1], strides = [1]} : vector<16xi32> to vector<1xi32>
      %squeeze3A_293 = vector.extract %slice3A_292[0] : i32 from vector<1xi32>
      %mul3A_294 = arith.constant 16 : i32
      %mul3A_295 = arith.muli %while3A_223, %mul3A_294 : i32
      %add3A_296 = arith.constant 8 : i32
      %add3A_297 = arith.addi %mul3A_295, %add3A_296 : i32
      %swap3A_298 = arith.index_cast %add3A_297 : i32 to index
      %swap3A_299 = memref.load %arg9[%swap3A_298] : memref<256xi32, #tpu.memory_space<smem>>
      memref.store %squeeze3A_293, %arg9[%swap3A_298] : memref<256xi32, #tpu.memory_space<smem>>
      %slice3A_300 = vector.extract_strided_slice %get3A_228 {offsets = [9], sizes = [1], strides = [1]} : vector<16xi32> to vector<1xi32>
      %squeeze3A_301 = vector.extract %slice3A_300[0] : i32 from vector<1xi32>
      %mul3A_302 = arith.constant 16 : i32
      %mul3A_303 = arith.muli %while3A_223, %mul3A_302 : i32
      %add3A_304 = arith.constant 9 : i32
      %add3A_305 = arith.addi %mul3A_303, %add3A_304 : i32
      %swap3A_306 = arith.index_cast %add3A_305 : i32 to index
      %swap3A_307 = memref.load %arg9[%swap3A_306] : memref<256xi32, #tpu.memory_space<smem>>
      memref.store %squeeze3A_301, %arg9[%swap3A_306] : memref<256xi32, #tpu.memory_space<smem>>
      %slice3A_308 = vector.extract_strided_slice %get3A_228 {offsets = [10], sizes = [1], strides = [1]} : vector<16xi32> to vector<1xi32>
      %squeeze3A_309 = vector.extract %slice3A_308[0] : i32 from vector<1xi32>
      %mul3A_310 = arith.constant 16 : i32
      %mul3A_311 = arith.muli %while3A_223, %mul3A_310 : i32
      %add3A_312 = arith.constant 10 : i32
      %add3A_313 = arith.addi %mul3A_311, %add3A_312 : i32
      %swap3A_314 = arith.index_cast %add3A_313 : i32 to index
      %swap3A_315 = memref.load %arg9[%swap3A_314] : memref<256xi32, #tpu.memory_space<smem>>
      memref.store %squeeze3A_309, %arg9[%swap3A_314] : memref<256xi32, #tpu.memory_space<smem>>
      %slice3A_316 = vector.extract_strided_slice %get3A_228 {offsets = [11], sizes = [1], strides = [1]} : vector<16xi32> to vector<1xi32>
      %squeeze3A_317 = vector.extract %slice3A_316[0] : i32 from vector<1xi32>
      %mul3A_318 = arith.constant 16 : i32
      %mul3A_319 = arith.muli %while3A_223, %mul3A_318 : i32
      %add3A_320 = arith.constant 11 : i32
      %add3A_321 = arith.addi %mul3A_319, %add3A_320 : i32
      %swap3A_322 = arith.index_cast %add3A_321 : i32 to index
      %swap3A_323 = memref.load %arg9[%swap3A_322] : memref<256xi32, #tpu.memory_space<smem>>
      memref.store %squeeze3A_317, %arg9[%swap3A_322] : memref<256xi32, #tpu.memory_space<smem>>
      %slice3A_324 = vector.extract_strided_slice %get3A_228 {offsets = [12], sizes = [1], strides = [1]} : vector<16xi32> to vector<1xi32>
      %squeeze3A_325 = vector.extract %slice3A_324[0] : i32 from vector<1xi32>
      %mul3A_326 = arith.constant 16 : i32
      %mul3A_327 = arith.muli %while3A_223, %mul3A_326 : i32
      %add3A_328 = arith.constant 12 : i32
      %add3A_329 = arith.addi %mul3A_327, %add3A_328 : i32
      %swap3A_330 = arith.index_cast %add3A_329 : i32 to index
      %swap3A_331 = memref.load %arg9[%swap3A_330] : memref<256xi32, #tpu.memory_space<smem>>
      memref.store %squeeze3A_325, %arg9[%swap3A_330] : memref<256xi32, #tpu.memory_space<smem>>
      %slice3A_332 = vector.extract_strided_slice %get3A_228 {offsets = [13], sizes = [1], strides = [1]} : vector<16xi32> to vector<1xi32>
      %squeeze3A_333 = vector.extract %slice3A_332[0] : i32 from vector<1xi32>
      %mul3A_334 = arith.constant 16 : i32
      %mul3A_335 = arith.muli %while3A_223, %mul3A_334 : i32
      %add3A_336 = arith.constant 13 : i32
      %add3A_337 = arith.addi %mul3A_335, %add3A_336 : i32
      %swap3A_338 = arith.index_cast %add3A_337 : i32 to index
      %swap3A_339 = memref.load %arg9[%swap3A_338] : memref<256xi32, #tpu.memory_space<smem>>
      memref.store %squeeze3A_333, %arg9[%swap3A_338] : memref<256xi32, #tpu.memory_space<smem>>
      %slice3A_340 = vector.extract_strided_slice %get3A_228 {offsets = [14], sizes = [1], strides = [1]} : vector<16xi32> to vector<1xi32>
      %squeeze3A_341 = vector.extract %slice3A_340[0] : i32 from vector<1xi32>
      %mul3A_342 = arith.constant 16 : i32
      %mul3A_343 = arith.muli %while3A_223, %mul3A_342 : i32
      %add3A_344 = arith.constant 14 : i32
      %add3A_345 = arith.addi %mul3A_343, %add3A_344 : i32
      %swap3A_346 = arith.index_cast %add3A_345 : i32 to index
      %swap3A_347 = memref.load %arg9[%swap3A_346] : memref<256xi32, #tpu.memory_space<smem>>
      memref.store %squeeze3A_341, %arg9[%swap3A_346] : memref<256xi32, #tpu.memory_space<smem>>
      %slice3A_348 = vector.extract_strided_slice %get3A_228 {offsets = [15], sizes = [1], strides = [1]} : vector<16xi32> to vector<1xi32>
      %squeeze3A_349 = vector.extract %slice3A_348[0] : i32 from vector<1xi32>
      %mul3A_350 = arith.constant 16 : i32
      %mul3A_351 = arith.muli %while3A_223, %mul3A_350 : i32
      %add3A_352 = arith.constant 15 : i32
      %add3A_353 = arith.addi %mul3A_351, %add3A_352 : i32
      %swap3A_354 = arith.index_cast %add3A_353 : i32 to index
      %swap3A_355 = memref.load %arg9[%swap3A_354] : memref<256xi32, #tpu.memory_space<smem>>
      memref.store %squeeze3A_349, %arg9[%swap3A_354] : memref<256xi32, #tpu.memory_space<smem>>
    }
    %scan3A = arith.constant 0 : i32
    %scan3A_149 = arith.constant 0 : i32
    %scan3A_150 = arith.constant 14 : i32
    %scan3A_151 = arith.addi %scan3A_149, %scan3A_150 : i32
    %scan3A_152 = arith.constant 1 : i32
    scf.for %scan3A_223 = %scan3A_149 to %scan3A_151 step %scan3A_152  : i32 {
      %swap3A = arith.index_cast %scan3A_223 : i32 to index
      %swap3A_224 = memref.load %arg10[%swap3A] : memref<14xi32, #tpu.memory_space<smem>>
      memref.store %mul3A_4, %arg10[%swap3A] : memref<14xi32, #tpu.memory_space<smem>>
    }
    %scan3A_153 = arith.constant 14 : i32
    %while3A_154 = arith.constant 0 : i32
    %while3A_155 = arith.subi %add3A, %mul3A_4 : i32
    %while3A_156 = arith.addi %mul3A_4, %while3A_155 : i32
    %while3A_157 = arith.constant 1 : i32
    %while3A_158 = arith.divsi %while3A_155, %while3A_157 : i32
    %while3A_159 = arith.muli %while3A_158, %while3A_157 : i32
    %while3A_160 = arith.addi %mul3A_4, %while3A_159 : i32
    %while3A_161 = arith.constant 1 : i32
    scf.for %while3A_223 = %mul3A_4 to %while3A_160 step %while3A_161  : i32 {
      %get3A_224 = arith.index_cast %while3A_223 : i32 to index
      %get3A_225 = memref.load %arg9[%get3A_224] : memref<256xi32, #tpu.memory_space<smem>>
      %add3A_226 = arith.addi %mul3A_0, %get3A_225 : i32
      %sub3A_227 = arith.subi %add3A_226, %mul3A_35 : i32
      %jit3A_228 = arith.constant 384 : i32
      %div3A_229 = arith.divsi %sub3A_227, %jit3A_228 : i32
      %sign3A_230 = arith.constant 0 : i32
      %sign3A_231 = arith.cmpi sgt, %sub3A_227, %sign3A_230 : i32
      %sign3A_232 = arith.extui %sign3A_231 : i1 to i32
      %sign3A_233 = arith.constant 0 : i32
      %sign3A_234 = arith.cmpi slt, %sub3A_227, %sign3A_233 : i32
      %sign3A_235 = arith.extui %sign3A_234 : i1 to i32
      %sign3A_236 = arith.subi %sign3A_232, %sign3A_235 : i32
      %sign3A_237 = arith.constant 0 : i32
      %sign3A_238 = arith.cmpi sgt, %jit3A_228, %sign3A_237 : i32
      %sign3A_239 = arith.extui %sign3A_238 : i1 to i32
      %sign3A_240 = arith.constant 0 : i32
      %sign3A_241 = arith.cmpi slt, %jit3A_228, %sign3A_240 : i32
      %sign3A_242 = arith.extui %sign3A_241 : i1 to i32
      %sign3A_243 = arith.subi %sign3A_239, %sign3A_242 : i32
      %ne3A_244 = arith.cmpi ne, %sign3A_236, %sign3A_243 : i32
      %rem3A_245 = arith.remsi %sub3A_227, %jit3A_228 : i32
      %ne3A_246 = arith.constant 0 : i32
      %ne3A_247 = arith.cmpi ne, %rem3A_245, %ne3A_246 : i32
      %and3A_248 = arith.andi %ne3A_244, %ne3A_247 : i1
      %sub3A_249 = arith.constant 1 : i32
      %sub3A_250 = arith.subi %div3A_229, %sub3A_249 : i32
      %select_n3A_251 = arith.select %and3A_248, %sub3A_250, %div3A_229 : i32
      %jit3A_252 = arith.constant 0 : i32
      %jit3A_253 = arith.constant 13 : i32
      %max3A = arith.maxsi %jit3A_252, %select_n3A_251 : i32
      %min3A = arith.minsi %jit3A_253, %max3A : i32
      %swap3A = arith.index_cast %min3A : i32 to index
      %swap3A_254 = memref.load %arg10[%swap3A] : memref<14xi32, #tpu.memory_space<smem>>
      memref.store %while3A_223, %arg10[%swap3A] : memref<14xi32, #tpu.memory_space<smem>>
    }
    %while3A_162 = arith.constant 1 : i32
    scf.for %while3A_223 = %while3A_160 to %while3A_156 step %while3A_162  : i32 {
      %get3A_224 = arith.index_cast %while3A_223 : i32 to index
      %get3A_225 = memref.load %arg9[%get3A_224] : memref<256xi32, #tpu.memory_space<smem>>
      %add3A_226 = arith.addi %mul3A_0, %get3A_225 : i32
      %sub3A_227 = arith.subi %add3A_226, %mul3A_35 : i32
      %jit3A_228 = arith.constant 384 : i32
      %div3A_229 = arith.divsi %sub3A_227, %jit3A_228 : i32
      %sign3A_230 = arith.constant 0 : i32
      %sign3A_231 = arith.cmpi sgt, %sub3A_227, %sign3A_230 : i32
      %sign3A_232 = arith.extui %sign3A_231 : i1 to i32
      %sign3A_233 = arith.constant 0 : i32
      %sign3A_234 = arith.cmpi slt, %sub3A_227, %sign3A_233 : i32
      %sign3A_235 = arith.extui %sign3A_234 : i1 to i32
      %sign3A_236 = arith.subi %sign3A_232, %sign3A_235 : i32
      %sign3A_237 = arith.constant 0 : i32
      %sign3A_238 = arith.cmpi sgt, %jit3A_228, %sign3A_237 : i32
      %sign3A_239 = arith.extui %sign3A_238 : i1 to i32
      %sign3A_240 = arith.constant 0 : i32
      %sign3A_241 = arith.cmpi slt, %jit3A_228, %sign3A_240 : i32
      %sign3A_242 = arith.extui %sign3A_241 : i1 to i32
      %sign3A_243 = arith.subi %sign3A_239, %sign3A_242 : i32
      %ne3A_244 = arith.cmpi ne, %sign3A_236, %sign3A_243 : i32
      %rem3A_245 = arith.remsi %sub3A_227, %jit3A_228 : i32
      %ne3A_246 = arith.constant 0 : i32
      %ne3A_247 = arith.cmpi ne, %rem3A_245, %ne3A_246 : i32
      %and3A_248 = arith.andi %ne3A_244, %ne3A_247 : i1
      %sub3A_249 = arith.constant 1 : i32
      %sub3A_250 = arith.subi %div3A_229, %sub3A_249 : i32
      %select_n3A_251 = arith.select %and3A_248, %sub3A_250, %div3A_229 : i32
      %jit3A_252 = arith.constant 0 : i32
      %jit3A_253 = arith.constant 13 : i32
      %max3A = arith.maxsi %jit3A_252, %select_n3A_251 : i32
      %min3A = arith.minsi %jit3A_253, %max3A : i32
      %swap3A = arith.index_cast %min3A : i32 to index
      %swap3A_254 = memref.load %arg10[%swap3A] : memref<14xi32, #tpu.memory_space<smem>>
      memref.store %while3A_223, %arg10[%swap3A] : memref<14xi32, #tpu.memory_space<smem>>
    }
    %scan3A_163 = arith.constant 0 : i32
    %scan3A_164 = arith.constant 1 : i32
    %scan3A_165 = arith.constant 13 : i32
    %scan3A_166 = arith.addi %scan3A_164, %scan3A_165 : i32
    %scan3A_167 = arith.constant 1 : i32
    scf.for %scan3A_223 = %scan3A_164 to %scan3A_166 step %scan3A_167  : i32 {
      %sub3A_224 = arith.constant 1 : i32
      %sub3A_225 = arith.subi %scan3A_223, %sub3A_224 : i32
      %get3A_226 = arith.index_cast %sub3A_225 : i32 to index
      %get3A_227 = memref.load %arg10[%get3A_226] : memref<14xi32, #tpu.memory_space<smem>>
      %get3A_228 = arith.index_cast %scan3A_223 : i32 to index
      %get3A_229 = memref.load %arg10[%get3A_228] : memref<14xi32, #tpu.memory_space<smem>>
      %max3A = arith.maxsi %get3A_227, %get3A_229 : i32
      %swap3A = arith.index_cast %scan3A_223 : i32 to index
      %swap3A_230 = memref.load %arg10[%swap3A] : memref<14xi32, #tpu.memory_space<smem>>
      memref.store %max3A, %arg10[%swap3A] : memref<14xi32, #tpu.memory_space<smem>>
    }
    %scan3A_168 = arith.constant 13 : i32
    %scan3A_169 = arith.constant 0 : i32
    %scan3A_170 = arith.constant 0 : i32
    %scan3A_171 = arith.constant 128 : i32
    %scan3A_172 = arith.addi %scan3A_170, %scan3A_171 : i32
    %scan3A_173 = arith.constant 1 : i32
    scf.for %scan3A_223 = %scan3A_170 to %scan3A_172 step %scan3A_173  : i32 {
      %broadcast_in_dim3A = arith.constant 0.000000e+00 : f32
      %broadcast_in_dim3A_224 = vector.broadcast %broadcast_in_dim3A : f32 to vector<16xf32>
      %swap3A = arith.index_cast %scan3A_223 : i32 to index
      %swap3A_225 = arith.constant 0 : index
      %swap3A_226 = tpu.vector_load %arg8[%swap3A, %swap3A_225] {strides = array<i32>} : memref<128x128xf32, #tpu.memory_space<vmem>>, vector<1x16xf32>,
      %swap3A_227 = vector.shape_cast %swap3A_226 : vector<1x16xf32> to vector<16xf32>
      %swap3A_228 = vector.shape_cast %broadcast_in_dim3A_224 : vector<16xf32> to vector<1x16xf32>
      tpu.vector_store %arg8[%swap3A, %swap3A_225], %swap3A_228 {strides = array<i32>} : memref<128x128xf32, #tpu.memory_space<vmem>>, vector<1x16xf32>,
      %swap3A_229 = arith.index_cast %scan3A_223 : i32 to index
      %swap3A_230 = arith.constant 16 : index
      %swap3A_231 = tpu.vector_load %arg8[%swap3A_229, %swap3A_230] {strides = array<i32>} : memref<128x128xf32, #tpu.memory_space<vmem>>, vector<1x16xf32>,
      %swap3A_232 = vector.shape_cast %swap3A_231 : vector<1x16xf32> to vector<16xf32>
      %swap3A_233 = vector.shape_cast %broadcast_in_dim3A_224 : vector<16xf32> to vector<1x16xf32>
      tpu.vector_store %arg8[%swap3A_229, %swap3A_230], %swap3A_233 {strides = array<i32>} : memref<128x128xf32, #tpu.memory_space<vmem>>, vector<1x16xf32>,
      %swap3A_234 = arith.index_cast %scan3A_223 : i32 to index
      %swap3A_235 = arith.constant 32 : index
      %swap3A_236 = tpu.vector_load %arg8[%swap3A_234, %swap3A_235] {strides = array<i32>} : memref<128x128xf32, #tpu.memory_space<vmem>>, vector<1x16xf32>,
      %swap3A_237 = vector.shape_cast %swap3A_236 : vector<1x16xf32> to vector<16xf32>
      %swap3A_238 = vector.shape_cast %broadcast_in_dim3A_224 : vector<16xf32> to vector<1x16xf32>
      tpu.vector_store %arg8[%swap3A_234, %swap3A_235], %swap3A_238 {strides = array<i32>} : memref<128x128xf32, #tpu.memory_space<vmem>>, vector<1x16xf32>,
      %swap3A_239 = arith.index_cast %scan3A_223 : i32 to index
      %swap3A_240 = arith.constant 48 : index
      %swap3A_241 = tpu.vector_load %arg8[%swap3A_239, %swap3A_240] {strides = array<i32>} : memref<128x128xf32, #tpu.memory_space<vmem>>, vector<1x16xf32>,
      %swap3A_242 = vector.shape_cast %swap3A_241 : vector<1x16xf32> to vector<16xf32>
      %swap3A_243 = vector.shape_cast %broadcast_in_dim3A_224 : vector<16xf32> to vector<1x16xf32>
      tpu.vector_store %arg8[%swap3A_239, %swap3A_240], %swap3A_243 {strides = array<i32>} : memref<128x128xf32, #tpu.memory_space<vmem>>, vector<1x16xf32>,
      %swap3A_244 = arith.index_cast %scan3A_223 : i32 to index
      %swap3A_245 = arith.constant 64 : index
      %swap3A_246 = tpu.vector_load %arg8[%swap3A_244, %swap3A_245] {strides = array<i32>} : memref<128x128xf32, #tpu.memory_space<vmem>>, vector<1x16xf32>,
      %swap3A_247 = vector.shape_cast %swap3A_246 : vector<1x16xf32> to vector<16xf32>
      %swap3A_248 = vector.shape_cast %broadcast_in_dim3A_224 : vector<16xf32> to vector<1x16xf32>
      tpu.vector_store %arg8[%swap3A_244, %swap3A_245], %swap3A_248 {strides = array<i32>} : memref<128x128xf32, #tpu.memory_space<vmem>>, vector<1x16xf32>,
      %swap3A_249 = arith.index_cast %scan3A_223 : i32 to index
      %swap3A_250 = arith.constant 80 : index
      %swap3A_251 = tpu.vector_load %arg8[%swap3A_249, %swap3A_250] {strides = array<i32>} : memref<128x128xf32, #tpu.memory_space<vmem>>, vector<1x16xf32>,
      %swap3A_252 = vector.shape_cast %swap3A_251 : vector<1x16xf32> to vector<16xf32>
      %swap3A_253 = vector.shape_cast %broadcast_in_dim3A_224 : vector<16xf32> to vector<1x16xf32>
      tpu.vector_store %arg8[%swap3A_249, %swap3A_250], %swap3A_253 {strides = array<i32>} : memref<128x128xf32, #tpu.memory_space<vmem>>, vector<1x16xf32>,
      %swap3A_254 = arith.index_cast %scan3A_223 : i32 to index
      %swap3A_255 = arith.constant 96 : index
      %swap3A_256 = tpu.vector_load %arg8[%swap3A_254, %swap3A_255] {strides = array<i32>} : memref<128x128xf32, #tpu.memory_space<vmem>>, vector<1x16xf32>,
      %swap3A_257 = vector.shape_cast %swap3A_256 : vector<1x16xf32> to vector<16xf32>
      %swap3A_258 = vector.shape_cast %broadcast_in_dim3A_224 : vector<16xf32> to vector<1x16xf32>
      tpu.vector_store %arg8[%swap3A_254, %swap3A_255], %swap3A_258 {strides = array<i32>} : memref<128x128xf32, #tpu.memory_space<vmem>>, vector<1x16xf32>,
      %swap3A_259 = arith.index_cast %scan3A_223 : i32 to index
      %swap3A_260 = arith.constant 112 : index
      %swap3A_261 = tpu.vector_load %arg8[%swap3A_259, %swap3A_260] {strides = array<i32>} : memref<128x128xf32, #tpu.memory_space<vmem>>, vector<1x16xf32>,
      %swap3A_262 = vector.shape_cast %swap3A_261 : vector<1x16xf32> to vector<16xf32>
      %swap3A_263 = vector.shape_cast %broadcast_in_dim3A_224 : vector<16xf32> to vector<1x16xf32>
      tpu.vector_store %arg8[%swap3A_259, %swap3A_260], %swap3A_263 {strides = array<i32>} : memref<128x128xf32, #tpu.memory_space<vmem>>, vector<1x16xf32>,
    }
    %scan3A_174 = arith.constant 128 : i32
    %while3A_175 = arith.constant 0 : i32
    %while3A_176 = arith.subi %select_n3A_88, %while3A_175 : i32
    %while3A_177 = arith.addi %while3A_175, %while3A_176 : i32
    %while3A_178 = arith.constant 1 : i32
    %while3A_179 = arith.divsi %while3A_176, %while3A_178 : i32
    %while3A_180 = arith.muli %while3A_179, %while3A_178 : i32
    %while3A_181 = arith.addi %while3A_175, %while3A_180 : i32
    %while3A_182 = arith.constant 1 : i32
    %while3A_183 = scf.for %while3A_223 = %while3A_175 to %while3A_181 step %while3A_182 iter_args(%while3A_224 = %mul3A_4) -> (i32)  : i32 {
      %mul3A_225 = arith.constant 2 : i32
      %mul3A_226 = arith.muli %mul3A_225, %while3A_223 : i32
      %add3A_227 = arith.constant 1 : i32
      %add3A_228 = arith.addi %mul3A_226, %add3A_227 : i32
      %mul3A_229 = arith.constant 384 : i32
      %mul3A_230 = arith.muli %add3A_228, %mul3A_229 : i32
      %add3A_231 = arith.addi %mul3A_35, %mul3A_230 : i32
      %jit3A_232 = arith.constant 0 : i32
      %jit3A_233 = arith.constant 65152 : i32
      %max3A = arith.maxsi %jit3A_232, %add3A_231 : i32
      %min3A = arith.minsi %jit3A_233, %max3A : i32
      %multiple_of3A = tpu.assume_multiple %min3A, 8 : i32
      %dma_start3A = arith.constant 0 : i32
      %dma_start3A_234 = tpu.memref_slice %arg2[%multiple_of3A, %dma_start3A] : memref<65536x128xf32, #tpu.memory_space<hbm>> -> memref<384x128xf32, #tpu.memory_space<hbm>>
      %dma_start3A_235 = arith.constant 0 : i32
      %dma_start3A_236 = tpu.memref_slice %arg2[%multiple_of3A, %dma_start3A_235] : memref<65536x128xf32, #tpu.memory_space<hbm>> -> memref<384x128xf32, #tpu.memory_space<hbm>>
      tpu.enqueue_dma source(%dma_start3A_236 : memref<384x128xf32, #tpu.memory_space<hbm>>) target(%arg7 : memref<384x128xf32, #tpu.memory_space<vmem>>) target_semaphore(%arg12 : memref<!tpu.dma_semaphore, #tpu.memory_space<semaphore_mem>>)
      %mul3A_237 = arith.constant 384 : i32
      %mul3A_238 = arith.muli %mul3A_226, %mul3A_237 : i32
      %add3A_239 = arith.addi %mul3A_35, %mul3A_238 : i32
      %jit3A_240 = arith.constant 0 : i32
      %jit3A_241 = arith.constant 65152 : i32
      %max3A_242 = arith.maxsi %jit3A_240, %add3A_239 : i32
      %min3A_243 = arith.minsi %jit3A_241, %max3A_242 : i32
      %multiple_of3A_244 = tpu.assume_multiple %min3A_243, 8 : i32
      %dma_wait3A = arith.constant 0 : i32
      %dma_wait3A_245 = tpu.memref_slice %arg2[%multiple_of3A_244, %dma_wait3A] : memref<65536x128xf32, #tpu.memory_space<hbm>> -> memref<384x128xf32, #tpu.memory_space<hbm>>
      %dma_wait3A_246 = arith.constant 0 : i32
      %dma_wait3A_247 = tpu.memref_slice %arg2[%multiple_of3A_244, %dma_wait3A_246] : memref<65536x128xf32, #tpu.memory_space<hbm>> -> memref<384x128xf32, #tpu.memory_space<hbm>>
      tpu.wait_dma2 semaphore(%arg11 : memref<!tpu.dma_semaphore, #tpu.memory_space<semaphore_mem>>) src(%dma_wait3A_247 : memref<384x128xf32, #tpu.memory_space<hbm>>) dst(%arg6 : memref<384x128xf32, #tpu.memory_space<vmem>>)
      %mul3A_248 = arith.constant 384 : i32
      %mul3A_249 = arith.muli %mul3A_226, %mul3A_248 : i32
      %add3A_250 = arith.addi %mul3A_35, %mul3A_249 : i32
      %jit3A_251 = arith.constant 0 : i32
      %jit3A_252 = arith.constant 65152 : i32
      %max3A_253 = arith.maxsi %jit3A_251, %add3A_250 : i32
      %min3A_254 = arith.minsi %jit3A_252, %max3A_253 : i32
      %multiple_of3A_255 = tpu.assume_multiple %min3A_254, 8 : i32
      %add3A_256 = arith.constant 384 : i32
      %add3A_257 = arith.addi %add3A_250, %add3A_256 : i32
      %min3A_258 = arith.minsi %add3A_257, %add3A_16 : i32
      %jit3A_259 = arith.constant 0 : i32
      %jit3A_260 = arith.constant 13 : i32
      %max3A_261 = arith.maxsi %jit3A_259, %mul3A_226 : i32
      %min3A_262 = arith.minsi %jit3A_260, %max3A_261 : i32
      %get3A_263 = arith.index_cast %min3A_262 : i32 to index
      %get3A_264 = memref.load %arg10[%get3A_263] : memref<14xi32, #tpu.memory_space<smem>>
      %add3A_265 = arith.constant 1 : i32
      %add3A_266 = arith.addi %get3A_264, %add3A_265 : i32
      %while3A_267 = arith.subi %add3A_266, %while3A_224 : i32
      %while3A_268 = arith.addi %while3A_224, %while3A_267 : i32
      %while3A_269 = arith.constant 1 : i32
      %while3A_270 = arith.divsi %while3A_267, %while3A_269 : i32
      %while3A_271 = arith.muli %while3A_270, %while3A_269 : i32
      %while3A_272 = arith.addi %while3A_224, %while3A_271 : i32
      %while3A_273 = arith.constant 1 : i32
      %while3A_274 = scf.for %while3A_328 = %while3A_224 to %while3A_272 step %while3A_273 iter_args(%while3A_329 = %while3A_224) -> (i32)  : i32 {
        %get3A_330 = arith.index_cast %while3A_328 : i32 to index
        %get3A_331 = memref.load %arg9[%get3A_330] : memref<256xi32, #tpu.memory_space<smem>>
        %add3A_332 = arith.addi %mul3A_0, %get3A_331 : i32
        %add3A_333 = arith.constant 1 : i32
        %add3A_334 = arith.addi %while3A_328, %add3A_333 : i32
        %get3A_335 = arith.index_cast %add3A_334 : i32 to index
        %get3A_336 = memref.load %arg9[%get3A_335] : memref<256xi32, #tpu.memory_space<smem>>
        %add3A_337 = arith.addi %mul3A_0, %get3A_336 : i32
        %max3A_338 = arith.maxsi %add3A_332, %add3A_250 : i32
        %min3A_339 = arith.minsi %add3A_337, %min3A_258 : i32
        %sub3A_340 = arith.subi %while3A_328, %mul3A_4 : i32
        %broadcast_in_dim3A = arith.constant 0.000000e+00 : f32
        %broadcast_in_dim3A_341 = vector.broadcast %broadcast_in_dim3A : f32 to vector<16xf32>
        %broadcast_in_dim3A_342 = arith.constant 0.000000e+00 : f32
        %broadcast_in_dim3A_343 = vector.broadcast %broadcast_in_dim3A_342 : f32 to vector<16xf32>
        %broadcast_in_dim3A_344 = arith.constant 0.000000e+00 : f32
        %broadcast_in_dim3A_345 = vector.broadcast %broadcast_in_dim3A_344 : f32 to vector<16xf32>
        %broadcast_in_dim3A_346 = arith.constant 0.000000e+00 : f32
        %broadcast_in_dim3A_347 = vector.broadcast %broadcast_in_dim3A_346 : f32 to vector<16xf32>
        %broadcast_in_dim3A_348 = arith.constant 0.000000e+00 : f32
        %broadcast_in_dim3A_349 = vector.broadcast %broadcast_in_dim3A_348 : f32 to vector<16xf32>
        %broadcast_in_dim3A_350 = arith.constant 0.000000e+00 : f32
        %broadcast_in_dim3A_351 = vector.broadcast %broadcast_in_dim3A_350 : f32 to vector<16xf32>
        %broadcast_in_dim3A_352 = arith.constant 0.000000e+00 : f32
        %broadcast_in_dim3A_353 = vector.broadcast %broadcast_in_dim3A_352 : f32 to vector<16xf32>
        %broadcast_in_dim3A_354 = arith.constant 0.000000e+00 : f32
        %broadcast_in_dim3A_355 = vector.broadcast %broadcast_in_dim3A_354 : f32 to vector<16xf32>
        %parallel_loop3A = arith.constant 1 : i32
        %parallel_loop3A_356:8 = scf.for %parallel_loop3A_400 = %max3A_338 to %min3A_339 step %parallel_loop3A iter_args(%parallel_loop3A_401 = %broadcast_in_dim3A_341, %parallel_loop3A_402 = %broadcast_in_dim3A_343, %parallel_loop3A_403 = %broadcast_in_dim3A_345, %parallel_loop3A_404 = %broadcast_in_dim3A_347, %parallel_loop3A_405 = %broadcast_in_dim3A_349, %parallel_loop3A_406 = %broadcast_in_dim3A_351, %parallel_loop3A_407 = %broadcast_in_dim3A_353, %parallel_loop3A_408 = %broadcast_in_dim3A_355) -> (vector<16xf32>, vector<16xf32>, vector<16xf32>, vector<16xf32>, vector<16xf32>, vector<16xf32>, vector<16xf32>, vector<16xf32>)  : i32 {
          %parallel_loop3A_409 = arith.subi %parallel_loop3A_400, %multiple_of3A_255 : i32
          %parallel_loop3A_410 = arith.index_cast %parallel_loop3A_409 : i32 to index
          %parallel_loop3A_411 = arith.constant 0 : index
          %parallel_loop3A_412 = tpu.vector_load %arg6[%parallel_loop3A_410, %parallel_loop3A_411] {strides = array<i32>} : memref<384x128xf32, #tpu.memory_space<vmem>>, vector<1x16xf32>,
          %parallel_loop3A_413 = vector.shape_cast %parallel_loop3A_412 : vector<1x16xf32> to vector<16xf32>
          %parallel_loop3A_414 = arith.addf %parallel_loop3A_401, %parallel_loop3A_413 : vector<16xf32>
          %parallel_loop3A_415 = arith.index_cast %parallel_loop3A_409 : i32 to index
          %parallel_loop3A_416 = arith.constant 16 : index
          %parallel_loop3A_417 = tpu.vector_load %arg6[%parallel_loop3A_415, %parallel_loop3A_416] {strides = array<i32>} : memref<384x128xf32, #tpu.memory_space<vmem>>, vector<1x16xf32>,
          %parallel_loop3A_418 = vector.shape_cast %parallel_loop3A_417 : vector<1x16xf32> to vector<16xf32>
          %parallel_loop3A_419 = arith.addf %parallel_loop3A_402, %parallel_loop3A_418 : vector<16xf32>
          %parallel_loop3A_420 = arith.index_cast %parallel_loop3A_409 : i32 to index
          %parallel_loop3A_421 = arith.constant 32 : index
          %parallel_loop3A_422 = tpu.vector_load %arg6[%parallel_loop3A_420, %parallel_loop3A_421] {strides = array<i32>} : memref<384x128xf32, #tpu.memory_space<vmem>>, vector<1x16xf32>,
          %parallel_loop3A_423 = vector.shape_cast %parallel_loop3A_422 : vector<1x16xf32> to vector<16xf32>
          %parallel_loop3A_424 = arith.addf %parallel_loop3A_403, %parallel_loop3A_423 : vector<16xf32>
          %parallel_loop3A_425 = arith.index_cast %parallel_loop3A_409 : i32 to index
          %parallel_loop3A_426 = arith.constant 48 : index
          %parallel_loop3A_427 = tpu.vector_load %arg6[%parallel_loop3A_425, %parallel_loop3A_426] {strides = array<i32>} : memref<384x128xf32, #tpu.memory_space<vmem>>, vector<1x16xf32>,
          %parallel_loop3A_428 = vector.shape_cast %parallel_loop3A_427 : vector<1x16xf32> to vector<16xf32>
          %parallel_loop3A_429 = arith.addf %parallel_loop3A_404, %parallel_loop3A_428 : vector<16xf32>
          %parallel_loop3A_430 = arith.index_cast %parallel_loop3A_409 : i32 to index
          %parallel_loop3A_431 = arith.constant 64 : index
          %parallel_loop3A_432 = tpu.vector_load %arg6[%parallel_loop3A_430, %parallel_loop3A_431] {strides = array<i32>} : memref<384x128xf32, #tpu.memory_space<vmem>>, vector<1x16xf32>,
          %parallel_loop3A_433 = vector.shape_cast %parallel_loop3A_432 : vector<1x16xf32> to vector<16xf32>
          %parallel_loop3A_434 = arith.addf %parallel_loop3A_405, %parallel_loop3A_433 : vector<16xf32>
          %parallel_loop3A_435 = arith.index_cast %parallel_loop3A_409 : i32 to index
          %parallel_loop3A_436 = arith.constant 80 : index
          %parallel_loop3A_437 = tpu.vector_load %arg6[%parallel_loop3A_435, %parallel_loop3A_436] {strides = array<i32>} : memref<384x128xf32, #tpu.memory_space<vmem>>, vector<1x16xf32>,
          %parallel_loop3A_438 = vector.shape_cast %parallel_loop3A_437 : vector<1x16xf32> to vector<16xf32>
          %parallel_loop3A_439 = arith.addf %parallel_loop3A_406, %parallel_loop3A_438 : vector<16xf32>
          %parallel_loop3A_440 = arith.index_cast %parallel_loop3A_409 : i32 to index
          %parallel_loop3A_441 = arith.constant 96 : index
          %parallel_loop3A_442 = tpu.vector_load %arg6[%parallel_loop3A_440, %parallel_loop3A_441] {strides = array<i32>} : memref<384x128xf32, #tpu.memory_space<vmem>>, vector<1x16xf32>,
          %parallel_loop3A_443 = vector.shape_cast %parallel_loop3A_442 : vector<1x16xf32> to vector<16xf32>
          %parallel_loop3A_444 = arith.addf %parallel_loop3A_407, %parallel_loop3A_443 : vector<16xf32>
          %parallel_loop3A_445 = arith.index_cast %parallel_loop3A_409 : i32 to index
          %parallel_loop3A_446 = arith.constant 112 : index
          %parallel_loop3A_447 = tpu.vector_load %arg6[%parallel_loop3A_445, %parallel_loop3A_446] {strides = array<i32>} : memref<384x128xf32, #tpu.memory_space<vmem>>, vector<1x16xf32>,
          %parallel_loop3A_448 = vector.shape_cast %parallel_loop3A_447 : vector<1x16xf32> to vector<16xf32>
          %parallel_loop3A_449 = arith.addf %parallel_loop3A_408, %parallel_loop3A_448 : vector<16xf32>
          scf.yield %parallel_loop3A_414, %parallel_loop3A_419, %parallel_loop3A_424, %parallel_loop3A_429, %parallel_loop3A_434, %parallel_loop3A_439, %parallel_loop3A_444, %parallel_loop3A_449 : vector<16xf32>, vector<16xf32>, vector<16xf32>, vector<16xf32>, vector<16xf32>, vector<16xf32>, vector<16xf32>, vector<16xf32>
        } {sc.loop_unroll_factor = 16 : i64, sc.parallel_access}
        %swap3A = arith.index_cast %sub3A_340 : i32 to index
        %swap3A_357 = arith.constant 0 : index
        %swap3A_358 = tpu.vector_load %arg8[%swap3A, %swap3A_357] {strides = array<i32>} : memref<128x128xf32, #tpu.memory_space<vmem>>, vector<1x16xf32>,
        %swap3A_359 = vector.shape_cast %swap3A_358 : vector<1x16xf32> to vector<16xf32>
        %swap3A_360 = vector.shape_cast %parallel_loop3A_356#0 : vector<16xf32> to vector<1x16xf32>
        tpu.vector_store %arg8[%swap3A, %swap3A_357], %swap3A_360 {add = true, strides = array<i32>} : memref<128x128xf32, #tpu.memory_space<vmem>>, vector<1x16xf32>,
        %swap3A_361 = arith.index_cast %sub3A_340 : i32 to index
        %swap3A_362 = arith.constant 16 : index
        %swap3A_363 = tpu.vector_load %arg8[%swap3A_361, %swap3A_362] {strides = array<i32>} : memref<128x128xf32, #tpu.memory_space<vmem>>, vector<1x16xf32>,
        %swap3A_364 = vector.shape_cast %swap3A_363 : vector<1x16xf32> to vector<16xf32>
        %swap3A_365 = vector.shape_cast %parallel_loop3A_356#1 : vector<16xf32> to vector<1x16xf32>
        tpu.vector_store %arg8[%swap3A_361, %swap3A_362], %swap3A_365 {add = true, strides = array<i32>} : memref<128x128xf32, #tpu.memory_space<vmem>>, vector<1x16xf32>,
        %swap3A_366 = arith.index_cast %sub3A_340 : i32 to index
        %swap3A_367 = arith.constant 32 : index
        %swap3A_368 = tpu.vector_load %arg8[%swap3A_366, %swap3A_367] {strides = array<i32>} : memref<128x128xf32, #tpu.memory_space<vmem>>, vector<1x16xf32>,
        %swap3A_369 = vector.shape_cast %swap3A_368 : vector<1x16xf32> to vector<16xf32>
        %swap3A_370 = vector.shape_cast %parallel_loop3A_356#2 : vector<16xf32> to vector<1x16xf32>
        tpu.vector_store %arg8[%swap3A_366, %swap3A_367], %swap3A_370 {add = true, strides = array<i32>} : memref<128x128xf32, #tpu.memory_space<vmem>>, vector<1x16xf32>,
        %swap3A_371 = arith.index_cast %sub3A_340 : i32 to index
        %swap3A_372 = arith.constant 48 : index
        %swap3A_373 = tpu.vector_load %arg8[%swap3A_371, %swap3A_372] {strides = array<i32>} : memref<128x128xf32, #tpu.memory_space<vmem>>, vector<1x16xf32>,
        %swap3A_374 = vector.shape_cast %swap3A_373 : vector<1x16xf32> to vector<16xf32>
        %swap3A_375 = vector.shape_cast %parallel_loop3A_356#3 : vector<16xf32> to vector<1x16xf32>
        tpu.vector_store %arg8[%swap3A_371, %swap3A_372], %swap3A_375 {add = true, strides = array<i32>} : memref<128x128xf32, #tpu.memory_space<vmem>>, vector<1x16xf32>,
        %swap3A_376 = arith.index_cast %sub3A_340 : i32 to index
        %swap3A_377 = arith.constant 64 : index
        %swap3A_378 = tpu.vector_load %arg8[%swap3A_376, %swap3A_377] {strides = array<i32>} : memref<128x128xf32, #tpu.memory_space<vmem>>, vector<1x16xf32>,
        %swap3A_379 = vector.shape_cast %swap3A_378 : vector<1x16xf32> to vector<16xf32>
        %swap3A_380 = vector.shape_cast %parallel_loop3A_356#4 : vector<16xf32> to vector<1x16xf32>
        tpu.vector_store %arg8[%swap3A_376, %swap3A_377], %swap3A_380 {add = true, strides = array<i32>} : memref<128x128xf32, #tpu.memory_space<vmem>>, vector<1x16xf32>,
        %swap3A_381 = arith.index_cast %sub3A_340 : i32 to index
        %swap3A_382 = arith.constant 80 : index
        %swap3A_383 = tpu.vector_load %arg8[%swap3A_381, %swap3A_382] {strides = array<i32>} : memref<128x128xf32, #tpu.memory_space<vmem>>, vector<1x16xf32>,
        %swap3A_384 = vector.shape_cast %swap3A_383 : vector<1x16xf32> to vector<16xf32>
        %swap3A_385 = vector.shape_cast %parallel_loop3A_356#5 : vector<16xf32> to vector<1x16xf32>
        tpu.vector_store %arg8[%swap3A_381, %swap3A_382], %swap3A_385 {add = true, strides = array<i32>} : memref<128x128xf32, #tpu.memory_space<vmem>>, vector<1x16xf32>,
        %swap3A_386 = arith.index_cast %sub3A_340 : i32 to index
        %swap3A_387 = arith.constant 96 : index
        %swap3A_388 = tpu.vector_load %arg8[%swap3A_386, %swap3A_387] {strides = array<i32>} : memref<128x128xf32, #tpu.memory_space<vmem>>, vector<1x16xf32>,
        %swap3A_389 = vector.shape_cast %swap3A_388 : vector<1x16xf32> to vector<16xf32>
        %swap3A_390 = vector.shape_cast %parallel_loop3A_356#6 : vector<16xf32> to vector<1x16xf32>
        tpu.vector_store %arg8[%swap3A_386, %swap3A_387], %swap3A_390 {add = true, strides = array<i32>} : memref<128x128xf32, #tpu.memory_space<vmem>>, vector<1x16xf32>,
        %swap3A_391 = arith.index_cast %sub3A_340 : i32 to index
        %swap3A_392 = arith.constant 112 : index
        %swap3A_393 = tpu.vector_load %arg8[%swap3A_391, %swap3A_392] {strides = array<i32>} : memref<128x128xf32, #tpu.memory_space<vmem>>, vector<1x16xf32>,
        %swap3A_394 = vector.shape_cast %swap3A_393 : vector<1x16xf32> to vector<16xf32>
        %swap3A_395 = vector.shape_cast %parallel_loop3A_356#7 : vector<16xf32> to vector<1x16xf32>
        tpu.vector_store %arg8[%swap3A_391, %swap3A_392], %swap3A_395 {add = true, strides = array<i32>} : memref<128x128xf32, #tpu.memory_space<vmem>>, vector<1x16xf32>,
        %le3A = arith.cmpi sle, %add3A_337, %min3A_258 : i32
        %jit3A_396 = arith.constant 1 : i32
        %jit3A_397 = arith.constant 0 : i32
        %select_n3A_398 = arith.select %le3A, %jit3A_396, %jit3A_397 : i32
        %add3A_399 = arith.addi %while3A_329, %select_n3A_398 : i32
        scf.yield %add3A_399 : i32
      }
      %while3A_275 = arith.constant 1 : i32
      %while3A_276 = scf.for %while3A_328 = %while3A_272 to %while3A_268 step %while3A_275 iter_args(%while3A_329 = %while3A_274) -> (i32)  : i32 {
        %get3A_330 = arith.index_cast %while3A_328 : i32 to index
        %get3A_331 = memref.load %arg9[%get3A_330] : memref<256xi32, #tpu.memory_space<smem>>
        %add3A_332 = arith.addi %mul3A_0, %get3A_331 : i32
        %add3A_333 = arith.constant 1 : i32
        %add3A_334 = arith.addi %while3A_328, %add3A_333 : i32
        %get3A_335 = arith.index_cast %add3A_334 : i32 to index
        %get3A_336 = memref.load %arg9[%get3A_335] : memref<256xi32, #tpu.memory_space<smem>>
        %add3A_337 = arith.addi %mul3A_0, %get3A_336 : i32
        %max3A_338 = arith.maxsi %add3A_332, %add3A_250 : i32
        %min3A_339 = arith.minsi %add3A_337, %min3A_258 : i32
        %sub3A_340 = arith.subi %while3A_328, %mul3A_4 : i32
        %broadcast_in_dim3A = arith.constant 0.000000e+00 : f32
        %broadcast_in_dim3A_341 = vector.broadcast %broadcast_in_dim3A : f32 to vector<16xf32>
        %broadcast_in_dim3A_342 = arith.constant 0.000000e+00 : f32
        %broadcast_in_dim3A_343 = vector.broadcast %broadcast_in_dim3A_342 : f32 to vector<16xf32>
        %broadcast_in_dim3A_344 = arith.constant 0.000000e+00 : f32
        %broadcast_in_dim3A_345 = vector.broadcast %broadcast_in_dim3A_344 : f32 to vector<16xf32>
        %broadcast_in_dim3A_346 = arith.constant 0.000000e+00 : f32
        %broadcast_in_dim3A_347 = vector.broadcast %broadcast_in_dim3A_346 : f32 to vector<16xf32>
        %broadcast_in_dim3A_348 = arith.constant 0.000000e+00 : f32
        %broadcast_in_dim3A_349 = vector.broadcast %broadcast_in_dim3A_348 : f32 to vector<16xf32>
        %broadcast_in_dim3A_350 = arith.constant 0.000000e+00 : f32
        %broadcast_in_dim3A_351 = vector.broadcast %broadcast_in_dim3A_350 : f32 to vector<16xf32>
        %broadcast_in_dim3A_352 = arith.constant 0.000000e+00 : f32
        %broadcast_in_dim3A_353 = vector.broadcast %broadcast_in_dim3A_352 : f32 to vector<16xf32>
        %broadcast_in_dim3A_354 = arith.constant 0.000000e+00 : f32
        %broadcast_in_dim3A_355 = vector.broadcast %broadcast_in_dim3A_354 : f32 to vector<16xf32>
        %parallel_loop3A = arith.constant 1 : i32
        %parallel_loop3A_356:8 = scf.for %parallel_loop3A_400 = %max3A_338 to %min3A_339 step %parallel_loop3A iter_args(%parallel_loop3A_401 = %broadcast_in_dim3A_341, %parallel_loop3A_402 = %broadcast_in_dim3A_343, %parallel_loop3A_403 = %broadcast_in_dim3A_345, %parallel_loop3A_404 = %broadcast_in_dim3A_347, %parallel_loop3A_405 = %broadcast_in_dim3A_349, %parallel_loop3A_406 = %broadcast_in_dim3A_351, %parallel_loop3A_407 = %broadcast_in_dim3A_353, %parallel_loop3A_408 = %broadcast_in_dim3A_355) -> (vector<16xf32>, vector<16xf32>, vector<16xf32>, vector<16xf32>, vector<16xf32>, vector<16xf32>, vector<16xf32>, vector<16xf32>)  : i32 {
          %parallel_loop3A_409 = arith.subi %parallel_loop3A_400, %multiple_of3A_255 : i32
          %parallel_loop3A_410 = arith.index_cast %parallel_loop3A_409 : i32 to index
          %parallel_loop3A_411 = arith.constant 0 : index
          %parallel_loop3A_412 = tpu.vector_load %arg6[%parallel_loop3A_410, %parallel_loop3A_411] {strides = array<i32>} : memref<384x128xf32, #tpu.memory_space<vmem>>, vector<1x16xf32>,
          %parallel_loop3A_413 = vector.shape_cast %parallel_loop3A_412 : vector<1x16xf32> to vector<16xf32>
          %parallel_loop3A_414 = arith.addf %parallel_loop3A_401, %parallel_loop3A_413 : vector<16xf32>
          %parallel_loop3A_415 = arith.index_cast %parallel_loop3A_409 : i32 to index
          %parallel_loop3A_416 = arith.constant 16 : index
          %parallel_loop3A_417 = tpu.vector_load %arg6[%parallel_loop3A_415, %parallel_loop3A_416] {strides = array<i32>} : memref<384x128xf32, #tpu.memory_space<vmem>>, vector<1x16xf32>,
          %parallel_loop3A_418 = vector.shape_cast %parallel_loop3A_417 : vector<1x16xf32> to vector<16xf32>
          %parallel_loop3A_419 = arith.addf %parallel_loop3A_402, %parallel_loop3A_418 : vector<16xf32>
          %parallel_loop3A_420 = arith.index_cast %parallel_loop3A_409 : i32 to index
          %parallel_loop3A_421 = arith.constant 32 : index
          %parallel_loop3A_422 = tpu.vector_load %arg6[%parallel_loop3A_420, %parallel_loop3A_421] {strides = array<i32>} : memref<384x128xf32, #tpu.memory_space<vmem>>, vector<1x16xf32>,
          %parallel_loop3A_423 = vector.shape_cast %parallel_loop3A_422 : vector<1x16xf32> to vector<16xf32>
          %parallel_loop3A_424 = arith.addf %parallel_loop3A_403, %parallel_loop3A_423 : vector<16xf32>
          %parallel_loop3A_425 = arith.index_cast %parallel_loop3A_409 : i32 to index
          %parallel_loop3A_426 = arith.constant 48 : index
          %parallel_loop3A_427 = tpu.vector_load %arg6[%parallel_loop3A_425, %parallel_loop3A_426] {strides = array<i32>} : memref<384x128xf32, #tpu.memory_space<vmem>>, vector<1x16xf32>,
          %parallel_loop3A_428 = vector.shape_cast %parallel_loop3A_427 : vector<1x16xf32> to vector<16xf32>
          %parallel_loop3A_429 = arith.addf %parallel_loop3A_404, %parallel_loop3A_428 : vector<16xf32>
          %parallel_loop3A_430 = arith.index_cast %parallel_loop3A_409 : i32 to index
          %parallel_loop3A_431 = arith.constant 64 : index
          %parallel_loop3A_432 = tpu.vector_load %arg6[%parallel_loop3A_430, %parallel_loop3A_431] {strides = array<i32>} : memref<384x128xf32, #tpu.memory_space<vmem>>, vector<1x16xf32>,
          %parallel_loop3A_433 = vector.shape_cast %parallel_loop3A_432 : vector<1x16xf32> to vector<16xf32>
          %parallel_loop3A_434 = arith.addf %parallel_loop3A_405, %parallel_loop3A_433 : vector<16xf32>
          %parallel_loop3A_435 = arith.index_cast %parallel_loop3A_409 : i32 to index
          %parallel_loop3A_436 = arith.constant 80 : index
          %parallel_loop3A_437 = tpu.vector_load %arg6[%parallel_loop3A_435, %parallel_loop3A_436] {strides = array<i32>} : memref<384x128xf32, #tpu.memory_space<vmem>>, vector<1x16xf32>,
          %parallel_loop3A_438 = vector.shape_cast %parallel_loop3A_437 : vector<1x16xf32> to vector<16xf32>
          %parallel_loop3A_439 = arith.addf %parallel_loop3A_406, %parallel_loop3A_438 : vector<16xf32>
          %parallel_loop3A_440 = arith.index_cast %parallel_loop3A_409 : i32 to index
          %parallel_loop3A_441 = arith.constant 96 : index
          %parallel_loop3A_442 = tpu.vector_load %arg6[%parallel_loop3A_440, %parallel_loop3A_441] {strides = array<i32>} : memref<384x128xf32, #tpu.memory_space<vmem>>, vector<1x16xf32>,
          %parallel_loop3A_443 = vector.shape_cast %parallel_loop3A_442 : vector<1x16xf32> to vector<16xf32>
          %parallel_loop3A_444 = arith.addf %parallel_loop3A_407, %parallel_loop3A_443 : vector<16xf32>
          %parallel_loop3A_445 = arith.index_cast %parallel_loop3A_409 : i32 to index
          %parallel_loop3A_446 = arith.constant 112 : index
          %parallel_loop3A_447 = tpu.vector_load %arg6[%parallel_loop3A_445, %parallel_loop3A_446] {strides = array<i32>} : memref<384x128xf32, #tpu.memory_space<vmem>>, vector<1x16xf32>,
          %parallel_loop3A_448 = vector.shape_cast %parallel_loop3A_447 : vector<1x16xf32> to vector<16xf32>
          %parallel_loop3A_449 = arith.addf %parallel_loop3A_408, %parallel_loop3A_448 : vector<16xf32>
          scf.yield %parallel_loop3A_414, %parallel_loop3A_419, %parallel_loop3A_424, %parallel_loop3A_429, %parallel_loop3A_434, %parallel_loop3A_439, %parallel_loop3A_444, %parallel_loop3A_449 : vector<16xf32>, vector<16xf32>, vector<16xf32>, vector<16xf32>, vector<16xf32>, vector<16xf32>, vector<16xf32>, vector<16xf32>
        } {sc.loop_unroll_factor = 16 : i64, sc.parallel_access}
        %swap3A = arith.index_cast %sub3A_340 : i32 to index
        %swap3A_357 = arith.constant 0 : index
        %swap3A_358 = tpu.vector_load %arg8[%swap3A, %swap3A_357] {strides = array<i32>} : memref<128x128xf32, #tpu.memory_space<vmem>>, vector<1x16xf32>,
        %swap3A_359 = vector.shape_cast %swap3A_358 : vector<1x16xf32> to vector<16xf32>
        %swap3A_360 = vector.shape_cast %parallel_loop3A_356#0 : vector<16xf32> to vector<1x16xf32>
        tpu.vector_store %arg8[%swap3A, %swap3A_357], %swap3A_360 {add = true, strides = array<i32>} : memref<128x128xf32, #tpu.memory_space<vmem>>, vector<1x16xf32>,
        %swap3A_361 = arith.index_cast %sub3A_340 : i32 to index
        %swap3A_362 = arith.constant 16 : index
        %swap3A_363 = tpu.vector_load %arg8[%swap3A_361, %swap3A_362] {strides = array<i32>} : memref<128x128xf32, #tpu.memory_space<vmem>>, vector<1x16xf32>,
        %swap3A_364 = vector.shape_cast %swap3A_363 : vector<1x16xf32> to vector<16xf32>
        %swap3A_365 = vector.shape_cast %parallel_loop3A_356#1 : vector<16xf32> to vector<1x16xf32>
        tpu.vector_store %arg8[%swap3A_361, %swap3A_362], %swap3A_365 {add = true, strides = array<i32>} : memref<128x128xf32, #tpu.memory_space<vmem>>, vector<1x16xf32>,
        %swap3A_366 = arith.index_cast %sub3A_340 : i32 to index
        %swap3A_367 = arith.constant 32 : index
        %swap3A_368 = tpu.vector_load %arg8[%swap3A_366, %swap3A_367] {strides = array<i32>} : memref<128x128xf32, #tpu.memory_space<vmem>>, vector<1x16xf32>,
        %swap3A_369 = vector.shape_cast %swap3A_368 : vector<1x16xf32> to vector<16xf32>
        %swap3A_370 = vector.shape_cast %parallel_loop3A_356#2 : vector<16xf32> to vector<1x16xf32>
        tpu.vector_store %arg8[%swap3A_366, %swap3A_367], %swap3A_370 {add = true, strides = array<i32>} : memref<128x128xf32, #tpu.memory_space<vmem>>, vector<1x16xf32>,
        %swap3A_371 = arith.index_cast %sub3A_340 : i32 to index
        %swap3A_372 = arith.constant 48 : index
        %swap3A_373 = tpu.vector_load %arg8[%swap3A_371, %swap3A_372] {strides = array<i32>} : memref<128x128xf32, #tpu.memory_space<vmem>>, vector<1x16xf32>,
        %swap3A_374 = vector.shape_cast %swap3A_373 : vector<1x16xf32> to vector<16xf32>
        %swap3A_375 = vector.shape_cast %parallel_loop3A_356#3 : vector<16xf32> to vector<1x16xf32>
        tpu.vector_store %arg8[%swap3A_371, %swap3A_372], %swap3A_375 {add = true, strides = array<i32>} : memref<128x128xf32, #tpu.memory_space<vmem>>, vector<1x16xf32>,
        %swap3A_376 = arith.index_cast %sub3A_340 : i32 to index
        %swap3A_377 = arith.constant 64 : index
        %swap3A_378 = tpu.vector_load %arg8[%swap3A_376, %swap3A_377] {strides = array<i32>} : memref<128x128xf32, #tpu.memory_space<vmem>>, vector<1x16xf32>,
        %swap3A_379 = vector.shape_cast %swap3A_378 : vector<1x16xf32> to vector<16xf32>
        %swap3A_380 = vector.shape_cast %parallel_loop3A_356#4 : vector<16xf32> to vector<1x16xf32>
        tpu.vector_store %arg8[%swap3A_376, %swap3A_377], %swap3A_380 {add = true, strides = array<i32>} : memref<128x128xf32, #tpu.memory_space<vmem>>, vector<1x16xf32>,
        %swap3A_381 = arith.index_cast %sub3A_340 : i32 to index
        %swap3A_382 = arith.constant 80 : index
        %swap3A_383 = tpu.vector_load %arg8[%swap3A_381, %swap3A_382] {strides = array<i32>} : memref<128x128xf32, #tpu.memory_space<vmem>>, vector<1x16xf32>,
        %swap3A_384 = vector.shape_cast %swap3A_383 : vector<1x16xf32> to vector<16xf32>
        %swap3A_385 = vector.shape_cast %parallel_loop3A_356#5 : vector<16xf32> to vector<1x16xf32>
        tpu.vector_store %arg8[%swap3A_381, %swap3A_382], %swap3A_385 {add = true, strides = array<i32>} : memref<128x128xf32, #tpu.memory_space<vmem>>, vector<1x16xf32>,
        %swap3A_386 = arith.index_cast %sub3A_340 : i32 to index
        %swap3A_387 = arith.constant 96 : index
        %swap3A_388 = tpu.vector_load %arg8[%swap3A_386, %swap3A_387] {strides = array<i32>} : memref<128x128xf32, #tpu.memory_space<vmem>>, vector<1x16xf32>,
        %swap3A_389 = vector.shape_cast %swap3A_388 : vector<1x16xf32> to vector<16xf32>
        %swap3A_390 = vector.shape_cast %parallel_loop3A_356#6 : vector<16xf32> to vector<1x16xf32>
        tpu.vector_store %arg8[%swap3A_386, %swap3A_387], %swap3A_390 {add = true, strides = array<i32>} : memref<128x128xf32, #tpu.memory_space<vmem>>, vector<1x16xf32>,
        %swap3A_391 = arith.index_cast %sub3A_340 : i32 to index
        %swap3A_392 = arith.constant 112 : index
        %swap3A_393 = tpu.vector_load %arg8[%swap3A_391, %swap3A_392] {strides = array<i32>} : memref<128x128xf32, #tpu.memory_space<vmem>>, vector<1x16xf32>,
        %swap3A_394 = vector.shape_cast %swap3A_393 : vector<1x16xf32> to vector<16xf32>
        %swap3A_395 = vector.shape_cast %parallel_loop3A_356#7 : vector<16xf32> to vector<1x16xf32>
        tpu.vector_store %arg8[%swap3A_391, %swap3A_392], %swap3A_395 {add = true, strides = array<i32>} : memref<128x128xf32, #tpu.memory_space<vmem>>, vector<1x16xf32>,
        %le3A = arith.cmpi sle, %add3A_337, %min3A_258 : i32
        %jit3A_396 = arith.constant 1 : i32
        %jit3A_397 = arith.constant 0 : i32
        %select_n3A_398 = arith.select %le3A, %jit3A_396, %jit3A_397 : i32
        %add3A_399 = arith.addi %while3A_329, %select_n3A_398 : i32
        scf.yield %add3A_399 : i32
      }
      %add3A_277 = arith.constant 2 : i32
      %add3A_278 = arith.addi %mul3A_226, %add3A_277 : i32
      %lt3A_279 = arith.cmpi slt, %add3A_278, %select_n3A_64 : i32
      %convert_element_type3A_280 = arith.extui %lt3A_279 : i1 to i32
      %cond3A_281 = arith.constant 0 : i32
      %cond3A_282 = arith.cmpi ne, %convert_element_type3A_280, %cond3A_281 : i32
      scf.if %cond3A_282 {
        %add3A_328 = arith.constant 2 : i32
        %add3A_329 = arith.addi %mul3A_226, %add3A_328 : i32
        %mul3A_330 = arith.constant 384 : i32
        %mul3A_331 = arith.muli %add3A_329, %mul3A_330 : i32
        %add3A_332 = arith.addi %mul3A_35, %mul3A_331 : i32
        %jit3A_333 = arith.constant 0 : i32
        %jit3A_334 = arith.constant 65152 : i32
        %max3A_335 = arith.maxsi %jit3A_333, %add3A_332 : i32
        %min3A_336 = arith.minsi %jit3A_334, %max3A_335 : i32
        %multiple_of3A_337 = tpu.assume_multiple %min3A_336, 8 : i32
        %dma_start3A_338 = arith.constant 0 : i32
        %dma_start3A_339 = tpu.memref_slice %arg2[%multiple_of3A_337, %dma_start3A_338] : memref<65536x128xf32, #tpu.memory_space<hbm>> -> memref<384x128xf32, #tpu.memory_space<hbm>>
        %dma_start3A_340 = arith.constant 0 : i32
        %dma_start3A_341 = tpu.memref_slice %arg2[%multiple_of3A_337, %dma_start3A_340] : memref<65536x128xf32, #tpu.memory_space<hbm>> -> memref<384x128xf32, #tpu.memory_space<hbm>>
        tpu.enqueue_dma source(%dma_start3A_341 : memref<384x128xf32, #tpu.memory_space<hbm>>) target(%arg6 : memref<384x128xf32, #tpu.memory_space<vmem>>) target_semaphore(%arg11 : memref<!tpu.dma_semaphore, #tpu.memory_space<semaphore_mem>>)
      } else {
      }
      %add3A_283 = arith.constant 1 : i32
      %add3A_284 = arith.addi %mul3A_226, %add3A_283 : i32
      %mul3A_285 = arith.constant 384 : i32
      %mul3A_286 = arith.muli %add3A_284, %mul3A_285 : i32
      %add3A_287 = arith.addi %mul3A_35, %mul3A_286 : i32
      %jit3A_288 = arith.constant 0 : i32
      %jit3A_289 = arith.constant 65152 : i32
      %max3A_290 = arith.maxsi %jit3A_288, %add3A_287 : i32
      %min3A_291 = arith.minsi %jit3A_289, %max3A_290 : i32
      %multiple_of3A_292 = tpu.assume_multiple %min3A_291, 8 : i32
      %dma_wait3A_293 = arith.constant 0 : i32
      %dma_wait3A_294 = tpu.memref_slice %arg2[%multiple_of3A_292, %dma_wait3A_293] : memref<65536x128xf32, #tpu.memory_space<hbm>> -> memref<384x128xf32, #tpu.memory_space<hbm>>
      %dma_wait3A_295 = arith.constant 0 : i32
      %dma_wait3A_296 = tpu.memref_slice %arg2[%multiple_of3A_292, %dma_wait3A_295] : memref<65536x128xf32, #tpu.memory_space<hbm>> -> memref<384x128xf32, #tpu.memory_space<hbm>>
      tpu.wait_dma2 semaphore(%arg12 : memref<!tpu.dma_semaphore, #tpu.memory_space<semaphore_mem>>) src(%dma_wait3A_296 : memref<384x128xf32, #tpu.memory_space<hbm>>) dst(%arg7 : memref<384x128xf32, #tpu.memory_space<vmem>>)
      %add3A_297 = arith.constant 1 : i32
      %add3A_298 = arith.addi %mul3A_226, %add3A_297 : i32
      %mul3A_299 = arith.constant 384 : i32
      %mul3A_300 = arith.muli %add3A_298, %mul3A_299 : i32
      %add3A_301 = arith.addi %mul3A_35, %mul3A_300 : i32
      %jit3A_302 = arith.constant 0 : i32
      %jit3A_303 = arith.constant 65152 : i32
      %max3A_304 = arith.maxsi %jit3A_302, %add3A_301 : i32
      %min3A_305 = arith.minsi %jit3A_303, %max3A_304 : i32
      %multiple_of3A_306 = tpu.assume_multiple %min3A_305, 8 : i32
      %add3A_307 = arith.constant 384 : i32
      %add3A_308 = arith.addi %add3A_301, %add3A_307 : i32
      %min3A_309 = arith.minsi %add3A_308, %add3A_16 : i32
      %jit3A_310 = arith.constant 0 : i32
      %jit3A_311 = arith.constant 13 : i32
      %max3A_312 = arith.maxsi %jit3A_310, %add3A_298 : i32
      %min3A_313 = arith.minsi %jit3A_311, %max3A_312 : i32
      %get3A_314 = arith.index_cast %min3A_313 : i32 to index
      %get3A_315 = memref.load %arg10[%get3A_314] : memref<14xi32, #tpu.memory_space<smem>>
      %add3A_316 = arith.constant 1 : i32
      %add3A_317 = arith.addi %get3A_315, %add3A_316 : i32
      %while3A_318 = arith.subi %add3A_317, %while3A_276 : i32
      %while3A_319 = arith.addi %while3A_276, %while3A_318 : i32
      %while3A_320 = arith.constant 1 : i32
      %while3A_321 = arith.divsi %while3A_318, %while3A_320 : i32
      %while3A_322 = arith.muli %while3A_321, %while3A_320 : i32
      %while3A_323 = arith.addi %while3A_276, %while3A_322 : i32
      %while3A_324 = arith.constant 1 : i32
      %while3A_325 = scf.for %while3A_328 = %while3A_276 to %while3A_323 step %while3A_324 iter_args(%while3A_329 = %while3A_276) -> (i32)  : i32 {
        %get3A_330 = arith.index_cast %while3A_328 : i32 to index
        %get3A_331 = memref.load %arg9[%get3A_330] : memref<256xi32, #tpu.memory_space<smem>>
        %add3A_332 = arith.addi %mul3A_0, %get3A_331 : i32
        %add3A_333 = arith.constant 1 : i32
        %add3A_334 = arith.addi %while3A_328, %add3A_333 : i32
        %get3A_335 = arith.index_cast %add3A_334 : i32 to index
        %get3A_336 = memref.load %arg9[%get3A_335] : memref<256xi32, #tpu.memory_space<smem>>
        %add3A_337 = arith.addi %mul3A_0, %get3A_336 : i32
        %max3A_338 = arith.maxsi %add3A_332, %add3A_301 : i32
        %min3A_339 = arith.minsi %add3A_337, %min3A_309 : i32
        %sub3A_340 = arith.subi %while3A_328, %mul3A_4 : i32
        %broadcast_in_dim3A = arith.constant 0.000000e+00 : f32
        %broadcast_in_dim3A_341 = vector.broadcast %broadcast_in_dim3A : f32 to vector<16xf32>
        %broadcast_in_dim3A_342 = arith.constant 0.000000e+00 : f32
        %broadcast_in_dim3A_343 = vector.broadcast %broadcast_in_dim3A_342 : f32 to vector<16xf32>
        %broadcast_in_dim3A_344 = arith.constant 0.000000e+00 : f32
        %broadcast_in_dim3A_345 = vector.broadcast %broadcast_in_dim3A_344 : f32 to vector<16xf32>
        %broadcast_in_dim3A_346 = arith.constant 0.000000e+00 : f32
        %broadcast_in_dim3A_347 = vector.broadcast %broadcast_in_dim3A_346 : f32 to vector<16xf32>
        %broadcast_in_dim3A_348 = arith.constant 0.000000e+00 : f32
        %broadcast_in_dim3A_349 = vector.broadcast %broadcast_in_dim3A_348 : f32 to vector<16xf32>
        %broadcast_in_dim3A_350 = arith.constant 0.000000e+00 : f32
        %broadcast_in_dim3A_351 = vector.broadcast %broadcast_in_dim3A_350 : f32 to vector<16xf32>
        %broadcast_in_dim3A_352 = arith.constant 0.000000e+00 : f32
        %broadcast_in_dim3A_353 = vector.broadcast %broadcast_in_dim3A_352 : f32 to vector<16xf32>
        %broadcast_in_dim3A_354 = arith.constant 0.000000e+00 : f32
        %broadcast_in_dim3A_355 = vector.broadcast %broadcast_in_dim3A_354 : f32 to vector<16xf32>
        %parallel_loop3A = arith.constant 1 : i32
        %parallel_loop3A_356:8 = scf.for %parallel_loop3A_400 = %max3A_338 to %min3A_339 step %parallel_loop3A iter_args(%parallel_loop3A_401 = %broadcast_in_dim3A_341, %parallel_loop3A_402 = %broadcast_in_dim3A_343, %parallel_loop3A_403 = %broadcast_in_dim3A_345, %parallel_loop3A_404 = %broadcast_in_dim3A_347, %parallel_loop3A_405 = %broadcast_in_dim3A_349, %parallel_loop3A_406 = %broadcast_in_dim3A_351, %parallel_loop3A_407 = %broadcast_in_dim3A_353, %parallel_loop3A_408 = %broadcast_in_dim3A_355) -> (vector<16xf32>, vector<16xf32>, vector<16xf32>, vector<16xf32>, vector<16xf32>, vector<16xf32>, vector<16xf32>, vector<16xf32>)  : i32 {
          %parallel_loop3A_409 = arith.subi %parallel_loop3A_400, %multiple_of3A_306 : i32
          %parallel_loop3A_410 = arith.index_cast %parallel_loop3A_409 : i32 to index
          %parallel_loop3A_411 = arith.constant 0 : index
          %parallel_loop3A_412 = tpu.vector_load %arg7[%parallel_loop3A_410, %parallel_loop3A_411] {strides = array<i32>} : memref<384x128xf32, #tpu.memory_space<vmem>>, vector<1x16xf32>,
          %parallel_loop3A_413 = vector.shape_cast %parallel_loop3A_412 : vector<1x16xf32> to vector<16xf32>
          %parallel_loop3A_414 = arith.addf %parallel_loop3A_401, %parallel_loop3A_413 : vector<16xf32>
          %parallel_loop3A_415 = arith.index_cast %parallel_loop3A_409 : i32 to index
          %parallel_loop3A_416 = arith.constant 16 : index
          %parallel_loop3A_417 = tpu.vector_load %arg7[%parallel_loop3A_415, %parallel_loop3A_416] {strides = array<i32>} : memref<384x128xf32, #tpu.memory_space<vmem>>, vector<1x16xf32>,
          %parallel_loop3A_418 = vector.shape_cast %parallel_loop3A_417 : vector<1x16xf32> to vector<16xf32>
          %parallel_loop3A_419 = arith.addf %parallel_loop3A_402, %parallel_loop3A_418 : vector<16xf32>
          %parallel_loop3A_420 = arith.index_cast %parallel_loop3A_409 : i32 to index
          %parallel_loop3A_421 = arith.constant 32 : index
          %parallel_loop3A_422 = tpu.vector_load %arg7[%parallel_loop3A_420, %parallel_loop3A_421] {strides = array<i32>} : memref<384x128xf32, #tpu.memory_space<vmem>>, vector<1x16xf32>,
          %parallel_loop3A_423 = vector.shape_cast %parallel_loop3A_422 : vector<1x16xf32> to vector<16xf32>
          %parallel_loop3A_424 = arith.addf %parallel_loop3A_403, %parallel_loop3A_423 : vector<16xf32>
          %parallel_loop3A_425 = arith.index_cast %parallel_loop3A_409 : i32 to index
          %parallel_loop3A_426 = arith.constant 48 : index
          %parallel_loop3A_427 = tpu.vector_load %arg7[%parallel_loop3A_425, %parallel_loop3A_426] {strides = array<i32>} : memref<384x128xf32, #tpu.memory_space<vmem>>, vector<1x16xf32>,
          %parallel_loop3A_428 = vector.shape_cast %parallel_loop3A_427 : vector<1x16xf32> to vector<16xf32>
          %parallel_loop3A_429 = arith.addf %parallel_loop3A_404, %parallel_loop3A_428 : vector<16xf32>
          %parallel_loop3A_430 = arith.index_cast %parallel_loop3A_409 : i32 to index
          %parallel_loop3A_431 = arith.constant 64 : index
          %parallel_loop3A_432 = tpu.vector_load %arg7[%parallel_loop3A_430, %parallel_loop3A_431] {strides = array<i32>} : memref<384x128xf32, #tpu.memory_space<vmem>>, vector<1x16xf32>,
          %parallel_loop3A_433 = vector.shape_cast %parallel_loop3A_432 : vector<1x16xf32> to vector<16xf32>
          %parallel_loop3A_434 = arith.addf %parallel_loop3A_405, %parallel_loop3A_433 : vector<16xf32>
          %parallel_loop3A_435 = arith.index_cast %parallel_loop3A_409 : i32 to index
          %parallel_loop3A_436 = arith.constant 80 : index
          %parallel_loop3A_437 = tpu.vector_load %arg7[%parallel_loop3A_435, %parallel_loop3A_436] {strides = array<i32>} : memref<384x128xf32, #tpu.memory_space<vmem>>, vector<1x16xf32>,
          %parallel_loop3A_438 = vector.shape_cast %parallel_loop3A_437 : vector<1x16xf32> to vector<16xf32>
          %parallel_loop3A_439 = arith.addf %parallel_loop3A_406, %parallel_loop3A_438 : vector<16xf32>
          %parallel_loop3A_440 = arith.index_cast %parallel_loop3A_409 : i32 to index
          %parallel_loop3A_441 = arith.constant 96 : index
          %parallel_loop3A_442 = tpu.vector_load %arg7[%parallel_loop3A_440, %parallel_loop3A_441] {strides = array<i32>} : memref<384x128xf32, #tpu.memory_space<vmem>>, vector<1x16xf32>,
          %parallel_loop3A_443 = vector.shape_cast %parallel_loop3A_442 : vector<1x16xf32> to vector<16xf32>
          %parallel_loop3A_444 = arith.addf %parallel_loop3A_407, %parallel_loop3A_443 : vector<16xf32>
          %parallel_loop3A_445 = arith.index_cast %parallel_loop3A_409 : i32 to index
          %parallel_loop3A_446 = arith.constant 112 : index
          %parallel_loop3A_447 = tpu.vector_load %arg7[%parallel_loop3A_445, %parallel_loop3A_446] {strides = array<i32>} : memref<384x128xf32, #tpu.memory_space<vmem>>, vector<1x16xf32>,
          %parallel_loop3A_448 = vector.shape_cast %parallel_loop3A_447 : vector<1x16xf32> to vector<16xf32>
          %parallel_loop3A_449 = arith.addf %parallel_loop3A_408, %parallel_loop3A_448 : vector<16xf32>
          scf.yield %parallel_loop3A_414, %parallel_loop3A_419, %parallel_loop3A_424, %parallel_loop3A_429, %parallel_loop3A_434, %parallel_loop3A_439, %parallel_loop3A_444, %parallel_loop3A_449 : vector<16xf32>, vector<16xf32>, vector<16xf32>, vector<16xf32>, vector<16xf32>, vector<16xf32>, vector<16xf32>, vector<16xf32>
        } {sc.loop_unroll_factor = 16 : i64, sc.parallel_access}
        %swap3A = arith.index_cast %sub3A_340 : i32 to index
        %swap3A_357 = arith.constant 0 : index
        %swap3A_358 = tpu.vector_load %arg8[%swap3A, %swap3A_357] {strides = array<i32>} : memref<128x128xf32, #tpu.memory_space<vmem>>, vector<1x16xf32>,
        %swap3A_359 = vector.shape_cast %swap3A_358 : vector<1x16xf32> to vector<16xf32>
        %swap3A_360 = vector.shape_cast %parallel_loop3A_356#0 : vector<16xf32> to vector<1x16xf32>
        tpu.vector_store %arg8[%swap3A, %swap3A_357], %swap3A_360 {add = true, strides = array<i32>} : memref<128x128xf32, #tpu.memory_space<vmem>>, vector<1x16xf32>,
        %swap3A_361 = arith.index_cast %sub3A_340 : i32 to index
        %swap3A_362 = arith.constant 16 : index
        %swap3A_363 = tpu.vector_load %arg8[%swap3A_361, %swap3A_362] {strides = array<i32>} : memref<128x128xf32, #tpu.memory_space<vmem>>, vector<1x16xf32>,
        %swap3A_364 = vector.shape_cast %swap3A_363 : vector<1x16xf32> to vector<16xf32>
        %swap3A_365 = vector.shape_cast %parallel_loop3A_356#1 : vector<16xf32> to vector<1x16xf32>
        tpu.vector_store %arg8[%swap3A_361, %swap3A_362], %swap3A_365 {add = true, strides = array<i32>} : memref<128x128xf32, #tpu.memory_space<vmem>>, vector<1x16xf32>,
        %swap3A_366 = arith.index_cast %sub3A_340 : i32 to index
        %swap3A_367 = arith.constant 32 : index
        %swap3A_368 = tpu.vector_load %arg8[%swap3A_366, %swap3A_367] {strides = array<i32>} : memref<128x128xf32, #tpu.memory_space<vmem>>, vector<1x16xf32>,
        %swap3A_369 = vector.shape_cast %swap3A_368 : vector<1x16xf32> to vector<16xf32>
        %swap3A_370 = vector.shape_cast %parallel_loop3A_356#2 : vector<16xf32> to vector<1x16xf32>
        tpu.vector_store %arg8[%swap3A_366, %swap3A_367], %swap3A_370 {add = true, strides = array<i32>} : memref<128x128xf32, #tpu.memory_space<vmem>>, vector<1x16xf32>,
        %swap3A_371 = arith.index_cast %sub3A_340 : i32 to index
        %swap3A_372 = arith.constant 48 : index
        %swap3A_373 = tpu.vector_load %arg8[%swap3A_371, %swap3A_372] {strides = array<i32>} : memref<128x128xf32, #tpu.memory_space<vmem>>, vector<1x16xf32>,
        %swap3A_374 = vector.shape_cast %swap3A_373 : vector<1x16xf32> to vector<16xf32>
        %swap3A_375 = vector.shape_cast %parallel_loop3A_356#3 : vector<16xf32> to vector<1x16xf32>
        tpu.vector_store %arg8[%swap3A_371, %swap3A_372], %swap3A_375 {add = true, strides = array<i32>} : memref<128x128xf32, #tpu.memory_space<vmem>>, vector<1x16xf32>,
        %swap3A_376 = arith.index_cast %sub3A_340 : i32 to index
        %swap3A_377 = arith.constant 64 : index
        %swap3A_378 = tpu.vector_load %arg8[%swap3A_376, %swap3A_377] {strides = array<i32>} : memref<128x128xf32, #tpu.memory_space<vmem>>, vector<1x16xf32>,
        %swap3A_379 = vector.shape_cast %swap3A_378 : vector<1x16xf32> to vector<16xf32>
        %swap3A_380 = vector.shape_cast %parallel_loop3A_356#4 : vector<16xf32> to vector<1x16xf32>
        tpu.vector_store %arg8[%swap3A_376, %swap3A_377], %swap3A_380 {add = true, strides = array<i32>} : memref<128x128xf32, #tpu.memory_space<vmem>>, vector<1x16xf32>,
        %swap3A_381 = arith.index_cast %sub3A_340 : i32 to index
        %swap3A_382 = arith.constant 80 : index
        %swap3A_383 = tpu.vector_load %arg8[%swap3A_381, %swap3A_382] {strides = array<i32>} : memref<128x128xf32, #tpu.memory_space<vmem>>, vector<1x16xf32>,
        %swap3A_384 = vector.shape_cast %swap3A_383 : vector<1x16xf32> to vector<16xf32>
        %swap3A_385 = vector.shape_cast %parallel_loop3A_356#5 : vector<16xf32> to vector<1x16xf32>
        tpu.vector_store %arg8[%swap3A_381, %swap3A_382], %swap3A_385 {add = true, strides = array<i32>} : memref<128x128xf32, #tpu.memory_space<vmem>>, vector<1x16xf32>,
        %swap3A_386 = arith.index_cast %sub3A_340 : i32 to index
        %swap3A_387 = arith.constant 96 : index
        %swap3A_388 = tpu.vector_load %arg8[%swap3A_386, %swap3A_387] {strides = array<i32>} : memref<128x128xf32, #tpu.memory_space<vmem>>, vector<1x16xf32>,
        %swap3A_389 = vector.shape_cast %swap3A_388 : vector<1x16xf32> to vector<16xf32>
        %swap3A_390 = vector.shape_cast %parallel_loop3A_356#6 : vector<16xf32> to vector<1x16xf32>
        tpu.vector_store %arg8[%swap3A_386, %swap3A_387], %swap3A_390 {add = true, strides = array<i32>} : memref<128x128xf32, #tpu.memory_space<vmem>>, vector<1x16xf32>,
        %swap3A_391 = arith.index_cast %sub3A_340 : i32 to index
        %swap3A_392 = arith.constant 112 : index
        %swap3A_393 = tpu.vector_load %arg8[%swap3A_391, %swap3A_392] {strides = array<i32>} : memref<128x128xf32, #tpu.memory_space<vmem>>, vector<1x16xf32>,
        %swap3A_394 = vector.shape_cast %swap3A_393 : vector<1x16xf32> to vector<16xf32>
        %swap3A_395 = vector.shape_cast %parallel_loop3A_356#7 : vector<16xf32> to vector<1x16xf32>
        tpu.vector_store %arg8[%swap3A_391, %swap3A_392], %swap3A_395 {add = true, strides = array<i32>} : memref<128x128xf32, #tpu.memory_space<vmem>>, vector<1x16xf32>,
        %le3A = arith.cmpi sle, %add3A_337, %min3A_309 : i32
        %jit3A_396 = arith.constant 1 : i32
        %jit3A_397 = arith.constant 0 : i32
        %select_n3A_398 = arith.select %le3A, %jit3A_396, %jit3A_397 : i32
        %add3A_399 = arith.addi %while3A_329, %select_n3A_398 : i32
        scf.yield %add3A_399 : i32
      }
      %while3A_326 = arith.constant 1 : i32
      %while3A_327 = scf.for %while3A_328 = %while3A_323 to %while3A_319 step %while3A_326 iter_args(%while3A_329 = %while3A_325) -> (i32)  : i32 {
        %get3A_330 = arith.index_cast %while3A_328 : i32 to index
        %get3A_331 = memref.load %arg9[%get3A_330] : memref<256xi32, #tpu.memory_space<smem>>
        %add3A_332 = arith.addi %mul3A_0, %get3A_331 : i32
        %add3A_333 = arith.constant 1 : i32
        %add3A_334 = arith.addi %while3A_328, %add3A_333 : i32
        %get3A_335 = arith.index_cast %add3A_334 : i32 to index
        %get3A_336 = memref.load %arg9[%get3A_335] : memref<256xi32, #tpu.memory_space<smem>>
        %add3A_337 = arith.addi %mul3A_0, %get3A_336 : i32
        %max3A_338 = arith.maxsi %add3A_332, %add3A_301 : i32
        %min3A_339 = arith.minsi %add3A_337, %min3A_309 : i32
        %sub3A_340 = arith.subi %while3A_328, %mul3A_4 : i32
        %broadcast_in_dim3A = arith.constant 0.000000e+00 : f32
        %broadcast_in_dim3A_341 = vector.broadcast %broadcast_in_dim3A : f32 to vector<16xf32>
        %broadcast_in_dim3A_342 = arith.constant 0.000000e+00 : f32
        %broadcast_in_dim3A_343 = vector.broadcast %broadcast_in_dim3A_342 : f32 to vector<16xf32>
        %broadcast_in_dim3A_344 = arith.constant 0.000000e+00 : f32
        %broadcast_in_dim3A_345 = vector.broadcast %broadcast_in_dim3A_344 : f32 to vector<16xf32>
        %broadcast_in_dim3A_346 = arith.constant 0.000000e+00 : f32
        %broadcast_in_dim3A_347 = vector.broadcast %broadcast_in_dim3A_346 : f32 to vector<16xf32>
        %broadcast_in_dim3A_348 = arith.constant 0.000000e+00 : f32
        %broadcast_in_dim3A_349 = vector.broadcast %broadcast_in_dim3A_348 : f32 to vector<16xf32>
        %broadcast_in_dim3A_350 = arith.constant 0.000000e+00 : f32
        %broadcast_in_dim3A_351 = vector.broadcast %broadcast_in_dim3A_350 : f32 to vector<16xf32>
        %broadcast_in_dim3A_352 = arith.constant 0.000000e+00 : f32
        %broadcast_in_dim3A_353 = vector.broadcast %broadcast_in_dim3A_352 : f32 to vector<16xf32>
        %broadcast_in_dim3A_354 = arith.constant 0.000000e+00 : f32
        %broadcast_in_dim3A_355 = vector.broadcast %broadcast_in_dim3A_354 : f32 to vector<16xf32>
        %parallel_loop3A = arith.constant 1 : i32
        %parallel_loop3A_356:8 = scf.for %parallel_loop3A_400 = %max3A_338 to %min3A_339 step %parallel_loop3A iter_args(%parallel_loop3A_401 = %broadcast_in_dim3A_341, %parallel_loop3A_402 = %broadcast_in_dim3A_343, %parallel_loop3A_403 = %broadcast_in_dim3A_345, %parallel_loop3A_404 = %broadcast_in_dim3A_347, %parallel_loop3A_405 = %broadcast_in_dim3A_349, %parallel_loop3A_406 = %broadcast_in_dim3A_351, %parallel_loop3A_407 = %broadcast_in_dim3A_353, %parallel_loop3A_408 = %broadcast_in_dim3A_355) -> (vector<16xf32>, vector<16xf32>, vector<16xf32>, vector<16xf32>, vector<16xf32>, vector<16xf32>, vector<16xf32>, vector<16xf32>)  : i32 {
          %parallel_loop3A_409 = arith.subi %parallel_loop3A_400, %multiple_of3A_306 : i32
          %parallel_loop3A_410 = arith.index_cast %parallel_loop3A_409 : i32 to index
          %parallel_loop3A_411 = arith.constant 0 : index
          %parallel_loop3A_412 = tpu.vector_load %arg7[%parallel_loop3A_410, %parallel_loop3A_411] {strides = array<i32>} : memref<384x128xf32, #tpu.memory_space<vmem>>, vector<1x16xf32>,
          %parallel_loop3A_413 = vector.shape_cast %parallel_loop3A_412 : vector<1x16xf32> to vector<16xf32>
          %parallel_loop3A_414 = arith.addf %parallel_loop3A_401, %parallel_loop3A_413 : vector<16xf32>
          %parallel_loop3A_415 = arith.index_cast %parallel_loop3A_409 : i32 to index
          %parallel_loop3A_416 = arith.constant 16 : index
          %parallel_loop3A_417 = tpu.vector_load %arg7[%parallel_loop3A_415, %parallel_loop3A_416] {strides = array<i32>} : memref<384x128xf32, #tpu.memory_space<vmem>>, vector<1x16xf32>,
          %parallel_loop3A_418 = vector.shape_cast %parallel_loop3A_417 : vector<1x16xf32> to vector<16xf32>
          %parallel_loop3A_419 = arith.addf %parallel_loop3A_402, %parallel_loop3A_418 : vector<16xf32>
          %parallel_loop3A_420 = arith.index_cast %parallel_loop3A_409 : i32 to index
          %parallel_loop3A_421 = arith.constant 32 : index
          %parallel_loop3A_422 = tpu.vector_load %arg7[%parallel_loop3A_420, %parallel_loop3A_421] {strides = array<i32>} : memref<384x128xf32, #tpu.memory_space<vmem>>, vector<1x16xf32>,
          %parallel_loop3A_423 = vector.shape_cast %parallel_loop3A_422 : vector<1x16xf32> to vector<16xf32>
          %parallel_loop3A_424 = arith.addf %parallel_loop3A_403, %parallel_loop3A_423 : vector<16xf32>
          %parallel_loop3A_425 = arith.index_cast %parallel_loop3A_409 : i32 to index
          %parallel_loop3A_426 = arith.constant 48 : index
          %parallel_loop3A_427 = tpu.vector_load %arg7[%parallel_loop3A_425, %parallel_loop3A_426] {strides = array<i32>} : memref<384x128xf32, #tpu.memory_space<vmem>>, vector<1x16xf32>,
          %parallel_loop3A_428 = vector.shape_cast %parallel_loop3A_427 : vector<1x16xf32> to vector<16xf32>
          %parallel_loop3A_429 = arith.addf %parallel_loop3A_404, %parallel_loop3A_428 : vector<16xf32>
          %parallel_loop3A_430 = arith.index_cast %parallel_loop3A_409 : i32 to index
          %parallel_loop3A_431 = arith.constant 64 : index
          %parallel_loop3A_432 = tpu.vector_load %arg7[%parallel_loop3A_430, %parallel_loop3A_431] {strides = array<i32>} : memref<384x128xf32, #tpu.memory_space<vmem>>, vector<1x16xf32>,
          %parallel_loop3A_433 = vector.shape_cast %parallel_loop3A_432 : vector<1x16xf32> to vector<16xf32>
          %parallel_loop3A_434 = arith.addf %parallel_loop3A_405, %parallel_loop3A_433 : vector<16xf32>
          %parallel_loop3A_435 = arith.index_cast %parallel_loop3A_409 : i32 to index
          %parallel_loop3A_436 = arith.constant 80 : index
          %parallel_loop3A_437 = tpu.vector_load %arg7[%parallel_loop3A_435, %parallel_loop3A_436] {strides = array<i32>} : memref<384x128xf32, #tpu.memory_space<vmem>>, vector<1x16xf32>,
          %parallel_loop3A_438 = vector.shape_cast %parallel_loop3A_437 : vector<1x16xf32> to vector<16xf32>
          %parallel_loop3A_439 = arith.addf %parallel_loop3A_406, %parallel_loop3A_438 : vector<16xf32>
          %parallel_loop3A_440 = arith.index_cast %parallel_loop3A_409 : i32 to index
          %parallel_loop3A_441 = arith.constant 96 : index
          %parallel_loop3A_442 = tpu.vector_load %arg7[%parallel_loop3A_440, %parallel_loop3A_441] {strides = array<i32>} : memref<384x128xf32, #tpu.memory_space<vmem>>, vector<1x16xf32>,
          %parallel_loop3A_443 = vector.shape_cast %parallel_loop3A_442 : vector<1x16xf32> to vector<16xf32>
          %parallel_loop3A_444 = arith.addf %parallel_loop3A_407, %parallel_loop3A_443 : vector<16xf32>
          %parallel_loop3A_445 = arith.index_cast %parallel_loop3A_409 : i32 to index
          %parallel_loop3A_446 = arith.constant 112 : index
          %parallel_loop3A_447 = tpu.vector_load %arg7[%parallel_loop3A_445, %parallel_loop3A_446] {strides = array<i32>} : memref<384x128xf32, #tpu.memory_space<vmem>>, vector<1x16xf32>,
          %parallel_loop3A_448 = vector.shape_cast %parallel_loop3A_447 : vector<1x16xf32> to vector<16xf32>
          %parallel_loop3A_449 = arith.addf %parallel_loop3A_408, %parallel_loop3A_448 : vector<16xf32>
          scf.yield %parallel_loop3A_414, %parallel_loop3A_419, %parallel_loop3A_424, %parallel_loop3A_429, %parallel_loop3A_434, %parallel_loop3A_439, %parallel_loop3A_444, %parallel_loop3A_449 : vector<16xf32>, vector<16xf32>, vector<16xf32>, vector<16xf32>, vector<16xf32>, vector<16xf32>, vector<16xf32>, vector<16xf32>
        } {sc.loop_unroll_factor = 16 : i64, sc.parallel_access}
        %swap3A = arith.index_cast %sub3A_340 : i32 to index
        %swap3A_357 = arith.constant 0 : index
        %swap3A_358 = tpu.vector_load %arg8[%swap3A, %swap3A_357] {strides = array<i32>} : memref<128x128xf32, #tpu.memory_space<vmem>>, vector<1x16xf32>,
        %swap3A_359 = vector.shape_cast %swap3A_358 : vector<1x16xf32> to vector<16xf32>
        %swap3A_360 = vector.shape_cast %parallel_loop3A_356#0 : vector<16xf32> to vector<1x16xf32>
        tpu.vector_store %arg8[%swap3A, %swap3A_357], %swap3A_360 {add = true, strides = array<i32>} : memref<128x128xf32, #tpu.memory_space<vmem>>, vector<1x16xf32>,
        %swap3A_361 = arith.index_cast %sub3A_340 : i32 to index
        %swap3A_362 = arith.constant 16 : index
        %swap3A_363 = tpu.vector_load %arg8[%swap3A_361, %swap3A_362] {strides = array<i32>} : memref<128x128xf32, #tpu.memory_space<vmem>>, vector<1x16xf32>,
        %swap3A_364 = vector.shape_cast %swap3A_363 : vector<1x16xf32> to vector<16xf32>
        %swap3A_365 = vector.shape_cast %parallel_loop3A_356#1 : vector<16xf32> to vector<1x16xf32>
        tpu.vector_store %arg8[%swap3A_361, %swap3A_362], %swap3A_365 {add = true, strides = array<i32>} : memref<128x128xf32, #tpu.memory_space<vmem>>, vector<1x16xf32>,
        %swap3A_366 = arith.index_cast %sub3A_340 : i32 to index
        %swap3A_367 = arith.constant 32 : index
        %swap3A_368 = tpu.vector_load %arg8[%swap3A_366, %swap3A_367] {strides = array<i32>} : memref<128x128xf32, #tpu.memory_space<vmem>>, vector<1x16xf32>,
        %swap3A_369 = vector.shape_cast %swap3A_368 : vector<1x16xf32> to vector<16xf32>
        %swap3A_370 = vector.shape_cast %parallel_loop3A_356#2 : vector<16xf32> to vector<1x16xf32>
        tpu.vector_store %arg8[%swap3A_366, %swap3A_367], %swap3A_370 {add = true, strides = array<i32>} : memref<128x128xf32, #tpu.memory_space<vmem>>, vector<1x16xf32>,
        %swap3A_371 = arith.index_cast %sub3A_340 : i32 to index
        %swap3A_372 = arith.constant 48 : index
        %swap3A_373 = tpu.vector_load %arg8[%swap3A_371, %swap3A_372] {strides = array<i32>} : memref<128x128xf32, #tpu.memory_space<vmem>>, vector<1x16xf32>,
        %swap3A_374 = vector.shape_cast %swap3A_373 : vector<1x16xf32> to vector<16xf32>
        %swap3A_375 = vector.shape_cast %parallel_loop3A_356#3 : vector<16xf32> to vector<1x16xf32>
        tpu.vector_store %arg8[%swap3A_371, %swap3A_372], %swap3A_375 {add = true, strides = array<i32>} : memref<128x128xf32, #tpu.memory_space<vmem>>, vector<1x16xf32>,
        %swap3A_376 = arith.index_cast %sub3A_340 : i32 to index
        %swap3A_377 = arith.constant 64 : index
        %swap3A_378 = tpu.vector_load %arg8[%swap3A_376, %swap3A_377] {strides = array<i32>} : memref<128x128xf32, #tpu.memory_space<vmem>>, vector<1x16xf32>,
        %swap3A_379 = vector.shape_cast %swap3A_378 : vector<1x16xf32> to vector<16xf32>
        %swap3A_380 = vector.shape_cast %parallel_loop3A_356#4 : vector<16xf32> to vector<1x16xf32>
        tpu.vector_store %arg8[%swap3A_376, %swap3A_377], %swap3A_380 {add = true, strides = array<i32>} : memref<128x128xf32, #tpu.memory_space<vmem>>, vector<1x16xf32>,
        %swap3A_381 = arith.index_cast %sub3A_340 : i32 to index
        %swap3A_382 = arith.constant 80 : index
        %swap3A_383 = tpu.vector_load %arg8[%swap3A_381, %swap3A_382] {strides = array<i32>} : memref<128x128xf32, #tpu.memory_space<vmem>>, vector<1x16xf32>,
        %swap3A_384 = vector.shape_cast %swap3A_383 : vector<1x16xf32> to vector<16xf32>
        %swap3A_385 = vector.shape_cast %parallel_loop3A_356#5 : vector<16xf32> to vector<1x16xf32>
        tpu.vector_store %arg8[%swap3A_381, %swap3A_382], %swap3A_385 {add = true, strides = array<i32>} : memref<128x128xf32, #tpu.memory_space<vmem>>, vector<1x16xf32>,
        %swap3A_386 = arith.index_cast %sub3A_340 : i32 to index
        %swap3A_387 = arith.constant 96 : index
        %swap3A_388 = tpu.vector_load %arg8[%swap3A_386, %swap3A_387] {strides = array<i32>} : memref<128x128xf32, #tpu.memory_space<vmem>>, vector<1x16xf32>,
        %swap3A_389 = vector.shape_cast %swap3A_388 : vector<1x16xf32> to vector<16xf32>
        %swap3A_390 = vector.shape_cast %parallel_loop3A_356#6 : vector<16xf32> to vector<1x16xf32>
        tpu.vector_store %arg8[%swap3A_386, %swap3A_387], %swap3A_390 {add = true, strides = array<i32>} : memref<128x128xf32, #tpu.memory_space<vmem>>, vector<1x16xf32>,
        %swap3A_391 = arith.index_cast %sub3A_340 : i32 to index
        %swap3A_392 = arith.constant 112 : index
        %swap3A_393 = tpu.vector_load %arg8[%swap3A_391, %swap3A_392] {strides = array<i32>} : memref<128x128xf32, #tpu.memory_space<vmem>>, vector<1x16xf32>,
        %swap3A_394 = vector.shape_cast %swap3A_393 : vector<1x16xf32> to vector<16xf32>
        %swap3A_395 = vector.shape_cast %parallel_loop3A_356#7 : vector<16xf32> to vector<1x16xf32>
        tpu.vector_store %arg8[%swap3A_391, %swap3A_392], %swap3A_395 {add = true, strides = array<i32>} : memref<128x128xf32, #tpu.memory_space<vmem>>, vector<1x16xf32>,
        %le3A = arith.cmpi sle, %add3A_337, %min3A_309 : i32
        %jit3A_396 = arith.constant 1 : i32
        %jit3A_397 = arith.constant 0 : i32
        %select_n3A_398 = arith.select %le3A, %jit3A_396, %jit3A_397 : i32
        %add3A_399 = arith.addi %while3A_329, %select_n3A_398 : i32
        scf.yield %add3A_399 : i32
      }
      scf.yield %while3A_327 : i32
    }
    %while3A_184 = arith.constant 1 : i32
    %while3A_185 = scf.for %while3A_223 = %while3A_181 to %while3A_177 step %while3A_184 iter_args(%while3A_224 = %while3A_183) -> (i32)  : i32 {
      %mul3A_225 = arith.constant 2 : i32
      %mul3A_226 = arith.muli %mul3A_225, %while3A_223 : i32
      %add3A_227 = arith.constant 1 : i32
      %add3A_228 = arith.addi %mul3A_226, %add3A_227 : i32
      %mul3A_229 = arith.constant 384 : i32
      %mul3A_230 = arith.muli %add3A_228, %mul3A_229 : i32
      %add3A_231 = arith.addi %mul3A_35, %mul3A_230 : i32
      %jit3A_232 = arith.constant 0 : i32
      %jit3A_233 = arith.constant 65152 : i32
      %max3A = arith.maxsi %jit3A_232, %add3A_231 : i32
      %min3A = arith.minsi %jit3A_233, %max3A : i32
      %multiple_of3A = tpu.assume_multiple %min3A, 8 : i32
      %dma_start3A = arith.constant 0 : i32
      %dma_start3A_234 = tpu.memref_slice %arg2[%multiple_of3A, %dma_start3A] : memref<65536x128xf32, #tpu.memory_space<hbm>> -> memref<384x128xf32, #tpu.memory_space<hbm>>
      %dma_start3A_235 = arith.constant 0 : i32
      %dma_start3A_236 = tpu.memref_slice %arg2[%multiple_of3A, %dma_start3A_235] : memref<65536x128xf32, #tpu.memory_space<hbm>> -> memref<384x128xf32, #tpu.memory_space<hbm>>
      tpu.enqueue_dma source(%dma_start3A_236 : memref<384x128xf32, #tpu.memory_space<hbm>>) target(%arg7 : memref<384x128xf32, #tpu.memory_space<vmem>>) target_semaphore(%arg12 : memref<!tpu.dma_semaphore, #tpu.memory_space<semaphore_mem>>)
      %mul3A_237 = arith.constant 384 : i32
      %mul3A_238 = arith.muli %mul3A_226, %mul3A_237 : i32
      %add3A_239 = arith.addi %mul3A_35, %mul3A_238 : i32
      %jit3A_240 = arith.constant 0 : i32
      %jit3A_241 = arith.constant 65152 : i32
      %max3A_242 = arith.maxsi %jit3A_240, %add3A_239 : i32
      %min3A_243 = arith.minsi %jit3A_241, %max3A_242 : i32
      %multiple_of3A_244 = tpu.assume_multiple %min3A_243, 8 : i32
      %dma_wait3A = arith.constant 0 : i32
      %dma_wait3A_245 = tpu.memref_slice %arg2[%multiple_of3A_244, %dma_wait3A] : memref<65536x128xf32, #tpu.memory_space<hbm>> -> memref<384x128xf32, #tpu.memory_space<hbm>>
      %dma_wait3A_246 = arith.constant 0 : i32
      %dma_wait3A_247 = tpu.memref_slice %arg2[%multiple_of3A_244, %dma_wait3A_246] : memref<65536x128xf32, #tpu.memory_space<hbm>> -> memref<384x128xf32, #tpu.memory_space<hbm>>
      tpu.wait_dma2 semaphore(%arg11 : memref<!tpu.dma_semaphore, #tpu.memory_space<semaphore_mem>>) src(%dma_wait3A_247 : memref<384x128xf32, #tpu.memory_space<hbm>>) dst(%arg6 : memref<384x128xf32, #tpu.memory_space<vmem>>)
      %mul3A_248 = arith.constant 384 : i32
      %mul3A_249 = arith.muli %mul3A_226, %mul3A_248 : i32
      %add3A_250 = arith.addi %mul3A_35, %mul3A_249 : i32
      %jit3A_251 = arith.constant 0 : i32
      %jit3A_252 = arith.constant 65152 : i32
      %max3A_253 = arith.maxsi %jit3A_251, %add3A_250 : i32
      %min3A_254 = arith.minsi %jit3A_252, %max3A_253 : i32
      %multiple_of3A_255 = tpu.assume_multiple %min3A_254, 8 : i32
      %add3A_256 = arith.constant 384 : i32
      %add3A_257 = arith.addi %add3A_250, %add3A_256 : i32
      %min3A_258 = arith.minsi %add3A_257, %add3A_16 : i32
      %jit3A_259 = arith.constant 0 : i32
      %jit3A_260 = arith.constant 13 : i32
      %max3A_261 = arith.maxsi %jit3A_259, %mul3A_226 : i32
      %min3A_262 = arith.minsi %jit3A_260, %max3A_261 : i32
      %get3A_263 = arith.index_cast %min3A_262 : i32 to index
      %get3A_264 = memref.load %arg10[%get3A_263] : memref<14xi32, #tpu.memory_space<smem>>
      %add3A_265 = arith.constant 1 : i32
      %add3A_266 = arith.addi %get3A_264, %add3A_265 : i32
      %while3A_267 = arith.subi %add3A_266, %while3A_224 : i32
      %while3A_268 = arith.addi %while3A_224, %while3A_267 : i32
      %while3A_269 = arith.constant 1 : i32
      %while3A_270 = arith.divsi %while3A_267, %while3A_269 : i32
      %while3A_271 = arith.muli %while3A_270, %while3A_269 : i32
      %while3A_272 = arith.addi %while3A_224, %while3A_271 : i32
      %while3A_273 = arith.constant 1 : i32
      %while3A_274 = scf.for %while3A_328 = %while3A_224 to %while3A_272 step %while3A_273 iter_args(%while3A_329 = %while3A_224) -> (i32)  : i32 {
        %get3A_330 = arith.index_cast %while3A_328 : i32 to index
        %get3A_331 = memref.load %arg9[%get3A_330] : memref<256xi32, #tpu.memory_space<smem>>
        %add3A_332 = arith.addi %mul3A_0, %get3A_331 : i32
        %add3A_333 = arith.constant 1 : i32
        %add3A_334 = arith.addi %while3A_328, %add3A_333 : i32
        %get3A_335 = arith.index_cast %add3A_334 : i32 to index
        %get3A_336 = memref.load %arg9[%get3A_335] : memref<256xi32, #tpu.memory_space<smem>>
        %add3A_337 = arith.addi %mul3A_0, %get3A_336 : i32
        %max3A_338 = arith.maxsi %add3A_332, %add3A_250 : i32
        %min3A_339 = arith.minsi %add3A_337, %min3A_258 : i32
        %sub3A_340 = arith.subi %while3A_328, %mul3A_4 : i32
        %broadcast_in_dim3A = arith.constant 0.000000e+00 : f32
        %broadcast_in_dim3A_341 = vector.broadcast %broadcast_in_dim3A : f32 to vector<16xf32>
        %broadcast_in_dim3A_342 = arith.constant 0.000000e+00 : f32
        %broadcast_in_dim3A_343 = vector.broadcast %broadcast_in_dim3A_342 : f32 to vector<16xf32>
        %broadcast_in_dim3A_344 = arith.constant 0.000000e+00 : f32
        %broadcast_in_dim3A_345 = vector.broadcast %broadcast_in_dim3A_344 : f32 to vector<16xf32>
        %broadcast_in_dim3A_346 = arith.constant 0.000000e+00 : f32
        %broadcast_in_dim3A_347 = vector.broadcast %broadcast_in_dim3A_346 : f32 to vector<16xf32>
        %broadcast_in_dim3A_348 = arith.constant 0.000000e+00 : f32
        %broadcast_in_dim3A_349 = vector.broadcast %broadcast_in_dim3A_348 : f32 to vector<16xf32>
        %broadcast_in_dim3A_350 = arith.constant 0.000000e+00 : f32
        %broadcast_in_dim3A_351 = vector.broadcast %broadcast_in_dim3A_350 : f32 to vector<16xf32>
        %broadcast_in_dim3A_352 = arith.constant 0.000000e+00 : f32
        %broadcast_in_dim3A_353 = vector.broadcast %broadcast_in_dim3A_352 : f32 to vector<16xf32>
        %broadcast_in_dim3A_354 = arith.constant 0.000000e+00 : f32
        %broadcast_in_dim3A_355 = vector.broadcast %broadcast_in_dim3A_354 : f32 to vector<16xf32>
        %parallel_loop3A = arith.constant 1 : i32
        %parallel_loop3A_356:8 = scf.for %parallel_loop3A_400 = %max3A_338 to %min3A_339 step %parallel_loop3A iter_args(%parallel_loop3A_401 = %broadcast_in_dim3A_341, %parallel_loop3A_402 = %broadcast_in_dim3A_343, %parallel_loop3A_403 = %broadcast_in_dim3A_345, %parallel_loop3A_404 = %broadcast_in_dim3A_347, %parallel_loop3A_405 = %broadcast_in_dim3A_349, %parallel_loop3A_406 = %broadcast_in_dim3A_351, %parallel_loop3A_407 = %broadcast_in_dim3A_353, %parallel_loop3A_408 = %broadcast_in_dim3A_355) -> (vector<16xf32>, vector<16xf32>, vector<16xf32>, vector<16xf32>, vector<16xf32>, vector<16xf32>, vector<16xf32>, vector<16xf32>)  : i32 {
          %parallel_loop3A_409 = arith.subi %parallel_loop3A_400, %multiple_of3A_255 : i32
          %parallel_loop3A_410 = arith.index_cast %parallel_loop3A_409 : i32 to index
          %parallel_loop3A_411 = arith.constant 0 : index
          %parallel_loop3A_412 = tpu.vector_load %arg6[%parallel_loop3A_410, %parallel_loop3A_411] {strides = array<i32>} : memref<384x128xf32, #tpu.memory_space<vmem>>, vector<1x16xf32>,
          %parallel_loop3A_413 = vector.shape_cast %parallel_loop3A_412 : vector<1x16xf32> to vector<16xf32>
          %parallel_loop3A_414 = arith.addf %parallel_loop3A_401, %parallel_loop3A_413 : vector<16xf32>
          %parallel_loop3A_415 = arith.index_cast %parallel_loop3A_409 : i32 to index
          %parallel_loop3A_416 = arith.constant 16 : index
          %parallel_loop3A_417 = tpu.vector_load %arg6[%parallel_loop3A_415, %parallel_loop3A_416] {strides = array<i32>} : memref<384x128xf32, #tpu.memory_space<vmem>>, vector<1x16xf32>,
          %parallel_loop3A_418 = vector.shape_cast %parallel_loop3A_417 : vector<1x16xf32> to vector<16xf32>
          %parallel_loop3A_419 = arith.addf %parallel_loop3A_402, %parallel_loop3A_418 : vector<16xf32>
          %parallel_loop3A_420 = arith.index_cast %parallel_loop3A_409 : i32 to index
          %parallel_loop3A_421 = arith.constant 32 : index
          %parallel_loop3A_422 = tpu.vector_load %arg6[%parallel_loop3A_420, %parallel_loop3A_421] {strides = array<i32>} : memref<384x128xf32, #tpu.memory_space<vmem>>, vector<1x16xf32>,
          %parallel_loop3A_423 = vector.shape_cast %parallel_loop3A_422 : vector<1x16xf32> to vector<16xf32>
          %parallel_loop3A_424 = arith.addf %parallel_loop3A_403, %parallel_loop3A_423 : vector<16xf32>
          %parallel_loop3A_425 = arith.index_cast %parallel_loop3A_409 : i32 to index
          %parallel_loop3A_426 = arith.constant 48 : index
          %parallel_loop3A_427 = tpu.vector_load %arg6[%parallel_loop3A_425, %parallel_loop3A_426] {strides = array<i32>} : memref<384x128xf32, #tpu.memory_space<vmem>>, vector<1x16xf32>,
          %parallel_loop3A_428 = vector.shape_cast %parallel_loop3A_427 : vector<1x16xf32> to vector<16xf32>
          %parallel_loop3A_429 = arith.addf %parallel_loop3A_404, %parallel_loop3A_428 : vector<16xf32>
          %parallel_loop3A_430 = arith.index_cast %parallel_loop3A_409 : i32 to index
          %parallel_loop3A_431 = arith.constant 64 : index
          %parallel_loop3A_432 = tpu.vector_load %arg6[%parallel_loop3A_430, %parallel_loop3A_431] {strides = array<i32>} : memref<384x128xf32, #tpu.memory_space<vmem>>, vector<1x16xf32>,
          %parallel_loop3A_433 = vector.shape_cast %parallel_loop3A_432 : vector<1x16xf32> to vector<16xf32>
          %parallel_loop3A_434 = arith.addf %parallel_loop3A_405, %parallel_loop3A_433 : vector<16xf32>
          %parallel_loop3A_435 = arith.index_cast %parallel_loop3A_409 : i32 to index
          %parallel_loop3A_436 = arith.constant 80 : index
          %parallel_loop3A_437 = tpu.vector_load %arg6[%parallel_loop3A_435, %parallel_loop3A_436] {strides = array<i32>} : memref<384x128xf32, #tpu.memory_space<vmem>>, vector<1x16xf32>,
          %parallel_loop3A_438 = vector.shape_cast %parallel_loop3A_437 : vector<1x16xf32> to vector<16xf32>
          %parallel_loop3A_439 = arith.addf %parallel_loop3A_406, %parallel_loop3A_438 : vector<16xf32>
          %parallel_loop3A_440 = arith.index_cast %parallel_loop3A_409 : i32 to index
          %parallel_loop3A_441 = arith.constant 96 : index
          %parallel_loop3A_442 = tpu.vector_load %arg6[%parallel_loop3A_440, %parallel_loop3A_441] {strides = array<i32>} : memref<384x128xf32, #tpu.memory_space<vmem>>, vector<1x16xf32>,
          %parallel_loop3A_443 = vector.shape_cast %parallel_loop3A_442 : vector<1x16xf32> to vector<16xf32>
          %parallel_loop3A_444 = arith.addf %parallel_loop3A_407, %parallel_loop3A_443 : vector<16xf32>
          %parallel_loop3A_445 = arith.index_cast %parallel_loop3A_409 : i32 to index
          %parallel_loop3A_446 = arith.constant 112 : index
          %parallel_loop3A_447 = tpu.vector_load %arg6[%parallel_loop3A_445, %parallel_loop3A_446] {strides = array<i32>} : memref<384x128xf32, #tpu.memory_space<vmem>>, vector<1x16xf32>,
          %parallel_loop3A_448 = vector.shape_cast %parallel_loop3A_447 : vector<1x16xf32> to vector<16xf32>
          %parallel_loop3A_449 = arith.addf %parallel_loop3A_408, %parallel_loop3A_448 : vector<16xf32>
          scf.yield %parallel_loop3A_414, %parallel_loop3A_419, %parallel_loop3A_424, %parallel_loop3A_429, %parallel_loop3A_434, %parallel_loop3A_439, %parallel_loop3A_444, %parallel_loop3A_449 : vector<16xf32>, vector<16xf32>, vector<16xf32>, vector<16xf32>, vector<16xf32>, vector<16xf32>, vector<16xf32>, vector<16xf32>
        } {sc.loop_unroll_factor = 16 : i64, sc.parallel_access}
        %swap3A = arith.index_cast %sub3A_340 : i32 to index
        %swap3A_357 = arith.constant 0 : index
        %swap3A_358 = tpu.vector_load %arg8[%swap3A, %swap3A_357] {strides = array<i32>} : memref<128x128xf32, #tpu.memory_space<vmem>>, vector<1x16xf32>,
        %swap3A_359 = vector.shape_cast %swap3A_358 : vector<1x16xf32> to vector<16xf32>
        %swap3A_360 = vector.shape_cast %parallel_loop3A_356#0 : vector<16xf32> to vector<1x16xf32>
        tpu.vector_store %arg8[%swap3A, %swap3A_357], %swap3A_360 {add = true, strides = array<i32>} : memref<128x128xf32, #tpu.memory_space<vmem>>, vector<1x16xf32>,
        %swap3A_361 = arith.index_cast %sub3A_340 : i32 to index
        %swap3A_362 = arith.constant 16 : index
        %swap3A_363 = tpu.vector_load %arg8[%swap3A_361, %swap3A_362] {strides = array<i32>} : memref<128x128xf32, #tpu.memory_space<vmem>>, vector<1x16xf32>,
        %swap3A_364 = vector.shape_cast %swap3A_363 : vector<1x16xf32> to vector<16xf32>
        %swap3A_365 = vector.shape_cast %parallel_loop3A_356#1 : vector<16xf32> to vector<1x16xf32>
        tpu.vector_store %arg8[%swap3A_361, %swap3A_362], %swap3A_365 {add = true, strides = array<i32>} : memref<128x128xf32, #tpu.memory_space<vmem>>, vector<1x16xf32>,
        %swap3A_366 = arith.index_cast %sub3A_340 : i32 to index
        %swap3A_367 = arith.constant 32 : index
        %swap3A_368 = tpu.vector_load %arg8[%swap3A_366, %swap3A_367] {strides = array<i32>} : memref<128x128xf32, #tpu.memory_space<vmem>>, vector<1x16xf32>,
        %swap3A_369 = vector.shape_cast %swap3A_368 : vector<1x16xf32> to vector<16xf32>
        %swap3A_370 = vector.shape_cast %parallel_loop3A_356#2 : vector<16xf32> to vector<1x16xf32>
        tpu.vector_store %arg8[%swap3A_366, %swap3A_367], %swap3A_370 {add = true, strides = array<i32>} : memref<128x128xf32, #tpu.memory_space<vmem>>, vector<1x16xf32>,
        %swap3A_371 = arith.index_cast %sub3A_340 : i32 to index
        %swap3A_372 = arith.constant 48 : index
        %swap3A_373 = tpu.vector_load %arg8[%swap3A_371, %swap3A_372] {strides = array<i32>} : memref<128x128xf32, #tpu.memory_space<vmem>>, vector<1x16xf32>,
        %swap3A_374 = vector.shape_cast %swap3A_373 : vector<1x16xf32> to vector<16xf32>
        %swap3A_375 = vector.shape_cast %parallel_loop3A_356#3 : vector<16xf32> to vector<1x16xf32>
        tpu.vector_store %arg8[%swap3A_371, %swap3A_372], %swap3A_375 {add = true, strides = array<i32>} : memref<128x128xf32, #tpu.memory_space<vmem>>, vector<1x16xf32>,
        %swap3A_376 = arith.index_cast %sub3A_340 : i32 to index
        %swap3A_377 = arith.constant 64 : index
        %swap3A_378 = tpu.vector_load %arg8[%swap3A_376, %swap3A_377] {strides = array<i32>} : memref<128x128xf32, #tpu.memory_space<vmem>>, vector<1x16xf32>,
        %swap3A_379 = vector.shape_cast %swap3A_378 : vector<1x16xf32> to vector<16xf32>
        %swap3A_380 = vector.shape_cast %parallel_loop3A_356#4 : vector<16xf32> to vector<1x16xf32>
        tpu.vector_store %arg8[%swap3A_376, %swap3A_377], %swap3A_380 {add = true, strides = array<i32>} : memref<128x128xf32, #tpu.memory_space<vmem>>, vector<1x16xf32>,
        %swap3A_381 = arith.index_cast %sub3A_340 : i32 to index
        %swap3A_382 = arith.constant 80 : index
        %swap3A_383 = tpu.vector_load %arg8[%swap3A_381, %swap3A_382] {strides = array<i32>} : memref<128x128xf32, #tpu.memory_space<vmem>>, vector<1x16xf32>,
        %swap3A_384 = vector.shape_cast %swap3A_383 : vector<1x16xf32> to vector<16xf32>
        %swap3A_385 = vector.shape_cast %parallel_loop3A_356#5 : vector<16xf32> to vector<1x16xf32>
        tpu.vector_store %arg8[%swap3A_381, %swap3A_382], %swap3A_385 {add = true, strides = array<i32>} : memref<128x128xf32, #tpu.memory_space<vmem>>, vector<1x16xf32>,
        %swap3A_386 = arith.index_cast %sub3A_340 : i32 to index
        %swap3A_387 = arith.constant 96 : index
        %swap3A_388 = tpu.vector_load %arg8[%swap3A_386, %swap3A_387] {strides = array<i32>} : memref<128x128xf32, #tpu.memory_space<vmem>>, vector<1x16xf32>,
        %swap3A_389 = vector.shape_cast %swap3A_388 : vector<1x16xf32> to vector<16xf32>
        %swap3A_390 = vector.shape_cast %parallel_loop3A_356#6 : vector<16xf32> to vector<1x16xf32>
        tpu.vector_store %arg8[%swap3A_386, %swap3A_387], %swap3A_390 {add = true, strides = array<i32>} : memref<128x128xf32, #tpu.memory_space<vmem>>, vector<1x16xf32>,
        %swap3A_391 = arith.index_cast %sub3A_340 : i32 to index
        %swap3A_392 = arith.constant 112 : index
        %swap3A_393 = tpu.vector_load %arg8[%swap3A_391, %swap3A_392] {strides = array<i32>} : memref<128x128xf32, #tpu.memory_space<vmem>>, vector<1x16xf32>,
        %swap3A_394 = vector.shape_cast %swap3A_393 : vector<1x16xf32> to vector<16xf32>
        %swap3A_395 = vector.shape_cast %parallel_loop3A_356#7 : vector<16xf32> to vector<1x16xf32>
        tpu.vector_store %arg8[%swap3A_391, %swap3A_392], %swap3A_395 {add = true, strides = array<i32>} : memref<128x128xf32, #tpu.memory_space<vmem>>, vector<1x16xf32>,
        %le3A = arith.cmpi sle, %add3A_337, %min3A_258 : i32
        %jit3A_396 = arith.constant 1 : i32
        %jit3A_397 = arith.constant 0 : i32
        %select_n3A_398 = arith.select %le3A, %jit3A_396, %jit3A_397 : i32
        %add3A_399 = arith.addi %while3A_329, %select_n3A_398 : i32
        scf.yield %add3A_399 : i32
      }
      %while3A_275 = arith.constant 1 : i32
      %while3A_276 = scf.for %while3A_328 = %while3A_272 to %while3A_268 step %while3A_275 iter_args(%while3A_329 = %while3A_274) -> (i32)  : i32 {
        %get3A_330 = arith.index_cast %while3A_328 : i32 to index
        %get3A_331 = memref.load %arg9[%get3A_330] : memref<256xi32, #tpu.memory_space<smem>>
        %add3A_332 = arith.addi %mul3A_0, %get3A_331 : i32
        %add3A_333 = arith.constant 1 : i32
        %add3A_334 = arith.addi %while3A_328, %add3A_333 : i32
        %get3A_335 = arith.index_cast %add3A_334 : i32 to index
        %get3A_336 = memref.load %arg9[%get3A_335] : memref<256xi32, #tpu.memory_space<smem>>
        %add3A_337 = arith.addi %mul3A_0, %get3A_336 : i32
        %max3A_338 = arith.maxsi %add3A_332, %add3A_250 : i32
        %min3A_339 = arith.minsi %add3A_337, %min3A_258 : i32
        %sub3A_340 = arith.subi %while3A_328, %mul3A_4 : i32
        %broadcast_in_dim3A = arith.constant 0.000000e+00 : f32
        %broadcast_in_dim3A_341 = vector.broadcast %broadcast_in_dim3A : f32 to vector<16xf32>
        %broadcast_in_dim3A_342 = arith.constant 0.000000e+00 : f32
        %broadcast_in_dim3A_343 = vector.broadcast %broadcast_in_dim3A_342 : f32 to vector<16xf32>
        %broadcast_in_dim3A_344 = arith.constant 0.000000e+00 : f32
        %broadcast_in_dim3A_345 = vector.broadcast %broadcast_in_dim3A_344 : f32 to vector<16xf32>
        %broadcast_in_dim3A_346 = arith.constant 0.000000e+00 : f32
        %broadcast_in_dim3A_347 = vector.broadcast %broadcast_in_dim3A_346 : f32 to vector<16xf32>
        %broadcast_in_dim3A_348 = arith.constant 0.000000e+00 : f32
        %broadcast_in_dim3A_349 = vector.broadcast %broadcast_in_dim3A_348 : f32 to vector<16xf32>
        %broadcast_in_dim3A_350 = arith.constant 0.000000e+00 : f32
        %broadcast_in_dim3A_351 = vector.broadcast %broadcast_in_dim3A_350 : f32 to vector<16xf32>
        %broadcast_in_dim3A_352 = arith.constant 0.000000e+00 : f32
        %broadcast_in_dim3A_353 = vector.broadcast %broadcast_in_dim3A_352 : f32 to vector<16xf32>
        %broadcast_in_dim3A_354 = arith.constant 0.000000e+00 : f32
        %broadcast_in_dim3A_355 = vector.broadcast %broadcast_in_dim3A_354 : f32 to vector<16xf32>
        %parallel_loop3A = arith.constant 1 : i32
        %parallel_loop3A_356:8 = scf.for %parallel_loop3A_400 = %max3A_338 to %min3A_339 step %parallel_loop3A iter_args(%parallel_loop3A_401 = %broadcast_in_dim3A_341, %parallel_loop3A_402 = %broadcast_in_dim3A_343, %parallel_loop3A_403 = %broadcast_in_dim3A_345, %parallel_loop3A_404 = %broadcast_in_dim3A_347, %parallel_loop3A_405 = %broadcast_in_dim3A_349, %parallel_loop3A_406 = %broadcast_in_dim3A_351, %parallel_loop3A_407 = %broadcast_in_dim3A_353, %parallel_loop3A_408 = %broadcast_in_dim3A_355) -> (vector<16xf32>, vector<16xf32>, vector<16xf32>, vector<16xf32>, vector<16xf32>, vector<16xf32>, vector<16xf32>, vector<16xf32>)  : i32 {
          %parallel_loop3A_409 = arith.subi %parallel_loop3A_400, %multiple_of3A_255 : i32
          %parallel_loop3A_410 = arith.index_cast %parallel_loop3A_409 : i32 to index
          %parallel_loop3A_411 = arith.constant 0 : index
          %parallel_loop3A_412 = tpu.vector_load %arg6[%parallel_loop3A_410, %parallel_loop3A_411] {strides = array<i32>} : memref<384x128xf32, #tpu.memory_space<vmem>>, vector<1x16xf32>,
          %parallel_loop3A_413 = vector.shape_cast %parallel_loop3A_412 : vector<1x16xf32> to vector<16xf32>
          %parallel_loop3A_414 = arith.addf %parallel_loop3A_401, %parallel_loop3A_413 : vector<16xf32>
          %parallel_loop3A_415 = arith.index_cast %parallel_loop3A_409 : i32 to index
          %parallel_loop3A_416 = arith.constant 16 : index
          %parallel_loop3A_417 = tpu.vector_load %arg6[%parallel_loop3A_415, %parallel_loop3A_416] {strides = array<i32>} : memref<384x128xf32, #tpu.memory_space<vmem>>, vector<1x16xf32>,
          %parallel_loop3A_418 = vector.shape_cast %parallel_loop3A_417 : vector<1x16xf32> to vector<16xf32>
          %parallel_loop3A_419 = arith.addf %parallel_loop3A_402, %parallel_loop3A_418 : vector<16xf32>
          %parallel_loop3A_420 = arith.index_cast %parallel_loop3A_409 : i32 to index
          %parallel_loop3A_421 = arith.constant 32 : index
          %parallel_loop3A_422 = tpu.vector_load %arg6[%parallel_loop3A_420, %parallel_loop3A_421] {strides = array<i32>} : memref<384x128xf32, #tpu.memory_space<vmem>>, vector<1x16xf32>,
          %parallel_loop3A_423 = vector.shape_cast %parallel_loop3A_422 : vector<1x16xf32> to vector<16xf32>
          %parallel_loop3A_424 = arith.addf %parallel_loop3A_403, %parallel_loop3A_423 : vector<16xf32>
          %parallel_loop3A_425 = arith.index_cast %parallel_loop3A_409 : i32 to index
          %parallel_loop3A_426 = arith.constant 48 : index
          %parallel_loop3A_427 = tpu.vector_load %arg6[%parallel_loop3A_425, %parallel_loop3A_426] {strides = array<i32>} : memref<384x128xf32, #tpu.memory_space<vmem>>, vector<1x16xf32>,
          %parallel_loop3A_428 = vector.shape_cast %parallel_loop3A_427 : vector<1x16xf32> to vector<16xf32>
          %parallel_loop3A_429 = arith.addf %parallel_loop3A_404, %parallel_loop3A_428 : vector<16xf32>
          %parallel_loop3A_430 = arith.index_cast %parallel_loop3A_409 : i32 to index
          %parallel_loop3A_431 = arith.constant 64 : index
          %parallel_loop3A_432 = tpu.vector_load %arg6[%parallel_loop3A_430, %parallel_loop3A_431] {strides = array<i32>} : memref<384x128xf32, #tpu.memory_space<vmem>>, vector<1x16xf32>,
          %parallel_loop3A_433 = vector.shape_cast %parallel_loop3A_432 : vector<1x16xf32> to vector<16xf32>
          %parallel_loop3A_434 = arith.addf %parallel_loop3A_405, %parallel_loop3A_433 : vector<16xf32>
          %parallel_loop3A_435 = arith.index_cast %parallel_loop3A_409 : i32 to index
          %parallel_loop3A_436 = arith.constant 80 : index
          %parallel_loop3A_437 = tpu.vector_load %arg6[%parallel_loop3A_435, %parallel_loop3A_436] {strides = array<i32>} : memref<384x128xf32, #tpu.memory_space<vmem>>, vector<1x16xf32>,
          %parallel_loop3A_438 = vector.shape_cast %parallel_loop3A_437 : vector<1x16xf32> to vector<16xf32>
          %parallel_loop3A_439 = arith.addf %parallel_loop3A_406, %parallel_loop3A_438 : vector<16xf32>
          %parallel_loop3A_440 = arith.index_cast %parallel_loop3A_409 : i32 to index
          %parallel_loop3A_441 = arith.constant 96 : index
          %parallel_loop3A_442 = tpu.vector_load %arg6[%parallel_loop3A_440, %parallel_loop3A_441] {strides = array<i32>} : memref<384x128xf32, #tpu.memory_space<vmem>>, vector<1x16xf32>,
          %parallel_loop3A_443 = vector.shape_cast %parallel_loop3A_442 : vector<1x16xf32> to vector<16xf32>
          %parallel_loop3A_444 = arith.addf %parallel_loop3A_407, %parallel_loop3A_443 : vector<16xf32>
          %parallel_loop3A_445 = arith.index_cast %parallel_loop3A_409 : i32 to index
          %parallel_loop3A_446 = arith.constant 112 : index
          %parallel_loop3A_447 = tpu.vector_load %arg6[%parallel_loop3A_445, %parallel_loop3A_446] {strides = array<i32>} : memref<384x128xf32, #tpu.memory_space<vmem>>, vector<1x16xf32>,
          %parallel_loop3A_448 = vector.shape_cast %parallel_loop3A_447 : vector<1x16xf32> to vector<16xf32>
          %parallel_loop3A_449 = arith.addf %parallel_loop3A_408, %parallel_loop3A_448 : vector<16xf32>
          scf.yield %parallel_loop3A_414, %parallel_loop3A_419, %parallel_loop3A_424, %parallel_loop3A_429, %parallel_loop3A_434, %parallel_loop3A_439, %parallel_loop3A_444, %parallel_loop3A_449 : vector<16xf32>, vector<16xf32>, vector<16xf32>, vector<16xf32>, vector<16xf32>, vector<16xf32>, vector<16xf32>, vector<16xf32>
        } {sc.loop_unroll_factor = 16 : i64, sc.parallel_access}
        %swap3A = arith.index_cast %sub3A_340 : i32 to index
        %swap3A_357 = arith.constant 0 : index
        %swap3A_358 = tpu.vector_load %arg8[%swap3A, %swap3A_357] {strides = array<i32>} : memref<128x128xf32, #tpu.memory_space<vmem>>, vector<1x16xf32>,
        %swap3A_359 = vector.shape_cast %swap3A_358 : vector<1x16xf32> to vector<16xf32>
        %swap3A_360 = vector.shape_cast %parallel_loop3A_356#0 : vector<16xf32> to vector<1x16xf32>
        tpu.vector_store %arg8[%swap3A, %swap3A_357], %swap3A_360 {add = true, strides = array<i32>} : memref<128x128xf32, #tpu.memory_space<vmem>>, vector<1x16xf32>,
        %swap3A_361 = arith.index_cast %sub3A_340 : i32 to index
        %swap3A_362 = arith.constant 16 : index
        %swap3A_363 = tpu.vector_load %arg8[%swap3A_361, %swap3A_362] {strides = array<i32>} : memref<128x128xf32, #tpu.memory_space<vmem>>, vector<1x16xf32>,
        %swap3A_364 = vector.shape_cast %swap3A_363 : vector<1x16xf32> to vector<16xf32>
        %swap3A_365 = vector.shape_cast %parallel_loop3A_356#1 : vector<16xf32> to vector<1x16xf32>
        tpu.vector_store %arg8[%swap3A_361, %swap3A_362], %swap3A_365 {add = true, strides = array<i32>} : memref<128x128xf32, #tpu.memory_space<vmem>>, vector<1x16xf32>,
        %swap3A_366 = arith.index_cast %sub3A_340 : i32 to index
        %swap3A_367 = arith.constant 32 : index
        %swap3A_368 = tpu.vector_load %arg8[%swap3A_366, %swap3A_367] {strides = array<i32>} : memref<128x128xf32, #tpu.memory_space<vmem>>, vector<1x16xf32>,
        %swap3A_369 = vector.shape_cast %swap3A_368 : vector<1x16xf32> to vector<16xf32>
        %swap3A_370 = vector.shape_cast %parallel_loop3A_356#2 : vector<16xf32> to vector<1x16xf32>
        tpu.vector_store %arg8[%swap3A_366, %swap3A_367], %swap3A_370 {add = true, strides = array<i32>} : memref<128x128xf32, #tpu.memory_space<vmem>>, vector<1x16xf32>,
        %swap3A_371 = arith.index_cast %sub3A_340 : i32 to index
        %swap3A_372 = arith.constant 48 : index
        %swap3A_373 = tpu.vector_load %arg8[%swap3A_371, %swap3A_372] {strides = array<i32>} : memref<128x128xf32, #tpu.memory_space<vmem>>, vector<1x16xf32>,
        %swap3A_374 = vector.shape_cast %swap3A_373 : vector<1x16xf32> to vector<16xf32>
        %swap3A_375 = vector.shape_cast %parallel_loop3A_356#3 : vector<16xf32> to vector<1x16xf32>
        tpu.vector_store %arg8[%swap3A_371, %swap3A_372], %swap3A_375 {add = true, strides = array<i32>} : memref<128x128xf32, #tpu.memory_space<vmem>>, vector<1x16xf32>,
        %swap3A_376 = arith.index_cast %sub3A_340 : i32 to index
        %swap3A_377 = arith.constant 64 : index
        %swap3A_378 = tpu.vector_load %arg8[%swap3A_376, %swap3A_377] {strides = array<i32>} : memref<128x128xf32, #tpu.memory_space<vmem>>, vector<1x16xf32>,
        %swap3A_379 = vector.shape_cast %swap3A_378 : vector<1x16xf32> to vector<16xf32>
        %swap3A_380 = vector.shape_cast %parallel_loop3A_356#4 : vector<16xf32> to vector<1x16xf32>
        tpu.vector_store %arg8[%swap3A_376, %swap3A_377], %swap3A_380 {add = true, strides = array<i32>} : memref<128x128xf32, #tpu.memory_space<vmem>>, vector<1x16xf32>,
        %swap3A_381 = arith.index_cast %sub3A_340 : i32 to index
        %swap3A_382 = arith.constant 80 : index
        %swap3A_383 = tpu.vector_load %arg8[%swap3A_381, %swap3A_382] {strides = array<i32>} : memref<128x128xf32, #tpu.memory_space<vmem>>, vector<1x16xf32>,
        %swap3A_384 = vector.shape_cast %swap3A_383 : vector<1x16xf32> to vector<16xf32>
        %swap3A_385 = vector.shape_cast %parallel_loop3A_356#5 : vector<16xf32> to vector<1x16xf32>
        tpu.vector_store %arg8[%swap3A_381, %swap3A_382], %swap3A_385 {add = true, strides = array<i32>} : memref<128x128xf32, #tpu.memory_space<vmem>>, vector<1x16xf32>,
        %swap3A_386 = arith.index_cast %sub3A_340 : i32 to index
        %swap3A_387 = arith.constant 96 : index
        %swap3A_388 = tpu.vector_load %arg8[%swap3A_386, %swap3A_387] {strides = array<i32>} : memref<128x128xf32, #tpu.memory_space<vmem>>, vector<1x16xf32>,
        %swap3A_389 = vector.shape_cast %swap3A_388 : vector<1x16xf32> to vector<16xf32>
        %swap3A_390 = vector.shape_cast %parallel_loop3A_356#6 : vector<16xf32> to vector<1x16xf32>
        tpu.vector_store %arg8[%swap3A_386, %swap3A_387], %swap3A_390 {add = true, strides = array<i32>} : memref<128x128xf32, #tpu.memory_space<vmem>>, vector<1x16xf32>,
        %swap3A_391 = arith.index_cast %sub3A_340 : i32 to index
        %swap3A_392 = arith.constant 112 : index
        %swap3A_393 = tpu.vector_load %arg8[%swap3A_391, %swap3A_392] {strides = array<i32>} : memref<128x128xf32, #tpu.memory_space<vmem>>, vector<1x16xf32>,
        %swap3A_394 = vector.shape_cast %swap3A_393 : vector<1x16xf32> to vector<16xf32>
        %swap3A_395 = vector.shape_cast %parallel_loop3A_356#7 : vector<16xf32> to vector<1x16xf32>
        tpu.vector_store %arg8[%swap3A_391, %swap3A_392], %swap3A_395 {add = true, strides = array<i32>} : memref<128x128xf32, #tpu.memory_space<vmem>>, vector<1x16xf32>,
        %le3A = arith.cmpi sle, %add3A_337, %min3A_258 : i32
        %jit3A_396 = arith.constant 1 : i32
        %jit3A_397 = arith.constant 0 : i32
        %select_n3A_398 = arith.select %le3A, %jit3A_396, %jit3A_397 : i32
        %add3A_399 = arith.addi %while3A_329, %select_n3A_398 : i32
        scf.yield %add3A_399 : i32
      }
      %add3A_277 = arith.constant 2 : i32
      %add3A_278 = arith.addi %mul3A_226, %add3A_277 : i32
      %lt3A_279 = arith.cmpi slt, %add3A_278, %select_n3A_64 : i32
      %convert_element_type3A_280 = arith.extui %lt3A_279 : i1 to i32
      %cond3A_281 = arith.constant 0 : i32
      %cond3A_282 = arith.cmpi ne, %convert_element_type3A_280, %cond3A_281 : i32
      scf.if %cond3A_282 {
        %add3A_328 = arith.constant 2 : i32
        %add3A_329 = arith.addi %mul3A_226, %add3A_328 : i32
        %mul3A_330 = arith.constant 384 : i32
        %mul3A_331 = arith.muli %add3A_329, %mul3A_330 : i32
        %add3A_332 = arith.addi %mul3A_35, %mul3A_331 : i32
        %jit3A_333 = arith.constant 0 : i32
        %jit3A_334 = arith.constant 65152 : i32
        %max3A_335 = arith.maxsi %jit3A_333, %add3A_332 : i32
        %min3A_336 = arith.minsi %jit3A_334, %max3A_335 : i32
        %multiple_of3A_337 = tpu.assume_multiple %min3A_336, 8 : i32
        %dma_start3A_338 = arith.constant 0 : i32
        %dma_start3A_339 = tpu.memref_slice %arg2[%multiple_of3A_337, %dma_start3A_338] : memref<65536x128xf32, #tpu.memory_space<hbm>> -> memref<384x128xf32, #tpu.memory_space<hbm>>
        %dma_start3A_340 = arith.constant 0 : i32
        %dma_start3A_341 = tpu.memref_slice %arg2[%multiple_of3A_337, %dma_start3A_340] : memref<65536x128xf32, #tpu.memory_space<hbm>> -> memref<384x128xf32, #tpu.memory_space<hbm>>
        tpu.enqueue_dma source(%dma_start3A_341 : memref<384x128xf32, #tpu.memory_space<hbm>>) target(%arg6 : memref<384x128xf32, #tpu.memory_space<vmem>>) target_semaphore(%arg11 : memref<!tpu.dma_semaphore, #tpu.memory_space<semaphore_mem>>)
      } else {
      }
      %add3A_283 = arith.constant 1 : i32
      %add3A_284 = arith.addi %mul3A_226, %add3A_283 : i32
      %mul3A_285 = arith.constant 384 : i32
      %mul3A_286 = arith.muli %add3A_284, %mul3A_285 : i32
      %add3A_287 = arith.addi %mul3A_35, %mul3A_286 : i32
      %jit3A_288 = arith.constant 0 : i32
      %jit3A_289 = arith.constant 65152 : i32
      %max3A_290 = arith.maxsi %jit3A_288, %add3A_287 : i32
      %min3A_291 = arith.minsi %jit3A_289, %max3A_290 : i32
      %multiple_of3A_292 = tpu.assume_multiple %min3A_291, 8 : i32
      %dma_wait3A_293 = arith.constant 0 : i32
      %dma_wait3A_294 = tpu.memref_slice %arg2[%multiple_of3A_292, %dma_wait3A_293] : memref<65536x128xf32, #tpu.memory_space<hbm>> -> memref<384x128xf32, #tpu.memory_space<hbm>>
      %dma_wait3A_295 = arith.constant 0 : i32
      %dma_wait3A_296 = tpu.memref_slice %arg2[%multiple_of3A_292, %dma_wait3A_295] : memref<65536x128xf32, #tpu.memory_space<hbm>> -> memref<384x128xf32, #tpu.memory_space<hbm>>
      tpu.wait_dma2 semaphore(%arg12 : memref<!tpu.dma_semaphore, #tpu.memory_space<semaphore_mem>>) src(%dma_wait3A_296 : memref<384x128xf32, #tpu.memory_space<hbm>>) dst(%arg7 : memref<384x128xf32, #tpu.memory_space<vmem>>)
      %add3A_297 = arith.constant 1 : i32
      %add3A_298 = arith.addi %mul3A_226, %add3A_297 : i32
      %mul3A_299 = arith.constant 384 : i32
      %mul3A_300 = arith.muli %add3A_298, %mul3A_299 : i32
      %add3A_301 = arith.addi %mul3A_35, %mul3A_300 : i32
      %jit3A_302 = arith.constant 0 : i32
      %jit3A_303 = arith.constant 65152 : i32
      %max3A_304 = arith.maxsi %jit3A_302, %add3A_301 : i32
      %min3A_305 = arith.minsi %jit3A_303, %max3A_304 : i32
      %multiple_of3A_306 = tpu.assume_multiple %min3A_305, 8 : i32
      %add3A_307 = arith.constant 384 : i32
      %add3A_308 = arith.addi %add3A_301, %add3A_307 : i32
      %min3A_309 = arith.minsi %add3A_308, %add3A_16 : i32
      %jit3A_310 = arith.constant 0 : i32
      %jit3A_311 = arith.constant 13 : i32
      %max3A_312 = arith.maxsi %jit3A_310, %add3A_298 : i32
      %min3A_313 = arith.minsi %jit3A_311, %max3A_312 : i32
      %get3A_314 = arith.index_cast %min3A_313 : i32 to index
      %get3A_315 = memref.load %arg10[%get3A_314] : memref<14xi32, #tpu.memory_space<smem>>
      %add3A_316 = arith.constant 1 : i32
      %add3A_317 = arith.addi %get3A_315, %add3A_316 : i32
      %while3A_318 = arith.subi %add3A_317, %while3A_276 : i32
      %while3A_319 = arith.addi %while3A_276, %while3A_318 : i32
      %while3A_320 = arith.constant 1 : i32
      %while3A_321 = arith.divsi %while3A_318, %while3A_320 : i32
      %while3A_322 = arith.muli %while3A_321, %while3A_320 : i32
      %while3A_323 = arith.addi %while3A_276, %while3A_322 : i32
      %while3A_324 = arith.constant 1 : i32
      %while3A_325 = scf.for %while3A_328 = %while3A_276 to %while3A_323 step %while3A_324 iter_args(%while3A_329 = %while3A_276) -> (i32)  : i32 {
        %get3A_330 = arith.index_cast %while3A_328 : i32 to index
        %get3A_331 = memref.load %arg9[%get3A_330] : memref<256xi32, #tpu.memory_space<smem>>
        %add3A_332 = arith.addi %mul3A_0, %get3A_331 : i32
        %add3A_333 = arith.constant 1 : i32
        %add3A_334 = arith.addi %while3A_328, %add3A_333 : i32
        %get3A_335 = arith.index_cast %add3A_334 : i32 to index
        %get3A_336 = memref.load %arg9[%get3A_335] : memref<256xi32, #tpu.memory_space<smem>>
        %add3A_337 = arith.addi %mul3A_0, %get3A_336 : i32
        %max3A_338 = arith.maxsi %add3A_332, %add3A_301 : i32
        %min3A_339 = arith.minsi %add3A_337, %min3A_309 : i32
        %sub3A_340 = arith.subi %while3A_328, %mul3A_4 : i32
        %broadcast_in_dim3A = arith.constant 0.000000e+00 : f32
        %broadcast_in_dim3A_341 = vector.broadcast %broadcast_in_dim3A : f32 to vector<16xf32>
        %broadcast_in_dim3A_342 = arith.constant 0.000000e+00 : f32
        %broadcast_in_dim3A_343 = vector.broadcast %broadcast_in_dim3A_342 : f32 to vector<16xf32>
        %broadcast_in_dim3A_344 = arith.constant 0.000000e+00 : f32
        %broadcast_in_dim3A_345 = vector.broadcast %broadcast_in_dim3A_344 : f32 to vector<16xf32>
        %broadcast_in_dim3A_346 = arith.constant 0.000000e+00 : f32
        %broadcast_in_dim3A_347 = vector.broadcast %broadcast_in_dim3A_346 : f32 to vector<16xf32>
        %broadcast_in_dim3A_348 = arith.constant 0.000000e+00 : f32
        %broadcast_in_dim3A_349 = vector.broadcast %broadcast_in_dim3A_348 : f32 to vector<16xf32>
        %broadcast_in_dim3A_350 = arith.constant 0.000000e+00 : f32
        %broadcast_in_dim3A_351 = vector.broadcast %broadcast_in_dim3A_350 : f32 to vector<16xf32>
        %broadcast_in_dim3A_352 = arith.constant 0.000000e+00 : f32
        %broadcast_in_dim3A_353 = vector.broadcast %broadcast_in_dim3A_352 : f32 to vector<16xf32>
        %broadcast_in_dim3A_354 = arith.constant 0.000000e+00 : f32
        %broadcast_in_dim3A_355 = vector.broadcast %broadcast_in_dim3A_354 : f32 to vector<16xf32>
        %parallel_loop3A = arith.constant 1 : i32
        %parallel_loop3A_356:8 = scf.for %parallel_loop3A_400 = %max3A_338 to %min3A_339 step %parallel_loop3A iter_args(%parallel_loop3A_401 = %broadcast_in_dim3A_341, %parallel_loop3A_402 = %broadcast_in_dim3A_343, %parallel_loop3A_403 = %broadcast_in_dim3A_345, %parallel_loop3A_404 = %broadcast_in_dim3A_347, %parallel_loop3A_405 = %broadcast_in_dim3A_349, %parallel_loop3A_406 = %broadcast_in_dim3A_351, %parallel_loop3A_407 = %broadcast_in_dim3A_353, %parallel_loop3A_408 = %broadcast_in_dim3A_355) -> (vector<16xf32>, vector<16xf32>, vector<16xf32>, vector<16xf32>, vector<16xf32>, vector<16xf32>, vector<16xf32>, vector<16xf32>)  : i32 {
          %parallel_loop3A_409 = arith.subi %parallel_loop3A_400, %multiple_of3A_306 : i32
          %parallel_loop3A_410 = arith.index_cast %parallel_loop3A_409 : i32 to index
          %parallel_loop3A_411 = arith.constant 0 : index
          %parallel_loop3A_412 = tpu.vector_load %arg7[%parallel_loop3A_410, %parallel_loop3A_411] {strides = array<i32>} : memref<384x128xf32, #tpu.memory_space<vmem>>, vector<1x16xf32>,
          %parallel_loop3A_413 = vector.shape_cast %parallel_loop3A_412 : vector<1x16xf32> to vector<16xf32>
          %parallel_loop3A_414 = arith.addf %parallel_loop3A_401, %parallel_loop3A_413 : vector<16xf32>
          %parallel_loop3A_415 = arith.index_cast %parallel_loop3A_409 : i32 to index
          %parallel_loop3A_416 = arith.constant 16 : index
          %parallel_loop3A_417 = tpu.vector_load %arg7[%parallel_loop3A_415, %parallel_loop3A_416] {strides = array<i32>} : memref<384x128xf32, #tpu.memory_space<vmem>>, vector<1x16xf32>,
          %parallel_loop3A_418 = vector.shape_cast %parallel_loop3A_417 : vector<1x16xf32> to vector<16xf32>
          %parallel_loop3A_419 = arith.addf %parallel_loop3A_402, %parallel_loop3A_418 : vector<16xf32>
          %parallel_loop3A_420 = arith.index_cast %parallel_loop3A_409 : i32 to index
          %parallel_loop3A_421 = arith.constant 32 : index
          %parallel_loop3A_422 = tpu.vector_load %arg7[%parallel_loop3A_420, %parallel_loop3A_421] {strides = array<i32>} : memref<384x128xf32, #tpu.memory_space<vmem>>, vector<1x16xf32>,
          %parallel_loop3A_423 = vector.shape_cast %parallel_loop3A_422 : vector<1x16xf32> to vector<16xf32>
          %parallel_loop3A_424 = arith.addf %parallel_loop3A_403, %parallel_loop3A_423 : vector<16xf32>
          %parallel_loop3A_425 = arith.index_cast %parallel_loop3A_409 : i32 to index
          %parallel_loop3A_426 = arith.constant 48 : index
          %parallel_loop3A_427 = tpu.vector_load %arg7[%parallel_loop3A_425, %parallel_loop3A_426] {strides = array<i32>} : memref<384x128xf32, #tpu.memory_space<vmem>>, vector<1x16xf32>,
          %parallel_loop3A_428 = vector.shape_cast %parallel_loop3A_427 : vector<1x16xf32> to vector<16xf32>
          %parallel_loop3A_429 = arith.addf %parallel_loop3A_404, %parallel_loop3A_428 : vector<16xf32>
          %parallel_loop3A_430 = arith.index_cast %parallel_loop3A_409 : i32 to index
          %parallel_loop3A_431 = arith.constant 64 : index
          %parallel_loop3A_432 = tpu.vector_load %arg7[%parallel_loop3A_430, %parallel_loop3A_431] {strides = array<i32>} : memref<384x128xf32, #tpu.memory_space<vmem>>, vector<1x16xf32>,
          %parallel_loop3A_433 = vector.shape_cast %parallel_loop3A_432 : vector<1x16xf32> to vector<16xf32>
          %parallel_loop3A_434 = arith.addf %parallel_loop3A_405, %parallel_loop3A_433 : vector<16xf32>
          %parallel_loop3A_435 = arith.index_cast %parallel_loop3A_409 : i32 to index
          %parallel_loop3A_436 = arith.constant 80 : index
          %parallel_loop3A_437 = tpu.vector_load %arg7[%parallel_loop3A_435, %parallel_loop3A_436] {strides = array<i32>} : memref<384x128xf32, #tpu.memory_space<vmem>>, vector<1x16xf32>,
          %parallel_loop3A_438 = vector.shape_cast %parallel_loop3A_437 : vector<1x16xf32> to vector<16xf32>
          %parallel_loop3A_439 = arith.addf %parallel_loop3A_406, %parallel_loop3A_438 : vector<16xf32>
          %parallel_loop3A_440 = arith.index_cast %parallel_loop3A_409 : i32 to index
          %parallel_loop3A_441 = arith.constant 96 : index
          %parallel_loop3A_442 = tpu.vector_load %arg7[%parallel_loop3A_440, %parallel_loop3A_441] {strides = array<i32>} : memref<384x128xf32, #tpu.memory_space<vmem>>, vector<1x16xf32>,
          %parallel_loop3A_443 = vector.shape_cast %parallel_loop3A_442 : vector<1x16xf32> to vector<16xf32>
          %parallel_loop3A_444 = arith.addf %parallel_loop3A_407, %parallel_loop3A_443 : vector<16xf32>
          %parallel_loop3A_445 = arith.index_cast %parallel_loop3A_409 : i32 to index
          %parallel_loop3A_446 = arith.constant 112 : index
          %parallel_loop3A_447 = tpu.vector_load %arg7[%parallel_loop3A_445, %parallel_loop3A_446] {strides = array<i32>} : memref<384x128xf32, #tpu.memory_space<vmem>>, vector<1x16xf32>,
          %parallel_loop3A_448 = vector.shape_cast %parallel_loop3A_447 : vector<1x16xf32> to vector<16xf32>
          %parallel_loop3A_449 = arith.addf %parallel_loop3A_408, %parallel_loop3A_448 : vector<16xf32>
          scf.yield %parallel_loop3A_414, %parallel_loop3A_419, %parallel_loop3A_424, %parallel_loop3A_429, %parallel_loop3A_434, %parallel_loop3A_439, %parallel_loop3A_444, %parallel_loop3A_449 : vector<16xf32>, vector<16xf32>, vector<16xf32>, vector<16xf32>, vector<16xf32>, vector<16xf32>, vector<16xf32>, vector<16xf32>
        } {sc.loop_unroll_factor = 16 : i64, sc.parallel_access}
        %swap3A = arith.index_cast %sub3A_340 : i32 to index
        %swap3A_357 = arith.constant 0 : index
        %swap3A_358 = tpu.vector_load %arg8[%swap3A, %swap3A_357] {strides = array<i32>} : memref<128x128xf32, #tpu.memory_space<vmem>>, vector<1x16xf32>,
        %swap3A_359 = vector.shape_cast %swap3A_358 : vector<1x16xf32> to vector<16xf32>
        %swap3A_360 = vector.shape_cast %parallel_loop3A_356#0 : vector<16xf32> to vector<1x16xf32>
        tpu.vector_store %arg8[%swap3A, %swap3A_357], %swap3A_360 {add = true, strides = array<i32>} : memref<128x128xf32, #tpu.memory_space<vmem>>, vector<1x16xf32>,
        %swap3A_361 = arith.index_cast %sub3A_340 : i32 to index
        %swap3A_362 = arith.constant 16 : index
        %swap3A_363 = tpu.vector_load %arg8[%swap3A_361, %swap3A_362] {strides = array<i32>} : memref<128x128xf32, #tpu.memory_space<vmem>>, vector<1x16xf32>,
        %swap3A_364 = vector.shape_cast %swap3A_363 : vector<1x16xf32> to vector<16xf32>
        %swap3A_365 = vector.shape_cast %parallel_loop3A_356#1 : vector<16xf32> to vector<1x16xf32>
        tpu.vector_store %arg8[%swap3A_361, %swap3A_362], %swap3A_365 {add = true, strides = array<i32>} : memref<128x128xf32, #tpu.memory_space<vmem>>, vector<1x16xf32>,
        %swap3A_366 = arith.index_cast %sub3A_340 : i32 to index
        %swap3A_367 = arith.constant 32 : index
        %swap3A_368 = tpu.vector_load %arg8[%swap3A_366, %swap3A_367] {strides = array<i32>} : memref<128x128xf32, #tpu.memory_space<vmem>>, vector<1x16xf32>,
        %swap3A_369 = vector.shape_cast %swap3A_368 : vector<1x16xf32> to vector<16xf32>
        %swap3A_370 = vector.shape_cast %parallel_loop3A_356#2 : vector<16xf32> to vector<1x16xf32>
        tpu.vector_store %arg8[%swap3A_366, %swap3A_367], %swap3A_370 {add = true, strides = array<i32>} : memref<128x128xf32, #tpu.memory_space<vmem>>, vector<1x16xf32>,
        %swap3A_371 = arith.index_cast %sub3A_340 : i32 to index
        %swap3A_372 = arith.constant 48 : index
        %swap3A_373 = tpu.vector_load %arg8[%swap3A_371, %swap3A_372] {strides = array<i32>} : memref<128x128xf32, #tpu.memory_space<vmem>>, vector<1x16xf32>,
        %swap3A_374 = vector.shape_cast %swap3A_373 : vector<1x16xf32> to vector<16xf32>
        %swap3A_375 = vector.shape_cast %parallel_loop3A_356#3 : vector<16xf32> to vector<1x16xf32>
        tpu.vector_store %arg8[%swap3A_371, %swap3A_372], %swap3A_375 {add = true, strides = array<i32>} : memref<128x128xf32, #tpu.memory_space<vmem>>, vector<1x16xf32>,
        %swap3A_376 = arith.index_cast %sub3A_340 : i32 to index
        %swap3A_377 = arith.constant 64 : index
        %swap3A_378 = tpu.vector_load %arg8[%swap3A_376, %swap3A_377] {strides = array<i32>} : memref<128x128xf32, #tpu.memory_space<vmem>>, vector<1x16xf32>,
        %swap3A_379 = vector.shape_cast %swap3A_378 : vector<1x16xf32> to vector<16xf32>
        %swap3A_380 = vector.shape_cast %parallel_loop3A_356#4 : vector<16xf32> to vector<1x16xf32>
        tpu.vector_store %arg8[%swap3A_376, %swap3A_377], %swap3A_380 {add = true, strides = array<i32>} : memref<128x128xf32, #tpu.memory_space<vmem>>, vector<1x16xf32>,
        %swap3A_381 = arith.index_cast %sub3A_340 : i32 to index
        %swap3A_382 = arith.constant 80 : index
        %swap3A_383 = tpu.vector_load %arg8[%swap3A_381, %swap3A_382] {strides = array<i32>} : memref<128x128xf32, #tpu.memory_space<vmem>>, vector<1x16xf32>,
        %swap3A_384 = vector.shape_cast %swap3A_383 : vector<1x16xf32> to vector<16xf32>
        %swap3A_385 = vector.shape_cast %parallel_loop3A_356#5 : vector<16xf32> to vector<1x16xf32>
        tpu.vector_store %arg8[%swap3A_381, %swap3A_382], %swap3A_385 {add = true, strides = array<i32>} : memref<128x128xf32, #tpu.memory_space<vmem>>, vector<1x16xf32>,
        %swap3A_386 = arith.index_cast %sub3A_340 : i32 to index
        %swap3A_387 = arith.constant 96 : index
        %swap3A_388 = tpu.vector_load %arg8[%swap3A_386, %swap3A_387] {strides = array<i32>} : memref<128x128xf32, #tpu.memory_space<vmem>>, vector<1x16xf32>,
        %swap3A_389 = vector.shape_cast %swap3A_388 : vector<1x16xf32> to vector<16xf32>
        %swap3A_390 = vector.shape_cast %parallel_loop3A_356#6 : vector<16xf32> to vector<1x16xf32>
        tpu.vector_store %arg8[%swap3A_386, %swap3A_387], %swap3A_390 {add = true, strides = array<i32>} : memref<128x128xf32, #tpu.memory_space<vmem>>, vector<1x16xf32>,
        %swap3A_391 = arith.index_cast %sub3A_340 : i32 to index
        %swap3A_392 = arith.constant 112 : index
        %swap3A_393 = tpu.vector_load %arg8[%swap3A_391, %swap3A_392] {strides = array<i32>} : memref<128x128xf32, #tpu.memory_space<vmem>>, vector<1x16xf32>,
        %swap3A_394 = vector.shape_cast %swap3A_393 : vector<1x16xf32> to vector<16xf32>
        %swap3A_395 = vector.shape_cast %parallel_loop3A_356#7 : vector<16xf32> to vector<1x16xf32>
        tpu.vector_store %arg8[%swap3A_391, %swap3A_392], %swap3A_395 {add = true, strides = array<i32>} : memref<128x128xf32, #tpu.memory_space<vmem>>, vector<1x16xf32>,
        %le3A = arith.cmpi sle, %add3A_337, %min3A_309 : i32
        %jit3A_396 = arith.constant 1 : i32
        %jit3A_397 = arith.constant 0 : i32
        %select_n3A_398 = arith.select %le3A, %jit3A_396, %jit3A_397 : i32
        %add3A_399 = arith.addi %while3A_329, %select_n3A_398 : i32
        scf.yield %add3A_399 : i32
      }
      %while3A_326 = arith.constant 1 : i32
      %while3A_327 = scf.for %while3A_328 = %while3A_323 to %while3A_319 step %while3A_326 iter_args(%while3A_329 = %while3A_325) -> (i32)  : i32 {
        %get3A_330 = arith.index_cast %while3A_328 : i32 to index
        %get3A_331 = memref.load %arg9[%get3A_330] : memref<256xi32, #tpu.memory_space<smem>>
        %add3A_332 = arith.addi %mul3A_0, %get3A_331 : i32
        %add3A_333 = arith.constant 1 : i32
        %add3A_334 = arith.addi %while3A_328, %add3A_333 : i32
        %get3A_335 = arith.index_cast %add3A_334 : i32 to index
        %get3A_336 = memref.load %arg9[%get3A_335] : memref<256xi32, #tpu.memory_space<smem>>
        %add3A_337 = arith.addi %mul3A_0, %get3A_336 : i32
        %max3A_338 = arith.maxsi %add3A_332, %add3A_301 : i32
        %min3A_339 = arith.minsi %add3A_337, %min3A_309 : i32
        %sub3A_340 = arith.subi %while3A_328, %mul3A_4 : i32
        %broadcast_in_dim3A = arith.constant 0.000000e+00 : f32
        %broadcast_in_dim3A_341 = vector.broadcast %broadcast_in_dim3A : f32 to vector<16xf32>
        %broadcast_in_dim3A_342 = arith.constant 0.000000e+00 : f32
        %broadcast_in_dim3A_343 = vector.broadcast %broadcast_in_dim3A_342 : f32 to vector<16xf32>
        %broadcast_in_dim3A_344 = arith.constant 0.000000e+00 : f32
        %broadcast_in_dim3A_345 = vector.broadcast %broadcast_in_dim3A_344 : f32 to vector<16xf32>
        %broadcast_in_dim3A_346 = arith.constant 0.000000e+00 : f32
        %broadcast_in_dim3A_347 = vector.broadcast %broadcast_in_dim3A_346 : f32 to vector<16xf32>
        %broadcast_in_dim3A_348 = arith.constant 0.000000e+00 : f32
        %broadcast_in_dim3A_349 = vector.broadcast %broadcast_in_dim3A_348 : f32 to vector<16xf32>
        %broadcast_in_dim3A_350 = arith.constant 0.000000e+00 : f32
        %broadcast_in_dim3A_351 = vector.broadcast %broadcast_in_dim3A_350 : f32 to vector<16xf32>
        %broadcast_in_dim3A_352 = arith.constant 0.000000e+00 : f32
        %broadcast_in_dim3A_353 = vector.broadcast %broadcast_in_dim3A_352 : f32 to vector<16xf32>
        %broadcast_in_dim3A_354 = arith.constant 0.000000e+00 : f32
        %broadcast_in_dim3A_355 = vector.broadcast %broadcast_in_dim3A_354 : f32 to vector<16xf32>
        %parallel_loop3A = arith.constant 1 : i32
        %parallel_loop3A_356:8 = scf.for %parallel_loop3A_400 = %max3A_338 to %min3A_339 step %parallel_loop3A iter_args(%parallel_loop3A_401 = %broadcast_in_dim3A_341, %parallel_loop3A_402 = %broadcast_in_dim3A_343, %parallel_loop3A_403 = %broadcast_in_dim3A_345, %parallel_loop3A_404 = %broadcast_in_dim3A_347, %parallel_loop3A_405 = %broadcast_in_dim3A_349, %parallel_loop3A_406 = %broadcast_in_dim3A_351, %parallel_loop3A_407 = %broadcast_in_dim3A_353, %parallel_loop3A_408 = %broadcast_in_dim3A_355) -> (vector<16xf32>, vector<16xf32>, vector<16xf32>, vector<16xf32>, vector<16xf32>, vector<16xf32>, vector<16xf32>, vector<16xf32>)  : i32 {
          %parallel_loop3A_409 = arith.subi %parallel_loop3A_400, %multiple_of3A_306 : i32
          %parallel_loop3A_410 = arith.index_cast %parallel_loop3A_409 : i32 to index
          %parallel_loop3A_411 = arith.constant 0 : index
          %parallel_loop3A_412 = tpu.vector_load %arg7[%parallel_loop3A_410, %parallel_loop3A_411] {strides = array<i32>} : memref<384x128xf32, #tpu.memory_space<vmem>>, vector<1x16xf32>,
          %parallel_loop3A_413 = vector.shape_cast %parallel_loop3A_412 : vector<1x16xf32> to vector<16xf32>
          %parallel_loop3A_414 = arith.addf %parallel_loop3A_401, %parallel_loop3A_413 : vector<16xf32>
          %parallel_loop3A_415 = arith.index_cast %parallel_loop3A_409 : i32 to index
          %parallel_loop3A_416 = arith.constant 16 : index
          %parallel_loop3A_417 = tpu.vector_load %arg7[%parallel_loop3A_415, %parallel_loop3A_416] {strides = array<i32>} : memref<384x128xf32, #tpu.memory_space<vmem>>, vector<1x16xf32>,
          %parallel_loop3A_418 = vector.shape_cast %parallel_loop3A_417 : vector<1x16xf32> to vector<16xf32>
          %parallel_loop3A_419 = arith.addf %parallel_loop3A_402, %parallel_loop3A_418 : vector<16xf32>
          %parallel_loop3A_420 = arith.index_cast %parallel_loop3A_409 : i32 to index
          %parallel_loop3A_421 = arith.constant 32 : index
          %parallel_loop3A_422 = tpu.vector_load %arg7[%parallel_loop3A_420, %parallel_loop3A_421] {strides = array<i32>} : memref<384x128xf32, #tpu.memory_space<vmem>>, vector<1x16xf32>,
          %parallel_loop3A_423 = vector.shape_cast %parallel_loop3A_422 : vector<1x16xf32> to vector<16xf32>
          %parallel_loop3A_424 = arith.addf %parallel_loop3A_403, %parallel_loop3A_423 : vector<16xf32>
          %parallel_loop3A_425 = arith.index_cast %parallel_loop3A_409 : i32 to index
          %parallel_loop3A_426 = arith.constant 48 : index
          %parallel_loop3A_427 = tpu.vector_load %arg7[%parallel_loop3A_425, %parallel_loop3A_426] {strides = array<i32>} : memref<384x128xf32, #tpu.memory_space<vmem>>, vector<1x16xf32>,
          %parallel_loop3A_428 = vector.shape_cast %parallel_loop3A_427 : vector<1x16xf32> to vector<16xf32>
          %parallel_loop3A_429 = arith.addf %parallel_loop3A_404, %parallel_loop3A_428 : vector<16xf32>
          %parallel_loop3A_430 = arith.index_cast %parallel_loop3A_409 : i32 to index
          %parallel_loop3A_431 = arith.constant 64 : index
          %parallel_loop3A_432 = tpu.vector_load %arg7[%parallel_loop3A_430, %parallel_loop3A_431] {strides = array<i32>} : memref<384x128xf32, #tpu.memory_space<vmem>>, vector<1x16xf32>,
          %parallel_loop3A_433 = vector.shape_cast %parallel_loop3A_432 : vector<1x16xf32> to vector<16xf32>
          %parallel_loop3A_434 = arith.addf %parallel_loop3A_405, %parallel_loop3A_433 : vector<16xf32>
          %parallel_loop3A_435 = arith.index_cast %parallel_loop3A_409 : i32 to index
          %parallel_loop3A_436 = arith.constant 80 : index
          %parallel_loop3A_437 = tpu.vector_load %arg7[%parallel_loop3A_435, %parallel_loop3A_436] {strides = array<i32>} : memref<384x128xf32, #tpu.memory_space<vmem>>, vector<1x16xf32>,
          %parallel_loop3A_438 = vector.shape_cast %parallel_loop3A_437 : vector<1x16xf32> to vector<16xf32>
          %parallel_loop3A_439 = arith.addf %parallel_loop3A_406, %parallel_loop3A_438 : vector<16xf32>
          %parallel_loop3A_440 = arith.index_cast %parallel_loop3A_409 : i32 to index
          %parallel_loop3A_441 = arith.constant 96 : index
          %parallel_loop3A_442 = tpu.vector_load %arg7[%parallel_loop3A_440, %parallel_loop3A_441] {strides = array<i32>} : memref<384x128xf32, #tpu.memory_space<vmem>>, vector<1x16xf32>,
          %parallel_loop3A_443 = vector.shape_cast %parallel_loop3A_442 : vector<1x16xf32> to vector<16xf32>
          %parallel_loop3A_444 = arith.addf %parallel_loop3A_407, %parallel_loop3A_443 : vector<16xf32>
          %parallel_loop3A_445 = arith.index_cast %parallel_loop3A_409 : i32 to index
          %parallel_loop3A_446 = arith.constant 112 : index
          %parallel_loop3A_447 = tpu.vector_load %arg7[%parallel_loop3A_445, %parallel_loop3A_446] {strides = array<i32>} : memref<384x128xf32, #tpu.memory_space<vmem>>, vector<1x16xf32>,
          %parallel_loop3A_448 = vector.shape_cast %parallel_loop3A_447 : vector<1x16xf32> to vector<16xf32>
          %parallel_loop3A_449 = arith.addf %parallel_loop3A_408, %parallel_loop3A_448 : vector<16xf32>
          scf.yield %parallel_loop3A_414, %parallel_loop3A_419, %parallel_loop3A_424, %parallel_loop3A_429, %parallel_loop3A_434, %parallel_loop3A_439, %parallel_loop3A_444, %parallel_loop3A_449 : vector<16xf32>, vector<16xf32>, vector<16xf32>, vector<16xf32>, vector<16xf32>, vector<16xf32>, vector<16xf32>, vector<16xf32>
        } {sc.loop_unroll_factor = 16 : i64, sc.parallel_access}
        %swap3A = arith.index_cast %sub3A_340 : i32 to index
        %swap3A_357 = arith.constant 0 : index
        %swap3A_358 = tpu.vector_load %arg8[%swap3A, %swap3A_357] {strides = array<i32>} : memref<128x128xf32, #tpu.memory_space<vmem>>, vector<1x16xf32>,
        %swap3A_359 = vector.shape_cast %swap3A_358 : vector<1x16xf32> to vector<16xf32>
        %swap3A_360 = vector.shape_cast %parallel_loop3A_356#0 : vector<16xf32> to vector<1x16xf32>
        tpu.vector_store %arg8[%swap3A, %swap3A_357], %swap3A_360 {add = true, strides = array<i32>} : memref<128x128xf32, #tpu.memory_space<vmem>>, vector<1x16xf32>,
        %swap3A_361 = arith.index_cast %sub3A_340 : i32 to index
        %swap3A_362 = arith.constant 16 : index
        %swap3A_363 = tpu.vector_load %arg8[%swap3A_361, %swap3A_362] {strides = array<i32>} : memref<128x128xf32, #tpu.memory_space<vmem>>, vector<1x16xf32>,
        %swap3A_364 = vector.shape_cast %swap3A_363 : vector<1x16xf32> to vector<16xf32>
        %swap3A_365 = vector.shape_cast %parallel_loop3A_356#1 : vector<16xf32> to vector<1x16xf32>
        tpu.vector_store %arg8[%swap3A_361, %swap3A_362], %swap3A_365 {add = true, strides = array<i32>} : memref<128x128xf32, #tpu.memory_space<vmem>>, vector<1x16xf32>,
        %swap3A_366 = arith.index_cast %sub3A_340 : i32 to index
        %swap3A_367 = arith.constant 32 : index
        %swap3A_368 = tpu.vector_load %arg8[%swap3A_366, %swap3A_367] {strides = array<i32>} : memref<128x128xf32, #tpu.memory_space<vmem>>, vector<1x16xf32>,
        %swap3A_369 = vector.shape_cast %swap3A_368 : vector<1x16xf32> to vector<16xf32>
        %swap3A_370 = vector.shape_cast %parallel_loop3A_356#2 : vector<16xf32> to vector<1x16xf32>
        tpu.vector_store %arg8[%swap3A_366, %swap3A_367], %swap3A_370 {add = true, strides = array<i32>} : memref<128x128xf32, #tpu.memory_space<vmem>>, vector<1x16xf32>,
        %swap3A_371 = arith.index_cast %sub3A_340 : i32 to index
        %swap3A_372 = arith.constant 48 : index
        %swap3A_373 = tpu.vector_load %arg8[%swap3A_371, %swap3A_372] {strides = array<i32>} : memref<128x128xf32, #tpu.memory_space<vmem>>, vector<1x16xf32>,
        %swap3A_374 = vector.shape_cast %swap3A_373 : vector<1x16xf32> to vector<16xf32>
        %swap3A_375 = vector.shape_cast %parallel_loop3A_356#3 : vector<16xf32> to vector<1x16xf32>
        tpu.vector_store %arg8[%swap3A_371, %swap3A_372], %swap3A_375 {add = true, strides = array<i32>} : memref<128x128xf32, #tpu.memory_space<vmem>>, vector<1x16xf32>,
        %swap3A_376 = arith.index_cast %sub3A_340 : i32 to index
        %swap3A_377 = arith.constant 64 : index
        %swap3A_378 = tpu.vector_load %arg8[%swap3A_376, %swap3A_377] {strides = array<i32>} : memref<128x128xf32, #tpu.memory_space<vmem>>, vector<1x16xf32>,
        %swap3A_379 = vector.shape_cast %swap3A_378 : vector<1x16xf32> to vector<16xf32>
        %swap3A_380 = vector.shape_cast %parallel_loop3A_356#4 : vector<16xf32> to vector<1x16xf32>
        tpu.vector_store %arg8[%swap3A_376, %swap3A_377], %swap3A_380 {add = true, strides = array<i32>} : memref<128x128xf32, #tpu.memory_space<vmem>>, vector<1x16xf32>,
        %swap3A_381 = arith.index_cast %sub3A_340 : i32 to index
        %swap3A_382 = arith.constant 80 : index
        %swap3A_383 = tpu.vector_load %arg8[%swap3A_381, %swap3A_382] {strides = array<i32>} : memref<128x128xf32, #tpu.memory_space<vmem>>, vector<1x16xf32>,
        %swap3A_384 = vector.shape_cast %swap3A_383 : vector<1x16xf32> to vector<16xf32>
        %swap3A_385 = vector.shape_cast %parallel_loop3A_356#5 : vector<16xf32> to vector<1x16xf32>
        tpu.vector_store %arg8[%swap3A_381, %swap3A_382], %swap3A_385 {add = true, strides = array<i32>} : memref<128x128xf32, #tpu.memory_space<vmem>>, vector<1x16xf32>,
        %swap3A_386 = arith.index_cast %sub3A_340 : i32 to index
        %swap3A_387 = arith.constant 96 : index
        %swap3A_388 = tpu.vector_load %arg8[%swap3A_386, %swap3A_387] {strides = array<i32>} : memref<128x128xf32, #tpu.memory_space<vmem>>, vector<1x16xf32>,
        %swap3A_389 = vector.shape_cast %swap3A_388 : vector<1x16xf32> to vector<16xf32>
        %swap3A_390 = vector.shape_cast %parallel_loop3A_356#6 : vector<16xf32> to vector<1x16xf32>
        tpu.vector_store %arg8[%swap3A_386, %swap3A_387], %swap3A_390 {add = true, strides = array<i32>} : memref<128x128xf32, #tpu.memory_space<vmem>>, vector<1x16xf32>,
        %swap3A_391 = arith.index_cast %sub3A_340 : i32 to index
        %swap3A_392 = arith.constant 112 : index
        %swap3A_393 = tpu.vector_load %arg8[%swap3A_391, %swap3A_392] {strides = array<i32>} : memref<128x128xf32, #tpu.memory_space<vmem>>, vector<1x16xf32>,
        %swap3A_394 = vector.shape_cast %swap3A_393 : vector<1x16xf32> to vector<16xf32>
        %swap3A_395 = vector.shape_cast %parallel_loop3A_356#7 : vector<16xf32> to vector<1x16xf32>
        tpu.vector_store %arg8[%swap3A_391, %swap3A_392], %swap3A_395 {add = true, strides = array<i32>} : memref<128x128xf32, #tpu.memory_space<vmem>>, vector<1x16xf32>,
        %le3A = arith.cmpi sle, %add3A_337, %min3A_309 : i32
        %jit3A_396 = arith.constant 1 : i32
        %jit3A_397 = arith.constant 0 : i32
        %select_n3A_398 = arith.select %le3A, %jit3A_396, %jit3A_397 : i32
        %add3A_399 = arith.addi %while3A_329, %select_n3A_398 : i32
        scf.yield %add3A_399 : i32
      }
      scf.yield %while3A_327 : i32
    }
    %jit3A_186 = arith.constant 2 : i32
    %eq3A = arith.constant 0 : i32
    %eq3A_187 = arith.cmpi eq, %jit3A_186, %eq3A : i32
    %jit3A_188 = arith.constant 1 : i32
    %select_n3A_189 = arith.select %eq3A_187, %jit3A_188, %jit3A_186 : i32
    %rem3A_190 = arith.remsi %select_n3A_64, %select_n3A_189 : i32
    %ne3A_191 = arith.constant 0 : i32
    %ne3A_192 = arith.cmpi ne, %rem3A_190, %ne3A_191 : i32
    %lt3A = arith.constant 0 : i32
    %lt3A_193 = arith.cmpi slt, %rem3A_190, %lt3A : i32
    %lt3A_194 = arith.constant 0 : i32
    %lt3A_195 = arith.cmpi slt, %select_n3A_189, %lt3A_194 : i32
    %ne3A_196 = arith.xori %lt3A_193, %lt3A_195 : i1
    %and3A_197 = arith.andi %ne3A_196, %ne3A_192 : i1
    %add3A_198 = arith.addi %rem3A_190, %select_n3A_189 : i32
    %select_n3A_199 = arith.select %and3A_197, %add3A_198, %rem3A_190 : i32
    %eq3A_200 = arith.constant 1 : i32
    %eq3A_201 = arith.cmpi eq, %select_n3A_199, %eq3A_200 : i32
    %convert_element_type3A_202 = arith.extui %eq3A_201 : i1 to i32
    %cond3A_203 = arith.constant 0 : i32
    %cond3A_204 = arith.cmpi ne, %convert_element_type3A_202, %cond3A_203 : i32
    scf.if %cond3A_204 {
      %sub3A_223 = arith.constant 1 : i32
      %sub3A_224 = arith.subi %select_n3A_64, %sub3A_223 : i32
      %mul3A_225 = arith.constant 384 : i32
      %mul3A_226 = arith.muli %sub3A_224, %mul3A_225 : i32
      %add3A_227 = arith.addi %mul3A_35, %mul3A_226 : i32
      %jit3A_228 = arith.constant 0 : i32
      %jit3A_229 = arith.constant 65152 : i32
      %max3A = arith.maxsi %jit3A_228, %add3A_227 : i32
      %min3A = arith.minsi %jit3A_229, %max3A : i32
      %multiple_of3A = tpu.assume_multiple %min3A, 8 : i32
      %dma_wait3A = arith.constant 0 : i32
      %dma_wait3A_230 = tpu.memref_slice %arg2[%multiple_of3A, %dma_wait3A] : memref<65536x128xf32, #tpu.memory_space<hbm>> -> memref<384x128xf32, #tpu.memory_space<hbm>>
      %dma_wait3A_231 = arith.constant 0 : i32
      %dma_wait3A_232 = tpu.memref_slice %arg2[%multiple_of3A, %dma_wait3A_231] : memref<65536x128xf32, #tpu.memory_space<hbm>> -> memref<384x128xf32, #tpu.memory_space<hbm>>
      tpu.wait_dma2 semaphore(%arg11 : memref<!tpu.dma_semaphore, #tpu.memory_space<semaphore_mem>>) src(%dma_wait3A_232 : memref<384x128xf32, #tpu.memory_space<hbm>>) dst(%arg6 : memref<384x128xf32, #tpu.memory_space<vmem>>)
      %sub3A_233 = arith.constant 1 : i32
      %sub3A_234 = arith.subi %select_n3A_64, %sub3A_233 : i32
      %mul3A_235 = arith.constant 384 : i32
      %mul3A_236 = arith.muli %sub3A_234, %mul3A_235 : i32
      %add3A_237 = arith.addi %mul3A_35, %mul3A_236 : i32
      %jit3A_238 = arith.constant 0 : i32
      %jit3A_239 = arith.constant 65152 : i32
      %max3A_240 = arith.maxsi %jit3A_238, %add3A_237 : i32
      %min3A_241 = arith.minsi %jit3A_239, %max3A_240 : i32
      %multiple_of3A_242 = tpu.assume_multiple %min3A_241, 8 : i32
      %add3A_243 = arith.constant 384 : i32
      %add3A_244 = arith.addi %add3A_237, %add3A_243 : i32
      %min3A_245 = arith.minsi %add3A_244, %add3A_16 : i32
      %jit3A_246 = arith.constant 0 : i32
      %jit3A_247 = arith.constant 13 : i32
      %max3A_248 = arith.maxsi %jit3A_246, %sub3A_234 : i32
      %min3A_249 = arith.minsi %jit3A_247, %max3A_248 : i32
      %get3A_250 = arith.index_cast %min3A_249 : i32 to index
      %get3A_251 = memref.load %arg10[%get3A_250] : memref<14xi32, #tpu.memory_space<smem>>
      %add3A_252 = arith.constant 1 : i32
      %add3A_253 = arith.addi %get3A_251, %add3A_252 : i32
      %while3A_254 = arith.subi %add3A_253, %while3A_185 : i32
      %while3A_255 = arith.addi %while3A_185, %while3A_254 : i32
      %while3A_256 = arith.constant 1 : i32
      %while3A_257 = arith.divsi %while3A_254, %while3A_256 : i32
      %while3A_258 = arith.muli %while3A_257, %while3A_256 : i32
      %while3A_259 = arith.addi %while3A_185, %while3A_258 : i32
      %while3A_260 = arith.constant 1 : i32
      %while3A_261 = scf.for %while3A_264 = %while3A_185 to %while3A_259 step %while3A_260 iter_args(%while3A_265 = %while3A_185) -> (i32)  : i32 {
        %get3A_266 = arith.index_cast %while3A_264 : i32 to index
        %get3A_267 = memref.load %arg9[%get3A_266] : memref<256xi32, #tpu.memory_space<smem>>
        %add3A_268 = arith.addi %mul3A_0, %get3A_267 : i32
        %add3A_269 = arith.constant 1 : i32
        %add3A_270 = arith.addi %while3A_264, %add3A_269 : i32
        %get3A_271 = arith.index_cast %add3A_270 : i32 to index
        %get3A_272 = memref.load %arg9[%get3A_271] : memref<256xi32, #tpu.memory_space<smem>>
        %add3A_273 = arith.addi %mul3A_0, %get3A_272 : i32
        %max3A_274 = arith.maxsi %add3A_268, %add3A_237 : i32
        %min3A_275 = arith.minsi %add3A_273, %min3A_245 : i32
        %sub3A_276 = arith.subi %while3A_264, %mul3A_4 : i32
        %broadcast_in_dim3A = arith.constant 0.000000e+00 : f32
        %broadcast_in_dim3A_277 = vector.broadcast %broadcast_in_dim3A : f32 to vector<16xf32>
        %broadcast_in_dim3A_278 = arith.constant 0.000000e+00 : f32
        %broadcast_in_dim3A_279 = vector.broadcast %broadcast_in_dim3A_278 : f32 to vector<16xf32>
        %broadcast_in_dim3A_280 = arith.constant 0.000000e+00 : f32
        %broadcast_in_dim3A_281 = vector.broadcast %broadcast_in_dim3A_280 : f32 to vector<16xf32>
        %broadcast_in_dim3A_282 = arith.constant 0.000000e+00 : f32
        %broadcast_in_dim3A_283 = vector.broadcast %broadcast_in_dim3A_282 : f32 to vector<16xf32>
        %broadcast_in_dim3A_284 = arith.constant 0.000000e+00 : f32
        %broadcast_in_dim3A_285 = vector.broadcast %broadcast_in_dim3A_284 : f32 to vector<16xf32>
        %broadcast_in_dim3A_286 = arith.constant 0.000000e+00 : f32
        %broadcast_in_dim3A_287 = vector.broadcast %broadcast_in_dim3A_286 : f32 to vector<16xf32>
        %broadcast_in_dim3A_288 = arith.constant 0.000000e+00 : f32
        %broadcast_in_dim3A_289 = vector.broadcast %broadcast_in_dim3A_288 : f32 to vector<16xf32>
        %broadcast_in_dim3A_290 = arith.constant 0.000000e+00 : f32
        %broadcast_in_dim3A_291 = vector.broadcast %broadcast_in_dim3A_290 : f32 to vector<16xf32>
        %parallel_loop3A = arith.constant 1 : i32
        %parallel_loop3A_292:8 = scf.for %parallel_loop3A_336 = %max3A_274 to %min3A_275 step %parallel_loop3A iter_args(%parallel_loop3A_337 = %broadcast_in_dim3A_277, %parallel_loop3A_338 = %broadcast_in_dim3A_279, %parallel_loop3A_339 = %broadcast_in_dim3A_281, %parallel_loop3A_340 = %broadcast_in_dim3A_283, %parallel_loop3A_341 = %broadcast_in_dim3A_285, %parallel_loop3A_342 = %broadcast_in_dim3A_287, %parallel_loop3A_343 = %broadcast_in_dim3A_289, %parallel_loop3A_344 = %broadcast_in_dim3A_291) -> (vector<16xf32>, vector<16xf32>, vector<16xf32>, vector<16xf32>, vector<16xf32>, vector<16xf32>, vector<16xf32>, vector<16xf32>)  : i32 {
          %parallel_loop3A_345 = arith.subi %parallel_loop3A_336, %multiple_of3A_242 : i32
          %parallel_loop3A_346 = arith.index_cast %parallel_loop3A_345 : i32 to index
          %parallel_loop3A_347 = arith.constant 0 : index
          %parallel_loop3A_348 = tpu.vector_load %arg6[%parallel_loop3A_346, %parallel_loop3A_347] {strides = array<i32>} : memref<384x128xf32, #tpu.memory_space<vmem>>, vector<1x16xf32>,
          %parallel_loop3A_349 = vector.shape_cast %parallel_loop3A_348 : vector<1x16xf32> to vector<16xf32>
          %parallel_loop3A_350 = arith.addf %parallel_loop3A_337, %parallel_loop3A_349 : vector<16xf32>
          %parallel_loop3A_351 = arith.index_cast %parallel_loop3A_345 : i32 to index
          %parallel_loop3A_352 = arith.constant 16 : index
          %parallel_loop3A_353 = tpu.vector_load %arg6[%parallel_loop3A_351, %parallel_loop3A_352] {strides = array<i32>} : memref<384x128xf32, #tpu.memory_space<vmem>>, vector<1x16xf32>,
          %parallel_loop3A_354 = vector.shape_cast %parallel_loop3A_353 : vector<1x16xf32> to vector<16xf32>
          %parallel_loop3A_355 = arith.addf %parallel_loop3A_338, %parallel_loop3A_354 : vector<16xf32>
          %parallel_loop3A_356 = arith.index_cast %parallel_loop3A_345 : i32 to index
          %parallel_loop3A_357 = arith.constant 32 : index
          %parallel_loop3A_358 = tpu.vector_load %arg6[%parallel_loop3A_356, %parallel_loop3A_357] {strides = array<i32>} : memref<384x128xf32, #tpu.memory_space<vmem>>, vector<1x16xf32>,
          %parallel_loop3A_359 = vector.shape_cast %parallel_loop3A_358 : vector<1x16xf32> to vector<16xf32>
          %parallel_loop3A_360 = arith.addf %parallel_loop3A_339, %parallel_loop3A_359 : vector<16xf32>
          %parallel_loop3A_361 = arith.index_cast %parallel_loop3A_345 : i32 to index
          %parallel_loop3A_362 = arith.constant 48 : index
          %parallel_loop3A_363 = tpu.vector_load %arg6[%parallel_loop3A_361, %parallel_loop3A_362] {strides = array<i32>} : memref<384x128xf32, #tpu.memory_space<vmem>>, vector<1x16xf32>,
          %parallel_loop3A_364 = vector.shape_cast %parallel_loop3A_363 : vector<1x16xf32> to vector<16xf32>
          %parallel_loop3A_365 = arith.addf %parallel_loop3A_340, %parallel_loop3A_364 : vector<16xf32>
          %parallel_loop3A_366 = arith.index_cast %parallel_loop3A_345 : i32 to index
          %parallel_loop3A_367 = arith.constant 64 : index
          %parallel_loop3A_368 = tpu.vector_load %arg6[%parallel_loop3A_366, %parallel_loop3A_367] {strides = array<i32>} : memref<384x128xf32, #tpu.memory_space<vmem>>, vector<1x16xf32>,
          %parallel_loop3A_369 = vector.shape_cast %parallel_loop3A_368 : vector<1x16xf32> to vector<16xf32>
          %parallel_loop3A_370 = arith.addf %parallel_loop3A_341, %parallel_loop3A_369 : vector<16xf32>
          %parallel_loop3A_371 = arith.index_cast %parallel_loop3A_345 : i32 to index
          %parallel_loop3A_372 = arith.constant 80 : index
          %parallel_loop3A_373 = tpu.vector_load %arg6[%parallel_loop3A_371, %parallel_loop3A_372] {strides = array<i32>} : memref<384x128xf32, #tpu.memory_space<vmem>>, vector<1x16xf32>,
          %parallel_loop3A_374 = vector.shape_cast %parallel_loop3A_373 : vector<1x16xf32> to vector<16xf32>
          %parallel_loop3A_375 = arith.addf %parallel_loop3A_342, %parallel_loop3A_374 : vector<16xf32>
          %parallel_loop3A_376 = arith.index_cast %parallel_loop3A_345 : i32 to index
          %parallel_loop3A_377 = arith.constant 96 : index
          %parallel_loop3A_378 = tpu.vector_load %arg6[%parallel_loop3A_376, %parallel_loop3A_377] {strides = array<i32>} : memref<384x128xf32, #tpu.memory_space<vmem>>, vector<1x16xf32>,
          %parallel_loop3A_379 = vector.shape_cast %parallel_loop3A_378 : vector<1x16xf32> to vector<16xf32>
          %parallel_loop3A_380 = arith.addf %parallel_loop3A_343, %parallel_loop3A_379 : vector<16xf32>
          %parallel_loop3A_381 = arith.index_cast %parallel_loop3A_345 : i32 to index
          %parallel_loop3A_382 = arith.constant 112 : index
          %parallel_loop3A_383 = tpu.vector_load %arg6[%parallel_loop3A_381, %parallel_loop3A_382] {strides = array<i32>} : memref<384x128xf32, #tpu.memory_space<vmem>>, vector<1x16xf32>,
          %parallel_loop3A_384 = vector.shape_cast %parallel_loop3A_383 : vector<1x16xf32> to vector<16xf32>
          %parallel_loop3A_385 = arith.addf %parallel_loop3A_344, %parallel_loop3A_384 : vector<16xf32>
          scf.yield %parallel_loop3A_350, %parallel_loop3A_355, %parallel_loop3A_360, %parallel_loop3A_365, %parallel_loop3A_370, %parallel_loop3A_375, %parallel_loop3A_380, %parallel_loop3A_385 : vector<16xf32>, vector<16xf32>, vector<16xf32>, vector<16xf32>, vector<16xf32>, vector<16xf32>, vector<16xf32>, vector<16xf32>
        } {sc.loop_unroll_factor = 16 : i64, sc.parallel_access}
        %swap3A = arith.index_cast %sub3A_276 : i32 to index
        %swap3A_293 = arith.constant 0 : index
        %swap3A_294 = tpu.vector_load %arg8[%swap3A, %swap3A_293] {strides = array<i32>} : memref<128x128xf32, #tpu.memory_space<vmem>>, vector<1x16xf32>,
        %swap3A_295 = vector.shape_cast %swap3A_294 : vector<1x16xf32> to vector<16xf32>
        %swap3A_296 = vector.shape_cast %parallel_loop3A_292#0 : vector<16xf32> to vector<1x16xf32>
        tpu.vector_store %arg8[%swap3A, %swap3A_293], %swap3A_296 {add = true, strides = array<i32>} : memref<128x128xf32, #tpu.memory_space<vmem>>, vector<1x16xf32>,
        %swap3A_297 = arith.index_cast %sub3A_276 : i32 to index
        %swap3A_298 = arith.constant 16 : index
        %swap3A_299 = tpu.vector_load %arg8[%swap3A_297, %swap3A_298] {strides = array<i32>} : memref<128x128xf32, #tpu.memory_space<vmem>>, vector<1x16xf32>,
        %swap3A_300 = vector.shape_cast %swap3A_299 : vector<1x16xf32> to vector<16xf32>
        %swap3A_301 = vector.shape_cast %parallel_loop3A_292#1 : vector<16xf32> to vector<1x16xf32>
        tpu.vector_store %arg8[%swap3A_297, %swap3A_298], %swap3A_301 {add = true, strides = array<i32>} : memref<128x128xf32, #tpu.memory_space<vmem>>, vector<1x16xf32>,
        %swap3A_302 = arith.index_cast %sub3A_276 : i32 to index
        %swap3A_303 = arith.constant 32 : index
        %swap3A_304 = tpu.vector_load %arg8[%swap3A_302, %swap3A_303] {strides = array<i32>} : memref<128x128xf32, #tpu.memory_space<vmem>>, vector<1x16xf32>,
        %swap3A_305 = vector.shape_cast %swap3A_304 : vector<1x16xf32> to vector<16xf32>
        %swap3A_306 = vector.shape_cast %parallel_loop3A_292#2 : vector<16xf32> to vector<1x16xf32>
        tpu.vector_store %arg8[%swap3A_302, %swap3A_303], %swap3A_306 {add = true, strides = array<i32>} : memref<128x128xf32, #tpu.memory_space<vmem>>, vector<1x16xf32>,
        %swap3A_307 = arith.index_cast %sub3A_276 : i32 to index
        %swap3A_308 = arith.constant 48 : index
        %swap3A_309 = tpu.vector_load %arg8[%swap3A_307, %swap3A_308] {strides = array<i32>} : memref<128x128xf32, #tpu.memory_space<vmem>>, vector<1x16xf32>,
        %swap3A_310 = vector.shape_cast %swap3A_309 : vector<1x16xf32> to vector<16xf32>
        %swap3A_311 = vector.shape_cast %parallel_loop3A_292#3 : vector<16xf32> to vector<1x16xf32>
        tpu.vector_store %arg8[%swap3A_307, %swap3A_308], %swap3A_311 {add = true, strides = array<i32>} : memref<128x128xf32, #tpu.memory_space<vmem>>, vector<1x16xf32>,
        %swap3A_312 = arith.index_cast %sub3A_276 : i32 to index
        %swap3A_313 = arith.constant 64 : index
        %swap3A_314 = tpu.vector_load %arg8[%swap3A_312, %swap3A_313] {strides = array<i32>} : memref<128x128xf32, #tpu.memory_space<vmem>>, vector<1x16xf32>,
        %swap3A_315 = vector.shape_cast %swap3A_314 : vector<1x16xf32> to vector<16xf32>
        %swap3A_316 = vector.shape_cast %parallel_loop3A_292#4 : vector<16xf32> to vector<1x16xf32>
        tpu.vector_store %arg8[%swap3A_312, %swap3A_313], %swap3A_316 {add = true, strides = array<i32>} : memref<128x128xf32, #tpu.memory_space<vmem>>, vector<1x16xf32>,
        %swap3A_317 = arith.index_cast %sub3A_276 : i32 to index
        %swap3A_318 = arith.constant 80 : index
        %swap3A_319 = tpu.vector_load %arg8[%swap3A_317, %swap3A_318] {strides = array<i32>} : memref<128x128xf32, #tpu.memory_space<vmem>>, vector<1x16xf32>,
        %swap3A_320 = vector.shape_cast %swap3A_319 : vector<1x16xf32> to vector<16xf32>
        %swap3A_321 = vector.shape_cast %parallel_loop3A_292#5 : vector<16xf32> to vector<1x16xf32>
        tpu.vector_store %arg8[%swap3A_317, %swap3A_318], %swap3A_321 {add = true, strides = array<i32>} : memref<128x128xf32, #tpu.memory_space<vmem>>, vector<1x16xf32>,
        %swap3A_322 = arith.index_cast %sub3A_276 : i32 to index
        %swap3A_323 = arith.constant 96 : index
        %swap3A_324 = tpu.vector_load %arg8[%swap3A_322, %swap3A_323] {strides = array<i32>} : memref<128x128xf32, #tpu.memory_space<vmem>>, vector<1x16xf32>,
        %swap3A_325 = vector.shape_cast %swap3A_324 : vector<1x16xf32> to vector<16xf32>
        %swap3A_326 = vector.shape_cast %parallel_loop3A_292#6 : vector<16xf32> to vector<1x16xf32>
        tpu.vector_store %arg8[%swap3A_322, %swap3A_323], %swap3A_326 {add = true, strides = array<i32>} : memref<128x128xf32, #tpu.memory_space<vmem>>, vector<1x16xf32>,
        %swap3A_327 = arith.index_cast %sub3A_276 : i32 to index
        %swap3A_328 = arith.constant 112 : index
        %swap3A_329 = tpu.vector_load %arg8[%swap3A_327, %swap3A_328] {strides = array<i32>} : memref<128x128xf32, #tpu.memory_space<vmem>>, vector<1x16xf32>,
        %swap3A_330 = vector.shape_cast %swap3A_329 : vector<1x16xf32> to vector<16xf32>
        %swap3A_331 = vector.shape_cast %parallel_loop3A_292#7 : vector<16xf32> to vector<1x16xf32>
        tpu.vector_store %arg8[%swap3A_327, %swap3A_328], %swap3A_331 {add = true, strides = array<i32>} : memref<128x128xf32, #tpu.memory_space<vmem>>, vector<1x16xf32>,
        %le3A = arith.cmpi sle, %add3A_273, %min3A_245 : i32
        %jit3A_332 = arith.constant 1 : i32
        %jit3A_333 = arith.constant 0 : i32
        %select_n3A_334 = arith.select %le3A, %jit3A_332, %jit3A_333 : i32
        %add3A_335 = arith.addi %while3A_265, %select_n3A_334 : i32
        scf.yield %add3A_335 : i32
      }
      %while3A_262 = arith.constant 1 : i32
      %while3A_263 = scf.for %while3A_264 = %while3A_259 to %while3A_255 step %while3A_262 iter_args(%while3A_265 = %while3A_261) -> (i32)  : i32 {
        %get3A_266 = arith.index_cast %while3A_264 : i32 to index
        %get3A_267 = memref.load %arg9[%get3A_266] : memref<256xi32, #tpu.memory_space<smem>>
        %add3A_268 = arith.addi %mul3A_0, %get3A_267 : i32
        %add3A_269 = arith.constant 1 : i32
        %add3A_270 = arith.addi %while3A_264, %add3A_269 : i32
        %get3A_271 = arith.index_cast %add3A_270 : i32 to index
        %get3A_272 = memref.load %arg9[%get3A_271] : memref<256xi32, #tpu.memory_space<smem>>
        %add3A_273 = arith.addi %mul3A_0, %get3A_272 : i32
        %max3A_274 = arith.maxsi %add3A_268, %add3A_237 : i32
        %min3A_275 = arith.minsi %add3A_273, %min3A_245 : i32
        %sub3A_276 = arith.subi %while3A_264, %mul3A_4 : i32
        %broadcast_in_dim3A = arith.constant 0.000000e+00 : f32
        %broadcast_in_dim3A_277 = vector.broadcast %broadcast_in_dim3A : f32 to vector<16xf32>
        %broadcast_in_dim3A_278 = arith.constant 0.000000e+00 : f32
        %broadcast_in_dim3A_279 = vector.broadcast %broadcast_in_dim3A_278 : f32 to vector<16xf32>
        %broadcast_in_dim3A_280 = arith.constant 0.000000e+00 : f32
        %broadcast_in_dim3A_281 = vector.broadcast %broadcast_in_dim3A_280 : f32 to vector<16xf32>
        %broadcast_in_dim3A_282 = arith.constant 0.000000e+00 : f32
        %broadcast_in_dim3A_283 = vector.broadcast %broadcast_in_dim3A_282 : f32 to vector<16xf32>
        %broadcast_in_dim3A_284 = arith.constant 0.000000e+00 : f32
        %broadcast_in_dim3A_285 = vector.broadcast %broadcast_in_dim3A_284 : f32 to vector<16xf32>
        %broadcast_in_dim3A_286 = arith.constant 0.000000e+00 : f32
        %broadcast_in_dim3A_287 = vector.broadcast %broadcast_in_dim3A_286 : f32 to vector<16xf32>
        %broadcast_in_dim3A_288 = arith.constant 0.000000e+00 : f32
        %broadcast_in_dim3A_289 = vector.broadcast %broadcast_in_dim3A_288 : f32 to vector<16xf32>
        %broadcast_in_dim3A_290 = arith.constant 0.000000e+00 : f32
        %broadcast_in_dim3A_291 = vector.broadcast %broadcast_in_dim3A_290 : f32 to vector<16xf32>
        %parallel_loop3A = arith.constant 1 : i32
        %parallel_loop3A_292:8 = scf.for %parallel_loop3A_336 = %max3A_274 to %min3A_275 step %parallel_loop3A iter_args(%parallel_loop3A_337 = %broadcast_in_dim3A_277, %parallel_loop3A_338 = %broadcast_in_dim3A_279, %parallel_loop3A_339 = %broadcast_in_dim3A_281, %parallel_loop3A_340 = %broadcast_in_dim3A_283, %parallel_loop3A_341 = %broadcast_in_dim3A_285, %parallel_loop3A_342 = %broadcast_in_dim3A_287, %parallel_loop3A_343 = %broadcast_in_dim3A_289, %parallel_loop3A_344 = %broadcast_in_dim3A_291) -> (vector<16xf32>, vector<16xf32>, vector<16xf32>, vector<16xf32>, vector<16xf32>, vector<16xf32>, vector<16xf32>, vector<16xf32>)  : i32 {
          %parallel_loop3A_345 = arith.subi %parallel_loop3A_336, %multiple_of3A_242 : i32
          %parallel_loop3A_346 = arith.index_cast %parallel_loop3A_345 : i32 to index
          %parallel_loop3A_347 = arith.constant 0 : index
          %parallel_loop3A_348 = tpu.vector_load %arg6[%parallel_loop3A_346, %parallel_loop3A_347] {strides = array<i32>} : memref<384x128xf32, #tpu.memory_space<vmem>>, vector<1x16xf32>,
          %parallel_loop3A_349 = vector.shape_cast %parallel_loop3A_348 : vector<1x16xf32> to vector<16xf32>
          %parallel_loop3A_350 = arith.addf %parallel_loop3A_337, %parallel_loop3A_349 : vector<16xf32>
          %parallel_loop3A_351 = arith.index_cast %parallel_loop3A_345 : i32 to index
          %parallel_loop3A_352 = arith.constant 16 : index
          %parallel_loop3A_353 = tpu.vector_load %arg6[%parallel_loop3A_351, %parallel_loop3A_352] {strides = array<i32>} : memref<384x128xf32, #tpu.memory_space<vmem>>, vector<1x16xf32>,
          %parallel_loop3A_354 = vector.shape_cast %parallel_loop3A_353 : vector<1x16xf32> to vector<16xf32>
          %parallel_loop3A_355 = arith.addf %parallel_loop3A_338, %parallel_loop3A_354 : vector<16xf32>
          %parallel_loop3A_356 = arith.index_cast %parallel_loop3A_345 : i32 to index
          %parallel_loop3A_357 = arith.constant 32 : index
          %parallel_loop3A_358 = tpu.vector_load %arg6[%parallel_loop3A_356, %parallel_loop3A_357] {strides = array<i32>} : memref<384x128xf32, #tpu.memory_space<vmem>>, vector<1x16xf32>,
          %parallel_loop3A_359 = vector.shape_cast %parallel_loop3A_358 : vector<1x16xf32> to vector<16xf32>
          %parallel_loop3A_360 = arith.addf %parallel_loop3A_339, %parallel_loop3A_359 : vector<16xf32>
          %parallel_loop3A_361 = arith.index_cast %parallel_loop3A_345 : i32 to index
          %parallel_loop3A_362 = arith.constant 48 : index
          %parallel_loop3A_363 = tpu.vector_load %arg6[%parallel_loop3A_361, %parallel_loop3A_362] {strides = array<i32>} : memref<384x128xf32, #tpu.memory_space<vmem>>, vector<1x16xf32>,
          %parallel_loop3A_364 = vector.shape_cast %parallel_loop3A_363 : vector<1x16xf32> to vector<16xf32>
          %parallel_loop3A_365 = arith.addf %parallel_loop3A_340, %parallel_loop3A_364 : vector<16xf32>
          %parallel_loop3A_366 = arith.index_cast %parallel_loop3A_345 : i32 to index
          %parallel_loop3A_367 = arith.constant 64 : index
          %parallel_loop3A_368 = tpu.vector_load %arg6[%parallel_loop3A_366, %parallel_loop3A_367] {strides = array<i32>} : memref<384x128xf32, #tpu.memory_space<vmem>>, vector<1x16xf32>,
          %parallel_loop3A_369 = vector.shape_cast %parallel_loop3A_368 : vector<1x16xf32> to vector<16xf32>
          %parallel_loop3A_370 = arith.addf %parallel_loop3A_341, %parallel_loop3A_369 : vector<16xf32>
          %parallel_loop3A_371 = arith.index_cast %parallel_loop3A_345 : i32 to index
          %parallel_loop3A_372 = arith.constant 80 : index
          %parallel_loop3A_373 = tpu.vector_load %arg6[%parallel_loop3A_371, %parallel_loop3A_372] {strides = array<i32>} : memref<384x128xf32, #tpu.memory_space<vmem>>, vector<1x16xf32>,
          %parallel_loop3A_374 = vector.shape_cast %parallel_loop3A_373 : vector<1x16xf32> to vector<16xf32>
          %parallel_loop3A_375 = arith.addf %parallel_loop3A_342, %parallel_loop3A_374 : vector<16xf32>
          %parallel_loop3A_376 = arith.index_cast %parallel_loop3A_345 : i32 to index
          %parallel_loop3A_377 = arith.constant 96 : index
          %parallel_loop3A_378 = tpu.vector_load %arg6[%parallel_loop3A_376, %parallel_loop3A_377] {strides = array<i32>} : memref<384x128xf32, #tpu.memory_space<vmem>>, vector<1x16xf32>,
          %parallel_loop3A_379 = vector.shape_cast %parallel_loop3A_378 : vector<1x16xf32> to vector<16xf32>
          %parallel_loop3A_380 = arith.addf %parallel_loop3A_343, %parallel_loop3A_379 : vector<16xf32>
          %parallel_loop3A_381 = arith.index_cast %parallel_loop3A_345 : i32 to index
          %parallel_loop3A_382 = arith.constant 112 : index
          %parallel_loop3A_383 = tpu.vector_load %arg6[%parallel_loop3A_381, %parallel_loop3A_382] {strides = array<i32>} : memref<384x128xf32, #tpu.memory_space<vmem>>, vector<1x16xf32>,
          %parallel_loop3A_384 = vector.shape_cast %parallel_loop3A_383 : vector<1x16xf32> to vector<16xf32>
          %parallel_loop3A_385 = arith.addf %parallel_loop3A_344, %parallel_loop3A_384 : vector<16xf32>
          scf.yield %parallel_loop3A_350, %parallel_loop3A_355, %parallel_loop3A_360, %parallel_loop3A_365, %parallel_loop3A_370, %parallel_loop3A_375, %parallel_loop3A_380, %parallel_loop3A_385 : vector<16xf32>, vector<16xf32>, vector<16xf32>, vector<16xf32>, vector<16xf32>, vector<16xf32>, vector<16xf32>, vector<16xf32>
        } {sc.loop_unroll_factor = 16 : i64, sc.parallel_access}
        %swap3A = arith.index_cast %sub3A_276 : i32 to index
        %swap3A_293 = arith.constant 0 : index
        %swap3A_294 = tpu.vector_load %arg8[%swap3A, %swap3A_293] {strides = array<i32>} : memref<128x128xf32, #tpu.memory_space<vmem>>, vector<1x16xf32>,
        %swap3A_295 = vector.shape_cast %swap3A_294 : vector<1x16xf32> to vector<16xf32>
        %swap3A_296 = vector.shape_cast %parallel_loop3A_292#0 : vector<16xf32> to vector<1x16xf32>
        tpu.vector_store %arg8[%swap3A, %swap3A_293], %swap3A_296 {add = true, strides = array<i32>} : memref<128x128xf32, #tpu.memory_space<vmem>>, vector<1x16xf32>,
        %swap3A_297 = arith.index_cast %sub3A_276 : i32 to index
        %swap3A_298 = arith.constant 16 : index
        %swap3A_299 = tpu.vector_load %arg8[%swap3A_297, %swap3A_298] {strides = array<i32>} : memref<128x128xf32, #tpu.memory_space<vmem>>, vector<1x16xf32>,
        %swap3A_300 = vector.shape_cast %swap3A_299 : vector<1x16xf32> to vector<16xf32>
        %swap3A_301 = vector.shape_cast %parallel_loop3A_292#1 : vector<16xf32> to vector<1x16xf32>
        tpu.vector_store %arg8[%swap3A_297, %swap3A_298], %swap3A_301 {add = true, strides = array<i32>} : memref<128x128xf32, #tpu.memory_space<vmem>>, vector<1x16xf32>,
        %swap3A_302 = arith.index_cast %sub3A_276 : i32 to index
        %swap3A_303 = arith.constant 32 : index
        %swap3A_304 = tpu.vector_load %arg8[%swap3A_302, %swap3A_303] {strides = array<i32>} : memref<128x128xf32, #tpu.memory_space<vmem>>, vector<1x16xf32>,
        %swap3A_305 = vector.shape_cast %swap3A_304 : vector<1x16xf32> to vector<16xf32>
        %swap3A_306 = vector.shape_cast %parallel_loop3A_292#2 : vector<16xf32> to vector<1x16xf32>
        tpu.vector_store %arg8[%swap3A_302, %swap3A_303], %swap3A_306 {add = true, strides = array<i32>} : memref<128x128xf32, #tpu.memory_space<vmem>>, vector<1x16xf32>,
        %swap3A_307 = arith.index_cast %sub3A_276 : i32 to index
        %swap3A_308 = arith.constant 48 : index
        %swap3A_309 = tpu.vector_load %arg8[%swap3A_307, %swap3A_308] {strides = array<i32>} : memref<128x128xf32, #tpu.memory_space<vmem>>, vector<1x16xf32>,
        %swap3A_310 = vector.shape_cast %swap3A_309 : vector<1x16xf32> to vector<16xf32>
        %swap3A_311 = vector.shape_cast %parallel_loop3A_292#3 : vector<16xf32> to vector<1x16xf32>
        tpu.vector_store %arg8[%swap3A_307, %swap3A_308], %swap3A_311 {add = true, strides = array<i32>} : memref<128x128xf32, #tpu.memory_space<vmem>>, vector<1x16xf32>,
        %swap3A_312 = arith.index_cast %sub3A_276 : i32 to index
        %swap3A_313 = arith.constant 64 : index
        %swap3A_314 = tpu.vector_load %arg8[%swap3A_312, %swap3A_313] {strides = array<i32>} : memref<128x128xf32, #tpu.memory_space<vmem>>, vector<1x16xf32>,
        %swap3A_315 = vector.shape_cast %swap3A_314 : vector<1x16xf32> to vector<16xf32>
        %swap3A_316 = vector.shape_cast %parallel_loop3A_292#4 : vector<16xf32> to vector<1x16xf32>
        tpu.vector_store %arg8[%swap3A_312, %swap3A_313], %swap3A_316 {add = true, strides = array<i32>} : memref<128x128xf32, #tpu.memory_space<vmem>>, vector<1x16xf32>,
        %swap3A_317 = arith.index_cast %sub3A_276 : i32 to index
        %swap3A_318 = arith.constant 80 : index
        %swap3A_319 = tpu.vector_load %arg8[%swap3A_317, %swap3A_318] {strides = array<i32>} : memref<128x128xf32, #tpu.memory_space<vmem>>, vector<1x16xf32>,
        %swap3A_320 = vector.shape_cast %swap3A_319 : vector<1x16xf32> to vector<16xf32>
        %swap3A_321 = vector.shape_cast %parallel_loop3A_292#5 : vector<16xf32> to vector<1x16xf32>
        tpu.vector_store %arg8[%swap3A_317, %swap3A_318], %swap3A_321 {add = true, strides = array<i32>} : memref<128x128xf32, #tpu.memory_space<vmem>>, vector<1x16xf32>,
        %swap3A_322 = arith.index_cast %sub3A_276 : i32 to index
        %swap3A_323 = arith.constant 96 : index
        %swap3A_324 = tpu.vector_load %arg8[%swap3A_322, %swap3A_323] {strides = array<i32>} : memref<128x128xf32, #tpu.memory_space<vmem>>, vector<1x16xf32>,
        %swap3A_325 = vector.shape_cast %swap3A_324 : vector<1x16xf32> to vector<16xf32>
        %swap3A_326 = vector.shape_cast %parallel_loop3A_292#6 : vector<16xf32> to vector<1x16xf32>
        tpu.vector_store %arg8[%swap3A_322, %swap3A_323], %swap3A_326 {add = true, strides = array<i32>} : memref<128x128xf32, #tpu.memory_space<vmem>>, vector<1x16xf32>,
        %swap3A_327 = arith.index_cast %sub3A_276 : i32 to index
        %swap3A_328 = arith.constant 112 : index
        %swap3A_329 = tpu.vector_load %arg8[%swap3A_327, %swap3A_328] {strides = array<i32>} : memref<128x128xf32, #tpu.memory_space<vmem>>, vector<1x16xf32>,
        %swap3A_330 = vector.shape_cast %swap3A_329 : vector<1x16xf32> to vector<16xf32>
        %swap3A_331 = vector.shape_cast %parallel_loop3A_292#7 : vector<16xf32> to vector<1x16xf32>
        tpu.vector_store %arg8[%swap3A_327, %swap3A_328], %swap3A_331 {add = true, strides = array<i32>} : memref<128x128xf32, #tpu.memory_space<vmem>>, vector<1x16xf32>,
        %le3A = arith.cmpi sle, %add3A_273, %min3A_245 : i32
        %jit3A_332 = arith.constant 1 : i32
        %jit3A_333 = arith.constant 0 : i32
        %select_n3A_334 = arith.select %le3A, %jit3A_332, %jit3A_333 : i32
        %add3A_335 = arith.addi %while3A_265, %select_n3A_334 : i32
        scf.yield %add3A_335 : i32
      }
    } else {
    }
    %while3A_205 = arith.constant 0 : i32
    %while3A_206 = arith.constant 0 : i32
    %while3A_207 = arith.subi %sub3A_5, %while3A_206 : i32
    %while3A_208 = arith.addi %while3A_206, %while3A_207 : i32
    %while3A_209 = arith.constant 1 : i32
    %while3A_210 = arith.divsi %while3A_207, %while3A_209 : i32
    %while3A_211 = arith.muli %while3A_210, %while3A_209 : i32
    %while3A_212 = arith.addi %while3A_206, %while3A_211 : i32
    %while3A_213 = arith.constant 1 : i32
    scf.for %while3A_223 = %while3A_206 to %while3A_212 step %while3A_213  : i32 {
      %add3A_224 = arith.addi %mul3A_4, %while3A_223 : i32
      %add3A_225 = arith.constant 1 : i32
      %add3A_226 = arith.addi %add3A_224, %add3A_225 : i32
      %get3A_227 = arith.index_cast %add3A_226 : i32 to index
      %get3A_228 = memref.load %arg9[%get3A_227] : memref<256xi32, #tpu.memory_space<smem>>
      %add3A_229 = arith.addi %mul3A_4, %while3A_223 : i32
      %get3A_230 = arith.index_cast %add3A_229 : i32 to index
      %get3A_231 = memref.load %arg9[%get3A_230] : memref<256xi32, #tpu.memory_space<smem>>
      %sub3A_232 = arith.subi %get3A_228, %get3A_231 : i32
      %gt3A_233 = arith.constant 0 : i32
      %gt3A_234 = arith.cmpi sgt, %sub3A_232, %gt3A_233 : i32
      %convert_element_type3A_235 = arith.sitofp %sub3A_232 : i32 to f32
      %broadcast_in_dim3A = vector.broadcast %convert_element_type3A_235 : f32 to vector<16xf32>
      %div3A_236 = arith.constant 1.000000e+00 : f32
      %div3A_237 = vector.broadcast %div3A_236 : f32 to vector<16xf32>
      %div3A_238 = arith.divf %div3A_237, %broadcast_in_dim3A : vector<16xf32>
      %broadcast_in_dim3A_239 = arith.constant 0.000000e+00 : f32
      %broadcast_in_dim3A_240 = vector.broadcast %broadcast_in_dim3A_239 : f32 to vector<16xf32>
      %select_n3A_241 = arith.select %gt3A_234, %div3A_238, %broadcast_in_dim3A_240 : vector<16xf32>
      %get3A_242 = arith.index_cast %while3A_223 : i32 to index
      %get3A_243 = arith.constant 0 : index
      %get3A_244 = tpu.vector_load %arg8[%get3A_242, %get3A_243] {strides = array<i32>} : memref<128x128xf32, #tpu.memory_space<vmem>>, vector<1x16xf32>,
      %get3A_245 = vector.shape_cast %get3A_244 : vector<1x16xf32> to vector<16xf32>
      %mul3A_246 = arith.mulf %get3A_245, %select_n3A_241 : vector<16xf32>
      %swap3A = arith.index_cast %while3A_223 : i32 to index
      %swap3A_247 = arith.constant 0 : index
      %swap3A_248 = tpu.vector_load %arg8[%swap3A, %swap3A_247] {strides = array<i32>} : memref<128x128xf32, #tpu.memory_space<vmem>>, vector<1x16xf32>,
      %swap3A_249 = vector.shape_cast %swap3A_248 : vector<1x16xf32> to vector<16xf32>
      %swap3A_250 = vector.shape_cast %mul3A_246 : vector<16xf32> to vector<1x16xf32>
      tpu.vector_store %arg8[%swap3A, %swap3A_247], %swap3A_250 {strides = array<i32>} : memref<128x128xf32, #tpu.memory_space<vmem>>, vector<1x16xf32>,
      %get3A_251 = arith.index_cast %while3A_223 : i32 to index
      %get3A_252 = arith.constant 16 : index
      %get3A_253 = tpu.vector_load %arg8[%get3A_251, %get3A_252] {strides = array<i32>} : memref<128x128xf32, #tpu.memory_space<vmem>>, vector<1x16xf32>,
      %get3A_254 = vector.shape_cast %get3A_253 : vector<1x16xf32> to vector<16xf32>
      %mul3A_255 = arith.mulf %get3A_254, %select_n3A_241 : vector<16xf32>
      %swap3A_256 = arith.index_cast %while3A_223 : i32 to index
      %swap3A_257 = arith.constant 16 : index
      %swap3A_258 = tpu.vector_load %arg8[%swap3A_256, %swap3A_257] {strides = array<i32>} : memref<128x128xf32, #tpu.memory_space<vmem>>, vector<1x16xf32>,
      %swap3A_259 = vector.shape_cast %swap3A_258 : vector<1x16xf32> to vector<16xf32>
      %swap3A_260 = vector.shape_cast %mul3A_255 : vector<16xf32> to vector<1x16xf32>
      tpu.vector_store %arg8[%swap3A_256, %swap3A_257], %swap3A_260 {strides = array<i32>} : memref<128x128xf32, #tpu.memory_space<vmem>>, vector<1x16xf32>,
      %get3A_261 = arith.index_cast %while3A_223 : i32 to index
      %get3A_262 = arith.constant 32 : index
      %get3A_263 = tpu.vector_load %arg8[%get3A_261, %get3A_262] {strides = array<i32>} : memref<128x128xf32, #tpu.memory_space<vmem>>, vector<1x16xf32>,
      %get3A_264 = vector.shape_cast %get3A_263 : vector<1x16xf32> to vector<16xf32>
      %mul3A_265 = arith.mulf %get3A_264, %select_n3A_241 : vector<16xf32>
      %swap3A_266 = arith.index_cast %while3A_223 : i32 to index
      %swap3A_267 = arith.constant 32 : index
      %swap3A_268 = tpu.vector_load %arg8[%swap3A_266, %swap3A_267] {strides = array<i32>} : memref<128x128xf32, #tpu.memory_space<vmem>>, vector<1x16xf32>,
      %swap3A_269 = vector.shape_cast %swap3A_268 : vector<1x16xf32> to vector<16xf32>
      %swap3A_270 = vector.shape_cast %mul3A_265 : vector<16xf32> to vector<1x16xf32>
      tpu.vector_store %arg8[%swap3A_266, %swap3A_267], %swap3A_270 {strides = array<i32>} : memref<128x128xf32, #tpu.memory_space<vmem>>, vector<1x16xf32>,
      %get3A_271 = arith.index_cast %while3A_223 : i32 to index
      %get3A_272 = arith.constant 48 : index
      %get3A_273 = tpu.vector_load %arg8[%get3A_271, %get3A_272] {strides = array<i32>} : memref<128x128xf32, #tpu.memory_space<vmem>>, vector<1x16xf32>,
      %get3A_274 = vector.shape_cast %get3A_273 : vector<1x16xf32> to vector<16xf32>
      %mul3A_275 = arith.mulf %get3A_274, %select_n3A_241 : vector<16xf32>
      %swap3A_276 = arith.index_cast %while3A_223 : i32 to index
      %swap3A_277 = arith.constant 48 : index
      %swap3A_278 = tpu.vector_load %arg8[%swap3A_276, %swap3A_277] {strides = array<i32>} : memref<128x128xf32, #tpu.memory_space<vmem>>, vector<1x16xf32>,
      %swap3A_279 = vector.shape_cast %swap3A_278 : vector<1x16xf32> to vector<16xf32>
      %swap3A_280 = vector.shape_cast %mul3A_275 : vector<16xf32> to vector<1x16xf32>
      tpu.vector_store %arg8[%swap3A_276, %swap3A_277], %swap3A_280 {strides = array<i32>} : memref<128x128xf32, #tpu.memory_space<vmem>>, vector<1x16xf32>,
      %get3A_281 = arith.index_cast %while3A_223 : i32 to index
      %get3A_282 = arith.constant 64 : index
      %get3A_283 = tpu.vector_load %arg8[%get3A_281, %get3A_282] {strides = array<i32>} : memref<128x128xf32, #tpu.memory_space<vmem>>, vector<1x16xf32>,
      %get3A_284 = vector.shape_cast %get3A_283 : vector<1x16xf32> to vector<16xf32>
      %mul3A_285 = arith.mulf %get3A_284, %select_n3A_241 : vector<16xf32>
      %swap3A_286 = arith.index_cast %while3A_223 : i32 to index
      %swap3A_287 = arith.constant 64 : index
      %swap3A_288 = tpu.vector_load %arg8[%swap3A_286, %swap3A_287] {strides = array<i32>} : memref<128x128xf32, #tpu.memory_space<vmem>>, vector<1x16xf32>,
      %swap3A_289 = vector.shape_cast %swap3A_288 : vector<1x16xf32> to vector<16xf32>
      %swap3A_290 = vector.shape_cast %mul3A_285 : vector<16xf32> to vector<1x16xf32>
      tpu.vector_store %arg8[%swap3A_286, %swap3A_287], %swap3A_290 {strides = array<i32>} : memref<128x128xf32, #tpu.memory_space<vmem>>, vector<1x16xf32>,
      %get3A_291 = arith.index_cast %while3A_223 : i32 to index
      %get3A_292 = arith.constant 80 : index
      %get3A_293 = tpu.vector_load %arg8[%get3A_291, %get3A_292] {strides = array<i32>} : memref<128x128xf32, #tpu.memory_space<vmem>>, vector<1x16xf32>,
      %get3A_294 = vector.shape_cast %get3A_293 : vector<1x16xf32> to vector<16xf32>
      %mul3A_295 = arith.mulf %get3A_294, %select_n3A_241 : vector<16xf32>
      %swap3A_296 = arith.index_cast %while3A_223 : i32 to index
      %swap3A_297 = arith.constant 80 : index
      %swap3A_298 = tpu.vector_load %arg8[%swap3A_296, %swap3A_297] {strides = array<i32>} : memref<128x128xf32, #tpu.memory_space<vmem>>, vector<1x16xf32>,
      %swap3A_299 = vector.shape_cast %swap3A_298 : vector<1x16xf32> to vector<16xf32>
      %swap3A_300 = vector.shape_cast %mul3A_295 : vector<16xf32> to vector<1x16xf32>
      tpu.vector_store %arg8[%swap3A_296, %swap3A_297], %swap3A_300 {strides = array<i32>} : memref<128x128xf32, #tpu.memory_space<vmem>>, vector<1x16xf32>,
      %get3A_301 = arith.index_cast %while3A_223 : i32 to index
      %get3A_302 = arith.constant 96 : index
      %get3A_303 = tpu.vector_load %arg8[%get3A_301, %get3A_302] {strides = array<i32>} : memref<128x128xf32, #tpu.memory_space<vmem>>, vector<1x16xf32>,
      %get3A_304 = vector.shape_cast %get3A_303 : vector<1x16xf32> to vector<16xf32>
      %mul3A_305 = arith.mulf %get3A_304, %select_n3A_241 : vector<16xf32>
      %swap3A_306 = arith.index_cast %while3A_223 : i32 to index
      %swap3A_307 = arith.constant 96 : index
      %swap3A_308 = tpu.vector_load %arg8[%swap3A_306, %swap3A_307] {strides = array<i32>} : memref<128x128xf32, #tpu.memory_space<vmem>>, vector<1x16xf32>,
      %swap3A_309 = vector.shape_cast %swap3A_308 : vector<1x16xf32> to vector<16xf32>
      %swap3A_310 = vector.shape_cast %mul3A_305 : vector<16xf32> to vector<1x16xf32>
      tpu.vector_store %arg8[%swap3A_306, %swap3A_307], %swap3A_310 {strides = array<i32>} : memref<128x128xf32, #tpu.memory_space<vmem>>, vector<1x16xf32>,
      %get3A_311 = arith.index_cast %while3A_223 : i32 to index
      %get3A_312 = arith.constant 112 : index
      %get3A_313 = tpu.vector_load %arg8[%get3A_311, %get3A_312] {strides = array<i32>} : memref<128x128xf32, #tpu.memory_space<vmem>>, vector<1x16xf32>,
      %get3A_314 = vector.shape_cast %get3A_313 : vector<1x16xf32> to vector<16xf32>
      %mul3A_315 = arith.mulf %get3A_314, %select_n3A_241 : vector<16xf32>
      %swap3A_316 = arith.index_cast %while3A_223 : i32 to index
      %swap3A_317 = arith.constant 112 : index
      %swap3A_318 = tpu.vector_load %arg8[%swap3A_316, %swap3A_317] {strides = array<i32>} : memref<128x128xf32, #tpu.memory_space<vmem>>, vector<1x16xf32>,
      %swap3A_319 = vector.shape_cast %swap3A_318 : vector<1x16xf32> to vector<16xf32>
      %swap3A_320 = vector.shape_cast %mul3A_315 : vector<16xf32> to vector<1x16xf32>
      tpu.vector_store %arg8[%swap3A_316, %swap3A_317], %swap3A_320 {strides = array<i32>} : memref<128x128xf32, #tpu.memory_space<vmem>>, vector<1x16xf32>,
    }
    %while3A_214 = arith.constant 1 : i32
    scf.for %while3A_223 = %while3A_212 to %while3A_208 step %while3A_214  : i32 {
      %add3A_224 = arith.addi %mul3A_4, %while3A_223 : i32
      %add3A_225 = arith.constant 1 : i32
      %add3A_226 = arith.addi %add3A_224, %add3A_225 : i32
      %get3A_227 = arith.index_cast %add3A_226 : i32 to index
      %get3A_228 = memref.load %arg9[%get3A_227] : memref<256xi32, #tpu.memory_space<smem>>
      %add3A_229 = arith.addi %mul3A_4, %while3A_223 : i32
      %get3A_230 = arith.index_cast %add3A_229 : i32 to index
      %get3A_231 = memref.load %arg9[%get3A_230] : memref<256xi32, #tpu.memory_space<smem>>
      %sub3A_232 = arith.subi %get3A_228, %get3A_231 : i32
      %gt3A_233 = arith.constant 0 : i32
      %gt3A_234 = arith.cmpi sgt, %sub3A_232, %gt3A_233 : i32
      %convert_element_type3A_235 = arith.sitofp %sub3A_232 : i32 to f32
      %broadcast_in_dim3A = vector.broadcast %convert_element_type3A_235 : f32 to vector<16xf32>
      %div3A_236 = arith.constant 1.000000e+00 : f32
      %div3A_237 = vector.broadcast %div3A_236 : f32 to vector<16xf32>
      %div3A_238 = arith.divf %div3A_237, %broadcast_in_dim3A : vector<16xf32>
      %broadcast_in_dim3A_239 = arith.constant 0.000000e+00 : f32
      %broadcast_in_dim3A_240 = vector.broadcast %broadcast_in_dim3A_239 : f32 to vector<16xf32>
      %select_n3A_241 = arith.select %gt3A_234, %div3A_238, %broadcast_in_dim3A_240 : vector<16xf32>
      %get3A_242 = arith.index_cast %while3A_223 : i32 to index
      %get3A_243 = arith.constant 0 : index
      %get3A_244 = tpu.vector_load %arg8[%get3A_242, %get3A_243] {strides = array<i32>} : memref<128x128xf32, #tpu.memory_space<vmem>>, vector<1x16xf32>,
      %get3A_245 = vector.shape_cast %get3A_244 : vector<1x16xf32> to vector<16xf32>
      %mul3A_246 = arith.mulf %get3A_245, %select_n3A_241 : vector<16xf32>
      %swap3A = arith.index_cast %while3A_223 : i32 to index
      %swap3A_247 = arith.constant 0 : index
      %swap3A_248 = tpu.vector_load %arg8[%swap3A, %swap3A_247] {strides = array<i32>} : memref<128x128xf32, #tpu.memory_space<vmem>>, vector<1x16xf32>,
      %swap3A_249 = vector.shape_cast %swap3A_248 : vector<1x16xf32> to vector<16xf32>
      %swap3A_250 = vector.shape_cast %mul3A_246 : vector<16xf32> to vector<1x16xf32>
      tpu.vector_store %arg8[%swap3A, %swap3A_247], %swap3A_250 {strides = array<i32>} : memref<128x128xf32, #tpu.memory_space<vmem>>, vector<1x16xf32>,
      %get3A_251 = arith.index_cast %while3A_223 : i32 to index
      %get3A_252 = arith.constant 16 : index
      %get3A_253 = tpu.vector_load %arg8[%get3A_251, %get3A_252] {strides = array<i32>} : memref<128x128xf32, #tpu.memory_space<vmem>>, vector<1x16xf32>,
      %get3A_254 = vector.shape_cast %get3A_253 : vector<1x16xf32> to vector<16xf32>
      %mul3A_255 = arith.mulf %get3A_254, %select_n3A_241 : vector<16xf32>
      %swap3A_256 = arith.index_cast %while3A_223 : i32 to index
      %swap3A_257 = arith.constant 16 : index
      %swap3A_258 = tpu.vector_load %arg8[%swap3A_256, %swap3A_257] {strides = array<i32>} : memref<128x128xf32, #tpu.memory_space<vmem>>, vector<1x16xf32>,
      %swap3A_259 = vector.shape_cast %swap3A_258 : vector<1x16xf32> to vector<16xf32>
      %swap3A_260 = vector.shape_cast %mul3A_255 : vector<16xf32> to vector<1x16xf32>
      tpu.vector_store %arg8[%swap3A_256, %swap3A_257], %swap3A_260 {strides = array<i32>} : memref<128x128xf32, #tpu.memory_space<vmem>>, vector<1x16xf32>,
      %get3A_261 = arith.index_cast %while3A_223 : i32 to index
      %get3A_262 = arith.constant 32 : index
      %get3A_263 = tpu.vector_load %arg8[%get3A_261, %get3A_262] {strides = array<i32>} : memref<128x128xf32, #tpu.memory_space<vmem>>, vector<1x16xf32>,
      %get3A_264 = vector.shape_cast %get3A_263 : vector<1x16xf32> to vector<16xf32>
      %mul3A_265 = arith.mulf %get3A_264, %select_n3A_241 : vector<16xf32>
      %swap3A_266 = arith.index_cast %while3A_223 : i32 to index
      %swap3A_267 = arith.constant 32 : index
      %swap3A_268 = tpu.vector_load %arg8[%swap3A_266, %swap3A_267] {strides = array<i32>} : memref<128x128xf32, #tpu.memory_space<vmem>>, vector<1x16xf32>,
      %swap3A_269 = vector.shape_cast %swap3A_268 : vector<1x16xf32> to vector<16xf32>
      %swap3A_270 = vector.shape_cast %mul3A_265 : vector<16xf32> to vector<1x16xf32>
      tpu.vector_store %arg8[%swap3A_266, %swap3A_267], %swap3A_270 {strides = array<i32>} : memref<128x128xf32, #tpu.memory_space<vmem>>, vector<1x16xf32>,
      %get3A_271 = arith.index_cast %while3A_223 : i32 to index
      %get3A_272 = arith.constant 48 : index
      %get3A_273 = tpu.vector_load %arg8[%get3A_271, %get3A_272] {strides = array<i32>} : memref<128x128xf32, #tpu.memory_space<vmem>>, vector<1x16xf32>,
      %get3A_274 = vector.shape_cast %get3A_273 : vector<1x16xf32> to vector<16xf32>
      %mul3A_275 = arith.mulf %get3A_274, %select_n3A_241 : vector<16xf32>
      %swap3A_276 = arith.index_cast %while3A_223 : i32 to index
      %swap3A_277 = arith.constant 48 : index
      %swap3A_278 = tpu.vector_load %arg8[%swap3A_276, %swap3A_277] {strides = array<i32>} : memref<128x128xf32, #tpu.memory_space<vmem>>, vector<1x16xf32>,
      %swap3A_279 = vector.shape_cast %swap3A_278 : vector<1x16xf32> to vector<16xf32>
      %swap3A_280 = vector.shape_cast %mul3A_275 : vector<16xf32> to vector<1x16xf32>
      tpu.vector_store %arg8[%swap3A_276, %swap3A_277], %swap3A_280 {strides = array<i32>} : memref<128x128xf32, #tpu.memory_space<vmem>>, vector<1x16xf32>,
      %get3A_281 = arith.index_cast %while3A_223 : i32 to index
      %get3A_282 = arith.constant 64 : index
      %get3A_283 = tpu.vector_load %arg8[%get3A_281, %get3A_282] {strides = array<i32>} : memref<128x128xf32, #tpu.memory_space<vmem>>, vector<1x16xf32>,
      %get3A_284 = vector.shape_cast %get3A_283 : vector<1x16xf32> to vector<16xf32>
      %mul3A_285 = arith.mulf %get3A_284, %select_n3A_241 : vector<16xf32>
      %swap3A_286 = arith.index_cast %while3A_223 : i32 to index
      %swap3A_287 = arith.constant 64 : index
      %swap3A_288 = tpu.vector_load %arg8[%swap3A_286, %swap3A_287] {strides = array<i32>} : memref<128x128xf32, #tpu.memory_space<vmem>>, vector<1x16xf32>,
      %swap3A_289 = vector.shape_cast %swap3A_288 : vector<1x16xf32> to vector<16xf32>
      %swap3A_290 = vector.shape_cast %mul3A_285 : vector<16xf32> to vector<1x16xf32>
      tpu.vector_store %arg8[%swap3A_286, %swap3A_287], %swap3A_290 {strides = array<i32>} : memref<128x128xf32, #tpu.memory_space<vmem>>, vector<1x16xf32>,
      %get3A_291 = arith.index_cast %while3A_223 : i32 to index
      %get3A_292 = arith.constant 80 : index
      %get3A_293 = tpu.vector_load %arg8[%get3A_291, %get3A_292] {strides = array<i32>} : memref<128x128xf32, #tpu.memory_space<vmem>>, vector<1x16xf32>,
      %get3A_294 = vector.shape_cast %get3A_293 : vector<1x16xf32> to vector<16xf32>
      %mul3A_295 = arith.mulf %get3A_294, %select_n3A_241 : vector<16xf32>
      %swap3A_296 = arith.index_cast %while3A_223 : i32 to index
      %swap3A_297 = arith.constant 80 : index
      %swap3A_298 = tpu.vector_load %arg8[%swap3A_296, %swap3A_297] {strides = array<i32>} : memref<128x128xf32, #tpu.memory_space<vmem>>, vector<1x16xf32>,
      %swap3A_299 = vector.shape_cast %swap3A_298 : vector<1x16xf32> to vector<16xf32>
      %swap3A_300 = vector.shape_cast %mul3A_295 : vector<16xf32> to vector<1x16xf32>
      tpu.vector_store %arg8[%swap3A_296, %swap3A_297], %swap3A_300 {strides = array<i32>} : memref<128x128xf32, #tpu.memory_space<vmem>>, vector<1x16xf32>,
      %get3A_301 = arith.index_cast %while3A_223 : i32 to index
      %get3A_302 = arith.constant 96 : index
      %get3A_303 = tpu.vector_load %arg8[%get3A_301, %get3A_302] {strides = array<i32>} : memref<128x128xf32, #tpu.memory_space<vmem>>, vector<1x16xf32>,
      %get3A_304 = vector.shape_cast %get3A_303 : vector<1x16xf32> to vector<16xf32>
      %mul3A_305 = arith.mulf %get3A_304, %select_n3A_241 : vector<16xf32>
      %swap3A_306 = arith.index_cast %while3A_223 : i32 to index
      %swap3A_307 = arith.constant 96 : index
      %swap3A_308 = tpu.vector_load %arg8[%swap3A_306, %swap3A_307] {strides = array<i32>} : memref<128x128xf32, #tpu.memory_space<vmem>>, vector<1x16xf32>,
      %swap3A_309 = vector.shape_cast %swap3A_308 : vector<1x16xf32> to vector<16xf32>
      %swap3A_310 = vector.shape_cast %mul3A_305 : vector<16xf32> to vector<1x16xf32>
      tpu.vector_store %arg8[%swap3A_306, %swap3A_307], %swap3A_310 {strides = array<i32>} : memref<128x128xf32, #tpu.memory_space<vmem>>, vector<1x16xf32>,
      %get3A_311 = arith.index_cast %while3A_223 : i32 to index
      %get3A_312 = arith.constant 112 : index
      %get3A_313 = tpu.vector_load %arg8[%get3A_311, %get3A_312] {strides = array<i32>} : memref<128x128xf32, #tpu.memory_space<vmem>>, vector<1x16xf32>,
      %get3A_314 = vector.shape_cast %get3A_313 : vector<1x16xf32> to vector<16xf32>
      %mul3A_315 = arith.mulf %get3A_314, %select_n3A_241 : vector<16xf32>
      %swap3A_316 = arith.index_cast %while3A_223 : i32 to index
      %swap3A_317 = arith.constant 112 : index
      %swap3A_318 = tpu.vector_load %arg8[%swap3A_316, %swap3A_317] {strides = array<i32>} : memref<128x128xf32, #tpu.memory_space<vmem>>, vector<1x16xf32>,
      %swap3A_319 = vector.shape_cast %swap3A_318 : vector<1x16xf32> to vector<16xf32>
      %swap3A_320 = vector.shape_cast %mul3A_315 : vector<16xf32> to vector<1x16xf32>
      tpu.vector_store %arg8[%swap3A_316, %swap3A_317], %swap3A_320 {strides = array<i32>} : memref<128x128xf32, #tpu.memory_space<vmem>>, vector<1x16xf32>,
    }
    %eq3A_215 = arith.constant 1 : i32
    %eq3A_216 = arith.cmpi eq, %arg0, %eq3A_215 : i32
    %convert_element_type3A_217 = arith.extui %eq3A_216 : i1 to i32
    %cond3A_218 = arith.constant 0 : i32
    %cond3A_219 = arith.cmpi ne, %convert_element_type3A_217, %cond3A_218 : i32
    scf.if %cond3A_219 {
      %broadcast_in_dim3A = arith.constant 0.000000e+00 : f32
      %broadcast_in_dim3A_223 = vector.broadcast %broadcast_in_dim3A : f32 to vector<16xf32>
      %swap3A = arith.constant 127 : i32
      %swap3A_224 = arith.index_cast %swap3A : i32 to index
      %swap3A_225 = arith.constant 0 : index
      %swap3A_226 = tpu.vector_load %arg8[%swap3A_224, %swap3A_225] {strides = array<i32>} : memref<128x128xf32, #tpu.memory_space<vmem>>, vector<1x16xf32>,
      %swap3A_227 = vector.shape_cast %swap3A_226 : vector<1x16xf32> to vector<16xf32>
      %swap3A_228 = vector.shape_cast %broadcast_in_dim3A_223 : vector<16xf32> to vector<1x16xf32>
      tpu.vector_store %arg8[%swap3A_224, %swap3A_225], %swap3A_228 {strides = array<i32>} : memref<128x128xf32, #tpu.memory_space<vmem>>, vector<1x16xf32>,
      %swap3A_229 = arith.constant 127 : i32
      %swap3A_230 = arith.index_cast %swap3A_229 : i32 to index
      %swap3A_231 = arith.constant 16 : index
      %swap3A_232 = tpu.vector_load %arg8[%swap3A_230, %swap3A_231] {strides = array<i32>} : memref<128x128xf32, #tpu.memory_space<vmem>>, vector<1x16xf32>,
      %swap3A_233 = vector.shape_cast %swap3A_232 : vector<1x16xf32> to vector<16xf32>
      %swap3A_234 = vector.shape_cast %broadcast_in_dim3A_223 : vector<16xf32> to vector<1x16xf32>
      tpu.vector_store %arg8[%swap3A_230, %swap3A_231], %swap3A_234 {strides = array<i32>} : memref<128x128xf32, #tpu.memory_space<vmem>>, vector<1x16xf32>,
      %swap3A_235 = arith.constant 127 : i32
      %swap3A_236 = arith.index_cast %swap3A_235 : i32 to index
      %swap3A_237 = arith.constant 32 : index
      %swap3A_238 = tpu.vector_load %arg8[%swap3A_236, %swap3A_237] {strides = array<i32>} : memref<128x128xf32, #tpu.memory_space<vmem>>, vector<1x16xf32>,
      %swap3A_239 = vector.shape_cast %swap3A_238 : vector<1x16xf32> to vector<16xf32>
      %swap3A_240 = vector.shape_cast %broadcast_in_dim3A_223 : vector<16xf32> to vector<1x16xf32>
      tpu.vector_store %arg8[%swap3A_236, %swap3A_237], %swap3A_240 {strides = array<i32>} : memref<128x128xf32, #tpu.memory_space<vmem>>, vector<1x16xf32>,
      %swap3A_241 = arith.constant 127 : i32
      %swap3A_242 = arith.index_cast %swap3A_241 : i32 to index
      %swap3A_243 = arith.constant 48 : index
      %swap3A_244 = tpu.vector_load %arg8[%swap3A_242, %swap3A_243] {strides = array<i32>} : memref<128x128xf32, #tpu.memory_space<vmem>>, vector<1x16xf32>,
      %swap3A_245 = vector.shape_cast %swap3A_244 : vector<1x16xf32> to vector<16xf32>
      %swap3A_246 = vector.shape_cast %broadcast_in_dim3A_223 : vector<16xf32> to vector<1x16xf32>
      tpu.vector_store %arg8[%swap3A_242, %swap3A_243], %swap3A_246 {strides = array<i32>} : memref<128x128xf32, #tpu.memory_space<vmem>>, vector<1x16xf32>,
      %swap3A_247 = arith.constant 127 : i32
      %swap3A_248 = arith.index_cast %swap3A_247 : i32 to index
      %swap3A_249 = arith.constant 64 : index
      %swap3A_250 = tpu.vector_load %arg8[%swap3A_248, %swap3A_249] {strides = array<i32>} : memref<128x128xf32, #tpu.memory_space<vmem>>, vector<1x16xf32>,
      %swap3A_251 = vector.shape_cast %swap3A_250 : vector<1x16xf32> to vector<16xf32>
      %swap3A_252 = vector.shape_cast %broadcast_in_dim3A_223 : vector<16xf32> to vector<1x16xf32>
      tpu.vector_store %arg8[%swap3A_248, %swap3A_249], %swap3A_252 {strides = array<i32>} : memref<128x128xf32, #tpu.memory_space<vmem>>, vector<1x16xf32>,
      %swap3A_253 = arith.constant 127 : i32
      %swap3A_254 = arith.index_cast %swap3A_253 : i32 to index
      %swap3A_255 = arith.constant 80 : index
      %swap3A_256 = tpu.vector_load %arg8[%swap3A_254, %swap3A_255] {strides = array<i32>} : memref<128x128xf32, #tpu.memory_space<vmem>>, vector<1x16xf32>,
      %swap3A_257 = vector.shape_cast %swap3A_256 : vector<1x16xf32> to vector<16xf32>
      %swap3A_258 = vector.shape_cast %broadcast_in_dim3A_223 : vector<16xf32> to vector<1x16xf32>
      tpu.vector_store %arg8[%swap3A_254, %swap3A_255], %swap3A_258 {strides = array<i32>} : memref<128x128xf32, #tpu.memory_space<vmem>>, vector<1x16xf32>,
      %swap3A_259 = arith.constant 127 : i32
      %swap3A_260 = arith.index_cast %swap3A_259 : i32 to index
      %swap3A_261 = arith.constant 96 : index
      %swap3A_262 = tpu.vector_load %arg8[%swap3A_260, %swap3A_261] {strides = array<i32>} : memref<128x128xf32, #tpu.memory_space<vmem>>, vector<1x16xf32>,
      %swap3A_263 = vector.shape_cast %swap3A_262 : vector<1x16xf32> to vector<16xf32>
      %swap3A_264 = vector.shape_cast %broadcast_in_dim3A_223 : vector<16xf32> to vector<1x16xf32>
      tpu.vector_store %arg8[%swap3A_260, %swap3A_261], %swap3A_264 {strides = array<i32>} : memref<128x128xf32, #tpu.memory_space<vmem>>, vector<1x16xf32>,
      %swap3A_265 = arith.constant 127 : i32
      %swap3A_266 = arith.index_cast %swap3A_265 : i32 to index
      %swap3A_267 = arith.constant 112 : index
      %swap3A_268 = tpu.vector_load %arg8[%swap3A_266, %swap3A_267] {strides = array<i32>} : memref<128x128xf32, #tpu.memory_space<vmem>>, vector<1x16xf32>,
      %swap3A_269 = vector.shape_cast %swap3A_268 : vector<1x16xf32> to vector<16xf32>
      %swap3A_270 = vector.shape_cast %broadcast_in_dim3A_223 : vector<16xf32> to vector<1x16xf32>
      tpu.vector_store %arg8[%swap3A_266, %swap3A_267], %swap3A_270 {strides = array<i32>} : memref<128x128xf32, #tpu.memory_space<vmem>>, vector<1x16xf32>,
    } else {
    }
    %mul3A_220 = arith.constant 256 : i32
    %mul3A_221 = arith.muli %arg1, %mul3A_220 : i32
    %add3A_222 = arith.addi %mul3A_221, %mul3A_4 : i32
    "tpu.region"() ({
      %run_scoped3A = tpu.sem_alloc : memref<!tpu.dma_semaphore, #tpu.memory_space<semaphore_mem>>
      %dma_start3A = arith.constant 0 : i32
      %dma_start3A_223 = tpu.memref_slice %arg4[%add3A_222, %dma_start3A] : memref<4096x128xf32, #tpu.memory_space<hbm>> -> memref<128x128xf32, #tpu.memory_space<hbm>>
      %dma_start3A_224 = arith.constant 0 : i32
      %dma_start3A_225 = tpu.memref_slice %arg4[%add3A_222, %dma_start3A_224] : memref<4096x128xf32, #tpu.memory_space<hbm>> -> memref<128x128xf32, #tpu.memory_space<hbm>>
      tpu.enqueue_dma source(%arg8 : memref<128x128xf32, #tpu.memory_space<vmem>>) target(%dma_start3A_225 : memref<128x128xf32, #tpu.memory_space<hbm>>) target_semaphore(%run_scoped3A : memref<!tpu.dma_semaphore, #tpu.memory_space<semaphore_mem>>)
      %dma_wait3A = arith.constant 0 : i32
      %dma_wait3A_226 = tpu.memref_slice %arg4[%add3A_222, %dma_wait3A] : memref<4096x128xf32, #tpu.memory_space<hbm>> -> memref<128x128xf32, #tpu.memory_space<hbm>>
      %dma_wait3A_227 = arith.constant 0 : i32
      %dma_wait3A_228 = tpu.memref_slice %arg4[%add3A_222, %dma_wait3A_227] : memref<4096x128xf32, #tpu.memory_space<hbm>> -> memref<128x128xf32, #tpu.memory_space<hbm>>
      tpu.wait_dma2 semaphore(%run_scoped3A : memref<!tpu.dma_semaphore, #tpu.memory_space<semaphore_mem>>) src(%arg8 : memref<128x128xf32, #tpu.memory_space<vmem>>) dst(%dma_wait3A_228 : memref<128x128xf32, #tpu.memory_space<hbm>>)
      tpu.yield
    }) : () -> ()
    return
  }
}

</mosaic_0001>

<sc_bundles>
// kernel: kernel.3.cloned.1.call-start
scs
__scs_entry_jumppad:
0x0: {  	(pc) =	sbr.rel $0x88, $3  }
0x1: {  	(tag) =	ssettag $0x0;
	lr =	simm.s32 $0x1  }
0x2: {  	[smem:$0x3F9F] =	sst lr;
	_ =	strace $0xD0000000  }
0x3: {  	_ = 	snop  }
0x4: {  	_ = 	snop  }
0x5: {  	_ = 	snop  }
0x6: {  	_ = 	snop  }
0x7: {  	_ = 	snop  }
__scs_overlays_trampoline_lowered:
0x8: {  	[smem:$0x3FAE] =	sst s0  }
0x9: {  	[smem:$0x3FAF] =	sst s1  }
0xa: {  	[smem:$0x3FB0] =	sst s2  }
0xb: {  	[smem:$0x3FB1] =	sst s3  }
0xc: {  	[smem:$0x3FB2] =	sst s4  }
0xd: {  	[smem:$0x3FB3] =	sst s5  }
0xe: {  	[smem:$0x3FB4] =	sst s6  }
0xf: {  	[smem:$0x3FB5] =	sst s7  }
0x10: {  	[smem:$0x3FB6] =	sst s8  }
0x11: {  	[smem:$0x3FB7] =	sst s9;
	s0 =	simm.s32 @!p0 $0x0  }
0x12: {  	s1 =	sld [smem:$0x3F9D];
	s0 =	simm.s32 @p0 $0x1  }
0x13: {  	[smem:$0x3FB8] =	sst s0;
	s0 =	simm.s32 @!p1 $0x0  }
0x14: {  	s2 =	sld [smem:$0x3F9C];
	s0 =	simm.s32 @p1 $0x1  }
0x15: {  	[smem:$0x3FB9] =	sst s0;
	s0 =	simm.s32 @!p2 $0x0  }
0x16: {  	s3 =	sld [smem:$0x3FDB];
	s0 =	simm.s32 @p2 $0x1  }
0x17: {  	s4 =	simm.s32 $0x1BF5;
	[smem:$0x3FBB] =	sst s0  }
0x18: {  	s0 =	sld [smem:$0x3F9E];
	_ =	swait.ge [sflag:s4], $0x0  }
0x19: {  	s7 =	sld [smem:$0x3F9F]  }
0x1a: {  	s8 =	sadd.s32 $0xFFFFE003, lr  }
0x1b: {  	s9 =	sadd.s32 $0xFFFFFEF7, lr;
	s5 =	simm.s32 $0xFFFFFFFF;
	p2 =	slt.u32 s8, $0xFFFFF086  }
0x1c: {  	p1 =	slt.u32 s9, $0xF7A;
	s5 =	simm.s32 @!p2 $0x0  }
0x1d: {  	s5 =	simm.s32 @p1 $0x1;
	p0 =	seq.s32 s7, s2  }
0x1e: {  	s7 =	smul.u32 @!p0 $0xF7A, s2;
	p2 =	seq.s32 @!p0 s5, $0x0  }
0x1f: {  	s9 =	smul.u32 $0xF7A, s1;
	s8 =	simm.s32 @!p0 $0x1BF5;
	p2 =	por !p2, p0  }
0x20: {  	[sflag:s8] =	ssyncset.s32 @!p0 $0xFFFFF086;
	s6 =	sadd.s32 @!p0 s3, s7;
	s7 =	simm.s32 @!p0 $0x108  }
0x21: {  	s3 =	sadd.s32 s3, s9;
	s6 =	sadd.s32 @!p0 $0x88, s6;
	s7 =	simm.s32 @p2 $0x1082  }
0x22: {  	[simem:s7], [sflag:s8] =	dma.local @!p0 [hbm:s6], $0xF7A  }
0x23: {  	s9 =	sor.u32 $0xD0000000, s2;
	s6 =	simm.s32 $0x108;
	_ =	swait.ge @!p0 [sflag:s8], $0x0  }
0x24: {  	s3 =	sadd.s32 $0x88, s3;
	s6 =	simm.s32 @!p1 $0x1082;
	[sflag:s4] =	ssyncset.s32 $0xFFFFF086  }
0x25: {  	[simem:s6], [sflag:s4] =	dma.local [hbm:s3], $0xF7A  }
0x26: {  	[smem:$0x3F9F] =	sst s1;
	(tag) =	ssettag s2;
	_ =	strace s9  }
0x27: {  	s1 =	sld [smem:$0x3FAF]  }
0x28: {  	s2 =	sld [smem:$0x3FB0]  }
0x29: {  	s4 =	sld [smem:$0x3FB2]  }
0x2a: {  	p0 =	seq.s32 s5, $0x0;
	s5 =	sld [smem:$0x3FB3]  }
0x2b: {  	s6 =	sld [smem:$0x3FB4]  }
0x2c: {  	s7 =	sld [smem:$0x3FB5]  }
0x2d: {  	s3 =	simm.s32 $0x108;
	s8 =	sld [smem:$0x3FB6]  }
0x2e: {  	s3 =	simm.s32 @!p0 $0x1082;
	s9 =	sld [smem:$0x3FB7]  }
0x2f: {  	lr =	sadd.s32 s0, s3;
	s0 =	sld [smem:$0x3FAE]  }
0x30: {  	s3 =	sld [smem:$0x3FB1]  }
0x31: {  	[smem:$0x3FBA] =	sst s10  }
0x32: {  	s10 =	sld [smem:$0x3FB8];
	_ =	sdelay $0x3  }
0x33: {  	p0 =	seq.s32 s10, $0x1;
	s10 =	sld [smem:$0x3FBA];
	_ =	sdelay $0x3  }
0x34: {  	[smem:$0x3FBA] =	sst s10  }
0x35: {  	s10 =	sld [smem:$0x3FB9];
	_ =	sdelay $0x3  }
0x36: {  	p1 =	seq.s32 s10, $0x1;
	s10 =	sld [smem:$0x3FBA];
	_ =	sdelay $0x3  }
0x37: {  	[smem:$0x3FBA] =	sst s10  }
0x38: {  	s10 =	sld [smem:$0x3FBB]  }
0x39: {  	_ = 	snop;
	(pc) =	sbr.ind lr, $3  }
0x3a: {  	_ = 	snop  }
0x3b: {  	_ = 	snop  }
0x3c: {  	p2 =	seq.s32 s10, $0x1;
	s10 =	sld [smem:$0x3FBA]  }
0x3d: {  	_ =	shalt  }
0x3e: {  	_ =	shalt  }
0x3f: {  	_ =	shalt  }
0x40: {  	_ =	shalt  }
0x41: {  	_ =	shalt  }
0x42: {  	_ =	shalt  }
0x43: {  	_ =	shalt  }
0x44: {  	_ =	shalt  }
0x45: {  	_ =	shalt  }
0x46: {  	_ =	shalt  }
0x47: {  	_ =	shalt  }
0x48: {  	_ =	shalt  }
0x49: {  	_ =	shalt  }
0x4a: {  	_ =	shalt  }
0x4b: {  	_ =	shalt  }
0x4c: {  	_ =	shalt  }
0x4d: {  	_ =	shalt  }
0x4e: {  	_ =	shalt  }
0x4f: {  	_ =	shalt  }
0x50: {  	_ =	shalt  }
0x51: {  	_ =	shalt  }
0x52: {  	_ =	shalt  }
0x53: {  	_ =	shalt  }
0x54: {  	_ =	shalt  }
0x55: {  	_ =	shalt  }
0x56: {  	_ =	shalt  }
0x57: {  	_ =	shalt  }
0x58: {  	_ =	shalt  }
0x59: {  	_ =	shalt  }
0x5a: {  	_ =	shalt  }
0x5b: {  	_ =	shalt  }
0x5c: {  	_ =	shalt  }
0x5d: {  	_ =	shalt  }
0x5e: {  	_ =	shalt  }
0x5f: {  	_ =	shalt  }
0x60: {  	_ =	shalt  }
0x61: {  	_ =	shalt  }
0x62: {  	_ =	shalt  }
0x63: {  	_ =	shalt  }
0x64: {  	_ =	shalt  }
0x65: {  	_ =	shalt  }
0x66: {  	_ =	shalt  }
0x67: {  	_ =	shalt  }
0x68: {  	_ =	shalt  }
0x69: {  	_ =	shalt  }
0x6a: {  	_ =	shalt  }
0x6b: {  	_ =	shalt  }
0x6c: {  	_ =	shalt  }
0x6d: {  	_ =	shalt  }
0x6e: {  	_ =	shalt  }
0x6f: {  	_ =	shalt  }
0x70: {  	_ =	shalt  }
0x71: {  	_ =	shalt  }
0x72: {  	_ =	shalt  }
0x73: {  	_ =	shalt  }
0x74: {  	_ =	shalt  }
0x75: {  	_ =	shalt  }
0x76: {  	_ =	shalt  }
0x77: {  	_ =	shalt  }
0x78: {  	_ =	shalt  }
0x79: {  	_ =	shalt  }
0x7a: {  	_ =	shalt  }
0x7b: {  	_ =	shalt  }
0x7c: {  	_ =	shalt  }
0x7d: {  	_ =	shalt  }
0x7e: {  	_ =	shalt  }
0x7f: {  	_ =	shalt  }
0x80: {  	_ =	shalt  }
0x81: {  	_ =	shalt  }
0x82: {  	_ =	shalt  }
0x83: {  	_ =	shalt  }
0x84: {  	_ =	shalt  }
0x85: {  	_ =	shalt  }
0x86: {  	_ =	shalt  }
0x87: {  	_ =	shalt  }
.Lfunc_end0:
.L_simem_size_0:
called_computation_lowered:
.L_overlay_start_0:
0x88: {  	s2 =	sld [smem:$0x3FD9]  }
0x89: {  	s3 =	sld [smem:$0x3FFE];
	_ =	sdelay $0x1  }
0x8a: {  	s1 =	srdreg.scid  }
0x8b: {  	s0 =	sand.u32 $0x1, s1  }
0x8c: {  	s17 =	sshll.u32 s0, $0xA;
	s2 =	sadd.s32 s3, s2  }
0x8d: {  	s2 =	sadd.s32 s2, s17  }
0x8e: {  	[smem:$0x3FC6] =	sst s2  }
0x8f: {  	_ = 	snop  }
0x90: {  	s2 =	sld [smem:$0x3FC9]  }
0x91: {  	s18 =	sld [smem:$0x3FD0];
	(tm) =	ssettm $0x1  }
0x92: {  	s4 =	sld [smem:$0x3FFB];
	_ =	sdelay $0x3  }
0x93: {  	_ =	strace s4  }
0x94: {  	s4 =	sld [smem:$0x3FFC];
	_ =	sdelay $0x3  }
0x95: {  	_ =	strace s4  }
0x96: {  	s4 =	sld [smem:$0x3FFD];
	_ =	sdelay $0x3  }
0x97: {  	_ =	strace s4  }
0x98: {  	_ =	strace $0x8FFFFFFF  }
0x99: {  	s19 =	sld [smem:$0x3FDB];
	_ =	sdelay $0x1  }
0x9a: {  	s5 =	simm.s32 $_scs_section_size  }
0x9b: {  	s6 =	simm.s32 $_size__tile_overlayer_lowered;
	s7 =	simm.s32 $_tile_overlayer_lowered  }
0x9c: {  	s22 =	simm.s32 $0x1BFF;
	s21 =	sshll.u32 s7, $0x1;
	s4 =	sadd.s32 s5, s19  }
0x9d: {  	s8 =	simm.s32 $0x0;
	s20 =	sshll.u32 s6, $0x1;
	s6 =	sadd.s32 s21, s4  }
0x9e: {  	[timem:s8], [sflag:s22] =	dma.local [hbm:s6], s20  }
0x9f: {  	_ =	swait.ge [sflag:s22], s20  }
0xa0: {  	s5 =	ssub.s32 $0x0, s20;
	[sflag:s22] =	ssyncset.done $0x0  }
0xa1: {  	[sflag:s22] =	ssyncadd.s32 s5;
	_ =	sdelay $0x1  }
0xa2: {  	s23 =	simm.s32 $0x1B8B  }
0xa3: {  	_ =	swait.ge [sflag:s23], $0x1  }
0xa4: {  	[sflag:s23] =	ssyncset.done $0x0  }
0xa5: {  	s25 =	simm.s32 $0x1B8E;
	s24 =	sld [smem:$0x3FFE];
	[sflag:s23] =	ssyncadd.s32 $0xFFFFFFFF  }
0xa6: {  	s26 =	simm.s32 $execute0_lowered;
	[smem:$0x3FD2] =	sst s25  }
0xa7: {  	s6 =	sshll.u32 s26, $0x1;
	_ =	strace $0x80000046;
	[dreg:$0x1] =	wrdreg $0xFFFFFFFF  }
0xa8: {  	s28 =	simm.s32 $_size_execute0_lowered;
	s4 =	sadd.s32 s4, s6;
	[dreg:$0x0] =	wrdreg $0x0  }
0xa9: {  	s6 =	sshll.u32 s28, $0x1;
	[dreg:$0x2] =	wrdreg s4  }
0xaa: {  	[dreg:$0x3] =	wrdreg s6  }
0xab: {  	[dreg:$0x4] =	wrdreg $0xC0  }
0xac: {  	_ =	task [dreg:s8], $0x5FFFF  }
0xad: {  	[dreg:$0x1] =	wrdreg $0xFFFFFFFF  }
0xae: {  	[dreg:$0x0] =	wrdreg $0x60  }
0xaf: {  	[dreg:$0x2] =	wrdreg s2  }
0xb0: {  	[dreg:$0x3] =	wrdreg s18  }
0xb1: {  	[dreg:$0x4] =	wrdreg s24  }
0xb2: {  	[dreg:$0x5] =	wrdreg $0x9  }
0xb3: {  	_ =	task.clear_ibuf [dreg:s8], $0x6FFFF;
	_ =	strace $0x90000046  }
0xb4: {  	s29 =	simm.s32 $0x9;
	_ =	strace $0x80000048  }
0xb5: {  	_ =	swait.ge [sflag:s29], $0x1  }
0xb6: {  	[sflag:s29] =	ssyncadd.s32 $0xFFFFFFFF  }
0xb7: {  	_ =	strace $0x90000048  }
0xb8: {  	_ =	sfence  }
0xb9: {  	s30 =	sld [smem:$0x0];
	_ =	sdelay $0x2  }
0xba: {  	s31 =	sshll.u32 s1, $0xD;
	s1 =	sshrl.u32 s1, $0x2  }
0xbb: {  	s3 =	sand.u32 $0x4000, s31;
	s1 =	sadd.s32 s1, s30  }
0xbc: {  	s0 =	sor.u32 s3, s0;
	s1 =	sshll.u32 s1, $0x11  }
0xbd: {  	s0 =	sor.u32 s1, s0  }
0xbe: {  	s0 =	sadd.s32 $0x8F2B, s0  }
0xbf: {  	[sflag:s0] =	ssyncadd.remote.s32 $0x1  }
0xc0: {  	_ =	sfence.sel $0xFFFF  }
0xc1: {  	[dreg:$0x0] =	wrdreg $0xFFFFFFFF;
	(pc) =	sbr.abs _section_cstart, $3  }
0xc2: {  	[dreg:$0x1] =	wrdreg $0xFFFFFFFF  }
0xc3: {  	_ =	task.clear_ibuf [dreg:s8], $0x2FFFF;
	_ =	strace $0x9FFFFFFF  }
0xc4: {  	(tm) =	ssettm $0x7FFFFFFF  }
0xc5: {  	_ =	shalt  }
tec
execute0_lowered:
.L_overlay_start_1:
0x0: {  	(tag) =	ssettag $0x1  }
0x1: {  	s1 =	rddreg [dreg:$0x0]  }
0x2: {  	s0 =	rddreg [dreg:$0x1]  }
0x3: {  	s3 =	rddreg [dreg:$0x2];
	s2 =	simm.s32 $0x0  }
0x4: {  	s4 =	srdreg.scid;
	s8 =	stileid.u32;
	s12 =	simm.s32 $0x3  }
0x5: {  	s16 =	simm.s32 $0x1;
	s17 =	simm.s32 $0xC100;
	s18 =	simm.s32 $0x2  }
0x6: {  	[smem:$0x7FF] =	sst s2;
	s5 =	sand.u32 $0x1, s4;
	s22 =	sshll.u32 s8, $0x5  }
0x7: {  	_ =	strace $0x80000047;
	s4 =	ssub.s32 $0x2, s5;
	s6 =	sshll.u32 s5, $0xB  }
0x8: {  	s11 =	sshll.u32 s5, $0x7;
	s23 =	ssub.s32 $0x80, s5;
	s0 =	sadd.s32 s0, s22  }
0x9: {  	s24 =	sshll.u32 s5, $0x9;
	s25 =	sshll.u32 s5, $0x3;
	[dreg:$0x5] =	wrdreg s0  }
0xa: {  	s7 =	sshrl.u32 s4, $0x1;
	[dreg:$0x4] =	wrdreg s23;
	s13 =	sshrl.u32 s24, $0x2  }
0xb: {  	s21 =	ssub.s32 s4, s7;
	s4 =	sshll.u32 s8, $0xC;
	s8 =	sadd.s32 s23, s11  }
0xc: {  	s3 =	sadd.s32 s6, s3;
	s30 =	sor.u32 $0x8, s13;
	[dreg:$0x6] =	wrdreg s8  }
0xd: {  	s31 =	sor.u32 $0x1, s13;
	s8 =	sshrl.u32 s8, $0x4;
	[dreg:$0xa] =	wrdreg s30  }
0xe: {  	s3 =	sadd.s32 s4, s3;
	s28 =	smax.u32 s21, $0x1;
	[dreg:$0xb] =	wrdreg s31  }
0xf: {  	s3 =	sadd.s32 $0x400, s3;
	s26 =	sxor.u32 $0xFFFFFFFF, s8;
	[dreg:$0x8] =	wrdreg s28  }
0x10: {  	s20 =	simm.s32 $0x0;
	[dreg:$0x7] =	wrdreg s3;
	s29 =	sadd.s32 s25, s26  }
0x11: {  	v0 =	vimm.f32 $0.0e+00;
	p1 =	seq.s32 s5, $0x0;
	p0 =	sle.u32 s25, s8;
	[dreg:$0x9] =	wrdreg s29  }
.LBB2_1:
0x12: {  	s0 =	rddreg [dreg:$0x5]  }
0x13: {  	[tilespmem:s2], [sflag:$0x3] =	stream.linear.gather [hbm4b:s0+s2], $0x100, $0x38;
	[tilespmem:$0x1C100] =	vst v63  }
0x14: {  	_ =	swait.ge [sflag:s12], $0x100  }
0x15: {  	[sflag:s12] =	ssyncset.done $0x0  }
0x16: {  	[sflag:s12] =	ssyncadd.s32 $0xFFFFFF00  }
0x17: {  	v1 =	vld [tilespmem:s13+$0x0];
	_ =	sdelay $0x4  }
0x18: {  	s25 =	rddreg [dreg:$0x6];
	(v2sf) =	vpush v1, $0x0  }
0x19: {  	v1 =	vld [tilespmem:s25+$0xFFFFFFF1];
	_ =	sdelay $0x4  }
0x1a: {  	(v2sf) =	vpush v1, $0xF;
	_ =	sdelay $0x8  }
0x1b: {  	s26 =	spop (v2sf)  }
0x1c: {  	s3 =	sadd.s32 s4, s26;
	s0 =	sand.u32 $0x7, s26  }
0x1d: {  	s5 =	sshra.s32 s3, $0x1F;
	p2 =	slt.s32 s3, $0x1;
	p3 =	sne.s32 s0, $0x0  }
0x1e: {  	s28 =	sshrl.u32 s5, $0x1D;
	p2 =	por !p2, !p3  }
0x1f: {  	s0 =	sadd.s32 s28, s3;
	p2 =	por !p2, !p2;
	s3 =	simm.s32 $0x1  }
0x20: {  	s0 =	sshrl.u32 s0, $0x3;
	s3 =	simm.s32 @!p2 $0x0  }
0x21: {  	s29 =	spop (v2sf);
	s0 =	ssub.s32 s0, s3  }
0x22: {  	s6 =	sadd.s32 s4, s29;
	s22 =	sshll.u32 s0, $0x3  }
0x23: {  	s0 =	ssub.s32 s6, s22  }
0x24: {  	s30 =	sadd.s32 $0x17F, s0  }
0x25: {  	s31 =	smulhi.u32 $0x2AAAAAAB, s30;
	s7 =	sshra.s32 s30, $0x1F  }
0x26: {  	s7 =	smul.u32 $0x2AAAAAAB, s7;
	_ =	sdelay $0x1  }
0x27: {  	s5 =	sadd.s32 s7, s31  }
0x28: {  	s7 =	sshrl.u32 s5, $0x1F;
	s5 =	sshra.s32 s5, $0x6  }
0x29: {  	s5 =	sadd.s32 s7, s5  }
0x2a: {  	s7 =	smul.u32 $0xFFFFFE80, s5  }
0x2b: {  	s0 =	ssub.s32 $0xFFFFFE81, s0  }
0x2c: {  	p5 =	slt.s32 s30, $0x1;
	p6 =	sne.s32 s7, s0  }
0x2d: {  	p2 =	por !p5, !p6  }
0x2e: {  	s0 =	simm.s32 $0x1;
	p2 =	por !p2, !p2  }
0x2f: {  	s0 =	simm.s32 @!p2 $0x0  }
0x30: {  	s23 =	ssub.s32 s5, s0  }
0x31: {  	p2 =	slt.s32 s23, $0x1  }
0x32: {  	p3 =	sgt.s32 @!p2 s22, $0x0  }
0x33: {  	s0 =	smov.u32 s22;
	p3 =	por !p3, p2  }
.Ltmp0:
0x34: {  	s0 =	simm.s32 @p3 $0x0;
	(pc) =	sbr.rel @!p0 .LBB2_2-.Ltmp0, $4  }
0x35: {  	s0 =	smin.u32 @!p2 s0, $0xFE80  }
0x36: {  	s0 =	sshll.u32 @!p2 s0, $0x4  }
0x37: {  	s3 =	simm.s32 @!p2 $0x0;
	s5 =	simm.s32 @!p2 $0x100;
	s0 =	sadd.s32 @!p2 s1, s0  }
0x38: {  	[tilespmem:s5], [sflag:$0x1] =	stream.linear.gather @!p2 [hbm4b:s0+s3], $0xC000, $0x38;
	[tilespmem:$0x1C100] =	vst v63  }
0x39: {  	v2 =	vld [tilespmem:s13+$0x0];
	_ =	sdelay $0x4  }
0x3a: {  	(v2sf) =	vpush v2, $0x0  }
0x3b: {  	(v2sf) =	vpush v2, $0x1  }
0x3c: {  	(v2sf) =	vpush v2, $0x2  }
0x3d: {  	(v2sf) =	vpush v2, $0x3  }
0x3e: {  	s0 =	rddreg [dreg:$0x9];
	(v2sf) =	vpush v2, $0x4  }
0x3f: {  	s3 =	sadd.s32 $0x1, s0;
	(v2sf) =	vpush v2, $0x5  }
0x40: {  	p3 =	seq.s32 s3, $0x0;
	(v2sf) =	vpush v2, $0x6  }
.Ltmp1:
0x41: {  	(v2sf) =	vpush v2, $0x7;
	(pc) =	sbr.rel @p3 .LBB2_5-.Ltmp1, $4  }
0x42: {  	(v2sf) =	vpush v2, $0x8  }
0x43: {  	(v2sf) =	vpush v2, $0x9  }
0x44: {  	(v2sf) =	vpush v2, $0xA  }
0x45: {  	p2 =	por $0x0, $0x0;
	s0 =	sadd.s32 $0x10, s13;
	(v2sf) =	vpush v2, $0xB  }
0x46: {  	v1 =	vld [tilespmem:s0+$0x0]  }
0x47: {  	(v2sf) =	vpush v2, $0xF  }
0x48: {  	(v2sf) =	vpush v2, $0xE  }
0x49: {  	(v2sf) =	vpush v2, $0xC  }
0x4a: {  	s9 =	rddreg [dreg:$0xa];
	s5 =	spop (v2sf);
	(v2sf) =	vpush v2, $0xD  }
0x4b: {  	[smem:s9+$0xFFFFFFF8] =	sst s5;
	s19 =	spop (v2sf);
	(v2sf) =	vpush v1, $0x0  }
0x4c: {  	[smem:s9+$0xFFFFFFF9] =	sst s19;
	s21 =	spop (v2sf);
	(v2sf) =	vpush v1, $0x1  }
0x4d: {  	[smem:s9+$0xFFFFFFFA] =	sst s21;
	s24 =	spop (v2sf);
	(v2sf) =	vpush v1, $0x2  }
0x4e: {  	[smem:s9+$0xFFFFFFFB] =	sst s24;
	s25 =	spop (v2sf);
	(v2sf) =	vpush v1, $0x3  }
0x4f: {  	[smem:s9+$0xFFFFFFFC] =	sst s25;
	s26 =	spop (v2sf);
	(v2sf) =	vpush v1, $0x4  }
0x50: {  	s5 =	sadd.s32 $0x1, s3;
	[smem:s9+$0xFFFFFFFD] =	sst s26;
	s28 =	spop (v2sf);
	(v2sf) =	vpush v1, $0x5  }
0x51: {  	p3 =	seq.s32 s5, $0x0;
	[smem:s9+$0xFFFFFFFE] =	sst s28;
	s29 =	spop (v2sf);
	(v2sf) =	vpush v1, $0x6  }
.Ltmp2:
0x52: {  	s30 =	spop (v2sf);
	(v2sf) =	vpush v1, $0x7;
	(pc) =	sbr.rel @p3 .LBB2_7-.Ltmp2, $4  }
0x53: {  	[smem:s9+$0xFFFFFFFF] =	sst s29;
	s7 =	spop (v2sf);
	(v2sf) =	vpush v1, $0x8  }
0x54: {  	s8 =	sadd.s32 $0x10, s0;
	[smem:s9] =	sst s30;
	s31 =	spop (v2sf);
	(v2sf) =	vpush v1, $0x9  }
0x55: {  	p2 =	por $0x1, $0x1;
	[smem:s9+$0x1] =	sst s7;
	s7 =	spop (v2sf);
	(v2sf) =	vpush v1, $0xA  }
0x56: {  	s3 =	smov.u32 s9;
	[smem:s9+$0x2] =	sst s31;
	s0 =	spop (v2sf);
	(v2sf) =	vpush v1, $0xB  }
.LBB2_8:
0x57: {  	v2 =	vld [tilespmem:s8+$0x0];
	s5 =	sadd.s32 $0x1, s5;
	[smem:s3+$0x3] =	sst s7;
	s9 =	spop (v2sf)  }
0x58: {  	s12 =	smov.u32 s3;
	p3 =	seq.s32 s5, $0x0;
	(v2sf) =	vpush v1, $0xF;
	s7 =	spop (v2sf)  }
0x59: {  	(v2sf) =	vpush v1, $0xE;
	[smem:s3+$0x4] =	sst s7;
	s7 =	spop (v2sf)  }
0x5a: {  	s3 =	sadd.s32 $0x10, s3;
	s14 =	spop (v2sf);
	(v2sf) =	vpush v1, $0xC;
	[smem:s12+$0x5] =	sst s7  }
0x5b: {  	[smem:s3+$0xFFFFFFF8] =	sst s14;
	s7 =	spop (v2sf);
	(v2sf) =	vpush v1, $0xD  }
0x5c: {  	(v2sf) =	vpush v2, $0x0;
	[smem:s3+$0xFFFFFFF9] =	sst s7;
	s7 =	spop (v2sf);
	v1 =	vmov v2  }
0x5d: {  	(v2sf) =	vpush v1, $0x1;
	[smem:s3+$0xFFFFFFFA] =	sst s7;
	s7 =	spop (v2sf)  }
0x5e: {  	(v2sf) =	vpush v1, $0x2;
	[smem:s3+$0xFFFFFFFB] =	sst s7;
	s7 =	spop (v2sf)  }
0x5f: {  	(v2sf) =	vpush v1, $0x3;
	[smem:s3+$0xFFFFFFFC] =	sst s7;
	s7 =	spop (v2sf)  }
0x60: {  	(v2sf) =	vpush v1, $0x4;
	[smem:s3+$0xFFFFFFFD] =	sst s7;
	s7 =	spop (v2sf)  }
0x61: {  	(v2sf) =	vpush v1, $0x5;
	[smem:s3+$0xFFFFFFFE] =	sst s7;
	s7 =	spop (v2sf)  }
0x62: {  	(v2sf) =	vpush v1, $0x6;
	[smem:s3+$0xFFFFFFFF] =	sst s7;
	s7 =	spop (v2sf)  }
0x63: {  	[smem:s3] =	sst s7  }
.Ltmp3:
0x64: {  	(v2sf) =	vpush v1, $0x7;
	s7 =	spop (v2sf);
	(pc) =	sbr.rel @!p3 .LBB2_8-.Ltmp3, $4  }
0x65: {  	(v2sf) =	vpush v1, $0x8;
	[smem:s3+$0x1] =	sst s7;
	s7 =	spop (v2sf)  }
0x66: {  	(v2sf) =	vpush v1, $0x9;
	[smem:s3+$0x2] =	sst s7;
	s7 =	spop (v2sf)  }
0x67: {  	(v2sf) =	vpush v1, $0xA;
	[smem:s12+$0x6] =	sst s9  }
0x68: {  	s8 =	sadd.s32 $0x10, s8;
	(v2sf) =	vpush v1, $0xB;
	[smem:s12+$0x7] =	sst s0;
	s0 =	spop (v2sf)  }
0x69: {  	v2 =	vmov v1  }
.LBB2_10:
0x6a: {  	s5 =	spop @p2 (v2sf)  }
0x6b: {  	[smem:s3+$0x3] =	sst @p2 s7;
	(v2sf) =	vpush v2, $0xF;
	s7 =	spop @p2 (v2sf)  }
0x6c: {  	s8 =	smov.u32 @p2 s3;
	(v2sf) =	vpush v2, $0xE;
	[smem:s3+$0x4] =	sst @p2 s7;
	s7 =	spop @p2 (v2sf)  }
0x6d: {  	(v2sf) =	vpush v2, $0xC;
	[smem:s8+$0x5] =	sst @p2 s7  }
0x6e: {  	s3 =	sadd.s32 @p2 $0x10, s3;
	s7 =	rddreg [dreg:$0xa];
	s9 =	spop (v2sf);
	(v2sf) =	vpush v2, $0xD  }
0x6f: {  	s7 =	smov.u32 @p2 s3;
	s31 =	spop (v2sf);
	[smem:s8+$0x6] =	sst @p2 s5  }
0x70: {  	[smem:s7+$0xFFFFFFF8] =	sst s9;
	s9 =	spop (v2sf)  }
0x71: {  	[smem:s8+$0x7] =	sst @p2 s0;
	s10 =	spop (v2sf)  }
0x72: {  	[smem:s7+$0xFFFFFFF9] =	sst s31;
	s12 =	spop (v2sf)  }
0x73: {  	[smem:s7+$0xFFFFFFFA] =	sst s9;
	s14 =	spop (v2sf)  }
0x74: {  	[smem:s7+$0xFFFFFFFB] =	sst s10;
	s15 =	spop (v2sf)  }
0x75: {  	[smem:s7+$0xFFFFFFFC] =	sst s12;
	s19 =	spop (v2sf)  }
0x76: {  	[smem:s7+$0xFFFFFFFD] =	sst s14;
	s21 =	spop (v2sf)  }
0x77: {  	[smem:s7+$0xFFFFFFFE] =	sst s15;
	s24 =	spop (v2sf)  }
0x78: {  	[smem:s7+$0xFFFFFFFF] =	sst s19;
	s25 =	spop (v2sf)  }
0x79: {  	[smem:s7] =	sst s21;
	s26 =	spop (v2sf)  }
0x7a: {  	[smem:s7+$0x1] =	sst s24;
	s28 =	spop (v2sf)  }
0x7b: {  	[smem:s7+$0x2] =	sst s25;
	s29 =	spop (v2sf)  }
0x7c: {  	[smem:s7+$0x3] =	sst s26;
	s30 =	spop (v2sf)  }
0x7d: {  	[smem:s7+$0x4] =	sst s30;
	s31 =	spop (v2sf)  }
0x7e: {  	[smem:s7+$0x5] =	sst s31  }
0x7f: {  	[smem:s7+$0x6] =	sst s29  }
0x80: {  	[smem:s7+$0x7] =	sst s28  }
.LBB2_2:
0x81: {  	[smem:$0x100] =	sst s11  }
0x82: {  	s31 =	rddreg [dreg:$0x4]  }
0x83: {  	[smem:$0x101] =	sst s11  }
0x84: {  	s0 =	sshrl.u32 s23, $0x1F;
	p2 =	sgt.s32 s23, $0x0;
	[smem:$0x102] =	sst s11  }
0x85: {  	s3 =	simm.s32 $0x1;
	s5 =	sshra.s32 s23, $0x1F;
	[smem:$0x103] =	sst s11  }
0x86: {  	s0 =	sadd.s32 s0, s23;
	s3 =	simm.s32 @!p2 $0x0;
	[smem:$0x104] =	sst s11  }
0x87: {  	s3 =	sadd.s32 s3, s5;
	s30 =	sand.u32 $0xFFFFFFFE, s0;
	[smem:$0x105] =	sst s11  }
0x88: {  	p6 =	sne.s32 s3, $0x1;
	p3 =	sne.s32 s23, s30;
	[smem:$0x106] =	sst s11  }
0x89: {  	p2 =	por !p3, !p6;
	[smem:$0x107] =	sst s11  }
0x8a: {  	s3 =	simm.s32 $0x1;
	p2 =	por !p2, !p2;
	[smem:$0x108] =	sst s11  }
0x8b: {  	s3 =	simm.s32 @!p2 $0x0;
	p2 =	sne.s32 s31, $0x1;
	[smem:$0x109] =	sst s11  }
.Ltmp4:
0x8c: {  	[smem:$0x10A] =	sst s11;
	(pc) =	sbr.rel @!p2 .LBB2_3-.Ltmp4, $4  }
0x8d: {  	[smem:$0x10B] =	sst s11  }
0x8e: {  	[smem:$0x10C] =	sst s11  }
0x8f: {  	s24 =	sadd.s32 $0xFFFFFFFF, s31;
	s0 =	sshra.s32 s0, $0x1;
	[smem:$0x10D] =	sst s11  }
0x90: {  	p3 =	por $0x0, $0x0;
	s25 =	ssub.s32 s0, s3;
	s7 =	sld [smem:s13+$0x0]  }
0x91: {  	_ =	sdelay $0x1  }
0x92: {  	s0 =	sadd.s32 s4, s7  }
0x93: {  	s3 =	ssub.s32 s0, s22  }
0x94: {  	s5 =	smulhi.u32 $0x2AAAAAAB, s3;
	s31 =	sshra.s32 s3, $0x1F  }
0x95: {  	s8 =	smul.u32 $0x2AAAAAAB, s31;
	_ =	sdelay $0x1  }
0x96: {  	s5 =	sadd.s32 s8, s5  }
0x97: {  	s8 =	sshrl.u32 s5, $0x1F;
	s5 =	sshra.s32 s5, $0x6  }
0x98: {  	p3 =	sne.s32 s0, s22;
	s0 =	simm.s32 $0x1;
	s5 =	sadd.s32 s8, s5  }
0x99: {  	s0 =	simm.s32 @!p3 $0x0;
	s8 =	smul.u32 $0xFFFFFE80, s5  }
0x9a: {  	s3 =	ssub.s32 $0x0, s3;
	s0 =	sor.u32 s0, s31  }
0x9b: {  	p6 =	sne.s32 s0, $0x1;
	p4 =	sne.s32 s8, s3  }
0x9c: {  	p3 =	por !p4, !p6  }
0x9d: {  	s0 =	simm.s32 $0x1;
	p3 =	por !p3, !p3  }
0x9e: {  	s0 =	simm.s32 @!p3 $0x0  }
0x9f: {  	p4 =	sne.s32 s24, $0x1;
	s0 =	ssub.s32 s5, s0  }
.Ltmp5:
0xa0: {  	p3 =	sgt.s32 s0, $0x0;
	(pc) =	sbr.rel @!p4 .LBB2_12-.Ltmp5, $4  }
0xa1: {  	s0 =	simm.s32 @!p3 $0x0  }
0xa2: {  	s0 =	smin.u32 s0, $0xD  }
0xa3: {  	s3 =	sadd.s32 $0x1, s13;
	s5 =	sadd.s32 $0xFFFFFFFF, s24;
	[smem:s0+$0x100] =	sst s11  }
0xa4: {  	p3 =	por $0x1, $0x1;
	s0 =	smov.u32 s11;
	s7 =	sld [smem:s3+$0x0]  }
.LBB2_13:
0xa5: {  	p4 =	sne.s32 s5, $0x1;
	_ =	sdelay $0x1  }
0xa6: {  	s7 =	sadd.s32 s4, s7  }
0xa7: {  	s8 =	ssub.s32 s7, s22  }
0xa8: {  	s9 =	smulhi.u32 $0x2AAAAAAB, s8;
	s12 =	sshra.s32 s8, $0x1F  }
0xa9: {  	s14 =	smul.u32 $0x2AAAAAAB, s12;
	_ =	sdelay $0x1  }
0xaa: {  	s9 =	sadd.s32 s14, s9  }
0xab: {  	s14 =	sshrl.u32 s9, $0x1F;
	s9 =	sshra.s32 s9, $0x6  }
0xac: {  	p5 =	sne.s32 s7, s22;
	s7 =	simm.s32 $0x1;
	s9 =	sadd.s32 s14, s9  }
0xad: {  	s7 =	simm.s32 @!p5 $0x0;
	s14 =	smul.u32 $0xFFFFFE80, s9  }
0xae: {  	s8 =	ssub.s32 $0x0, s8;
	s7 =	sor.u32 s7, s12  }
0xaf: {  	p5 =	sne.s32 s7, $0x1;
	p6 =	sne.s32 s14, s8  }
0xb0: {  	p5 =	por !p6, !p5  }
0xb1: {  	s7 =	simm.s32 $0x1;
	p5 =	por !p5, !p5  }
0xb2: {  	s7 =	simm.s32 @!p5 $0x0  }
0xb3: {  	s7 =	ssub.s32 s9, s7  }
.Ltmp6:
0xb4: {  	p5 =	sgt.s32 s7, $0x0;
	(pc) =	sbr.rel @p4 .LBB2_13-.Ltmp6, $4  }
0xb5: {  	s7 =	simm.s32 @!p5 $0x0  }
0xb6: {  	s0 =	sadd.s32 $0x1, s0;
	s7 =	smin.u32 s7, $0xD  }
0xb7: {  	s3 =	sadd.s32 $0x1, s3;
	[smem:s7+$0x100] =	sst s0  }
0xb8: {  	s5 =	sadd.s32 $0xFFFFFFFF, s5;
	s7 =	sld [smem:s3+$0x0]  }
.LBB2_14:
0xb9: {  	_ =	sdelay $0x1  }
0xba: {  	s3 =	sadd.s32 s4, s7  }
0xbb: {  	s5 =	ssub.s32 s3, s22  }
0xbc: {  	s31 =	smulhi.u32 $0x2AAAAAAB, s5;
	s8 =	sshra.s32 s5, $0x1F  }
0xbd: {  	s9 =	smul.u32 $0x2AAAAAAB, s8;
	_ =	sdelay $0x1  }
0xbe: {  	s7 =	sadd.s32 s9, s31  }
0xbf: {  	s9 =	sshrl.u32 s7, $0x1F;
	s7 =	sshra.s32 s7, $0x6  }
0xc0: {  	p4 =	sne.s32 s3, s22;
	s3 =	simm.s32 $0x1;
	s7 =	sadd.s32 s9, s7  }
0xc1: {  	s3 =	simm.s32 @!p4 $0x0;
	s9 =	smul.u32 $0xFFFFFE80, s7  }
0xc2: {  	s5 =	ssub.s32 $0x0, s5;
	s3 =	sor.u32 s3, s8  }
0xc3: {  	p6 =	sne.s32 s3, $0x1;
	p5 =	sne.s32 s9, s5  }
0xc4: {  	p4 =	por !p5, !p6  }
0xc5: {  	s3 =	simm.s32 $0x1;
	p4 =	por !p4, !p4  }
0xc6: {  	s3 =	simm.s32 @!p4 $0x0  }
0xc7: {  	s3 =	ssub.s32 s7, s3  }
0xc8: {  	p4 =	sgt.s32 s3, $0x0  }
0xc9: {  	s0 =	sadd.s32 @p3 $0x1, s0;
	s5 =	smov.u32 s11;
	s3 =	simm.s32 @!p4 $0x0  }
0xca: {  	s5 =	smov.u32 @p3 s0;
	s3 =	smin.u32 s3, $0xD  }
0xcb: {  	[smem:s3+$0x100] =	sst s5  }
0xcc: {  	s0 =	sld [smem:$0x100]  }
0xcd: {  	s3 =	sld [smem:$0x101];
	_ =	sdelay $0x2  }
0xce: {  	p3 =	sgt.s32 s0, s3  }
0xcf: {  	s3 =	smov.u32 @p3 s0  }
0xd0: {  	[smem:$0x101] =	sst s3  }
0xd1: {  	s0 =	sld [smem:$0x102];
	_ =	sdelay $0x2  }
0xd2: {  	p3 =	sgt.s32 s3, s0  }
0xd3: {  	s0 =	smov.u32 @p3 s3  }
0xd4: {  	[smem:$0x102] =	sst s0  }
0xd5: {  	s3 =	sld [smem:$0x103];
	_ =	sdelay $0x2  }
0xd6: {  	p3 =	sgt.s32 s0, s3  }
0xd7: {  	s3 =	smov.u32 @p3 s0  }
0xd8: {  	[smem:$0x103] =	sst s3  }
0xd9: {  	s0 =	sld [smem:$0x104];
	_ =	sdelay $0x2  }
0xda: {  	p3 =	sgt.s32 s3, s0  }
0xdb: {  	s0 =	smov.u32 @p3 s3  }
0xdc: {  	[smem:$0x104] =	sst s0  }
0xdd: {  	s3 =	sld [smem:$0x105];
	_ =	sdelay $0x2  }
0xde: {  	p3 =	sgt.s32 s0, s3  }
0xdf: {  	s3 =	smov.u32 @p3 s0  }
0xe0: {  	[smem:$0x105] =	sst s3  }
0xe1: {  	s0 =	sld [smem:$0x106];
	_ =	sdelay $0x2  }
0xe2: {  	p3 =	sgt.s32 s3, s0  }
0xe3: {  	s0 =	smov.u32 @p3 s3  }
0xe4: {  	[smem:$0x106] =	sst s0  }
0xe5: {  	s3 =	sld [smem:$0x107];
	_ =	sdelay $0x2  }
0xe6: {  	p3 =	sgt.s32 s0, s3  }
0xe7: {  	s3 =	smov.u32 @p3 s0  }
0xe8: {  	[smem:$0x107] =	sst s3  }
0xe9: {  	s0 =	sld [smem:$0x108];
	_ =	sdelay $0x2  }
0xea: {  	p3 =	sgt.s32 s3, s0  }
0xeb: {  	s0 =	smov.u32 @p3 s3  }
0xec: {  	[smem:$0x108] =	sst s0  }
0xed: {  	s3 =	sld [smem:$0x109];
	_ =	sdelay $0x2  }
0xee: {  	p3 =	sgt.s32 s0, s3  }
0xef: {  	s3 =	smov.u32 @p3 s0  }
0xf0: {  	[smem:$0x109] =	sst s3  }
0xf1: {  	s0 =	sld [smem:$0x10A];
	_ =	sdelay $0x2  }
0xf2: {  	p3 =	sgt.s32 s3, s0  }
0xf3: {  	s0 =	smov.u32 @p3 s3  }
0xf4: {  	[smem:$0x10A] =	sst s0  }
0xf5: {  	s3 =	sld [smem:$0x10B];
	_ =	sdelay $0x2  }
0xf6: {  	p3 =	sgt.s32 s0, s3  }
0xf7: {  	s3 =	smov.u32 @p3 s0  }
0xf8: {  	[smem:$0x10B] =	sst s3  }
0xf9: {  	s0 =	sld [smem:$0x10C];
	_ =	sdelay $0x2  }
0xfa: {  	p3 =	sgt.s32 s3, s0  }
0xfb: {  	s0 =	smov.u32 @p3 s3  }
0xfc: {  	[smem:$0x10C] =	sst s0  }
0xfd: {  	s3 =	sld [smem:$0x10D];
	_ =	sdelay $0x2  }
0xfe: {  	p3 =	sgt.s32 s0, s3  }
0xff: {  	s3 =	smov.u32 @p3 s0  }
0x100: {  	s0 =	simm.s32 $0x0;
	[smem:$0x10D] =	sst s3;
	s3 =	simm.s32 $0x200  }
.LBB2_15:
0x101: {  	p3 =	seq.s32 s3, $0xFE00;
	[tilespmem:s0+$0x18170] =	vst v0  }
0x102: {  	[tilespmem:s0+$0x18100] =	vst v0  }
0x103: {  	[tilespmem:s0+$0x18110] =	vst v0  }
.Ltmp7:
0x104: {  	[tilespmem:s0+$0x18120] =	vst v0;
	(pc) =	sbr.rel @!p3 .LBB2_15-.Ltmp7, $4  }
0x105: {  	[tilespmem:s0+$0x18130] =	vst v0  }
0x106: {  	[tilespmem:s0+$0x18140] =	vst v0  }
0x107: {  	[tilespmem:s0+$0x18150] =	vst v0  }
0x108: {  	[tilespmem:s0+$0x18160] =	vst v0;
	s0 =	sshra.s32 s3, $0x2;
	s3 =	sadd.s32 $0x200, s3  }
0x109: {  	[tilespmem:s0+$0x18170] =	vst v0  }
0x10a: {  	[tilespmem:s0+$0x18100] =	vst v0  }
0x10b: {  	[tilespmem:s0+$0x18110] =	vst v0;
	p3 =	slt.s32 s25, $0x1  }
.Ltmp8:
0x10c: {  	[tilespmem:s0+$0x18120] =	vst v0;
	(pc) =	sbr.rel @p3 .LBB2_33-.Ltmp8, $4  }
0x10d: {  	[tilespmem:s0+$0x18130] =	vst v0  }
0x10e: {  	[tilespmem:s0+$0x18140] =	vst v0  }
0x10f: {  	[tilespmem:s0+$0x18150] =	vst v0  }
0x110: {  	[tilespmem:s0+$0x18160] =	vst v0;
	s5 =	smov.u32 s11  }
.Ltmp9:
0x111: {  	(pc) =	sbr.rel .LBB2_18-.Ltmp9, $3  }
0x112: {  	_ =	sdelay $0x1  }
0x113: {  	s28 =	sadd.s32 $0x180, s22  }
0x114: {  	s29 =	simm.s32 $0x0;
	s30 =	smov.u32 s22;
	s5 =	smov.u32 s11  }
.LBB2_32:
0x115: {  	s29 =	sadd.s32 $0x1, s29  }
0x116: {  	p3 =	sne.s32 s29, s25  }
.Ltmp10:
0x117: {  	_ = 	snop;
	(pc) =	sbr.rel @!p3 .LBB2_33-.Ltmp10, $2  }
0x118: {  	_ =	sdelay $0x2  }
0x119: {  	s30 =	sadd.s32 $0x300, s30;
	s28 =	sadd.s32 $0x300, s28  }
.LBB2_18:
0x11a: {  	s0 =	sshllo.u32 s29, $0x1  }
0x11b: {  	s3 =	smul.u32 $0x180, s0;
	_ =	sdelay $0x1  }
0x11c: {  	s31 =	sadd.s32 s22, s3  }
0x11d: {  	p3 =	sgt.s32 s31, $0x0;
	s3 =	smov.u32 s31  }
0x11e: {  	s3 =	simm.s32 @!p3 $0x0  }
0x11f: {  	s3 =	smin.u32 s3, $0xFE80  }
0x120: {  	s3 =	sshll.u32 s3, $0x4  }
0x121: {  	s3 =	sadd.s32 s1, s3  }
0x122: {  	[tilespmem:s17], [sflag:$0x2] =	stream.linear.gather [hbm4b:s3+s2], $0xC000, $0x38;
	[tilespmem:$0x1C100] =	vst v63  }
0x123: {  	s3 =	sshll.u32 s29, $0x1;
	_ =	swait.ge [sflag:s16], $0xC000  }
0x124: {  	s7 =	smin.u32 s3, $0xD;
	[sflag:s16] =	ssyncset.done $0x0  }
0x125: {  	s7 =	sor.u32 $0x100, s7;
	[sflag:s16] =	ssyncadd.s32 $0xFFFF4000  }
0x126: {  	s19 =	sld [smem:s7+$0x0];
	_ =	sdelay $0x2  }
0x127: {  	s7 =	sadd.s32 $0x1, s19  }
0x128: {  	p3 =	sge.s32 s5, s7  }
.Ltmp11:
0x129: {  	_ = 	snop;
	(pc) =	sbr.rel @p3 .LBB2_25-.Ltmp11, $1  }
0x12a: {  	_ =	sdelay $0x3  }
0x12b: {  	p3 =	sgt.s32 s30, $0x0;
	s7 =	smov.u32 s30  }
0x12c: {  	s8 =	smul.u32 $0x300, s29;
	s7 =	simm.s32 @!p3 $0x0  }
.Ltmp12:
0x12d: {  	s7 =	smin.u32 s7, $0xFE80;
	(pc) =	sbr.rel .LBB2_20-.Ltmp12, $4  }
0x12e: {  	s12 =	sadd.s32 s22, s8;
	s7 =	sshll.u32 s7, $0x9  }
0x12f: {  	s9 =	sadd.s32 $0x180, s12;
	s26 =	ssub.s32 $0x0, s7  }
0x130: {  	p3 =	slt.s32 s9, s6;
	s7 =	smov.u32 s6;
	s8 =	sshra.s32 s26, $0x2  }
0x131: {  	s7 =	smov.u32 @p3 s9;
	s26 =	smov.u32 s5;
	s9 =	sadd.s32 $0x140, s8  }
.LBB2_23:
0x132: {  	v4 =	vadd.f32 v5, v4  }
0x133: {  	v6 =	vadd.f32 v7, v6;
	v7 =	vadd.f32 v8, v9  }
0x134: {  	v5 =	vadd.f32 v12, v10;
	v8 =	vadd.f32 v13, v11  }
.LBB2_24:
0x135: {  	s10 =	ssub.s32 s26, s11  }
0x136: {  	s10 =	sshll.u32 s10, $0x9  }
0x137: {  	s10 =	sshra.s32 s10, $0x2  }
0x138: {  	[tilespmem:s10+$0x18100] =	vst.add.f32.msk $0xffff, v8  }
0x139: {  	p3 =	sle.s32 s8, s7;
	s8 =	simm.s32 $0x1;
	[tilespmem:s10+$0x18110] =	vst.add.f32.msk $0xffff, v2  }
0x13a: {  	s8 =	simm.s32 @!p3 $0x0;
	p3 =	sne.s32 s26, s19;
	[tilespmem:s10+$0x18120] =	vst.add.f32.msk $0xffff, v3  }
.Ltmp13:
0x13b: {  	[tilespmem:s10+$0x18130] =	vst.add.f32.msk $0xffff, v4;
	(pc) =	sbr.rel @!p3 .LBB2_25-.Ltmp13, $4  }
0x13c: {  	[tilespmem:s10+$0x18140] =	vst.add.f32.msk $0xffff, v6  }
0x13d: {  	[tilespmem:s10+$0x18150] =	vst.add.f32.msk $0xffff, v7  }
0x13e: {  	s14 =	sadd.s32 $0x1, s26;
	[tilespmem:s10+$0x18160] =	vst.add.f32.msk $0xffff, v5  }
0x13f: {  	s26 =	smov.u32 s14;
	s5 =	sadd.s32 s8, s5;
	[tilespmem:s10+$0x18170] =	vst.add.f32.msk $0xffff, v1  }
.LBB2_20:
0x140: {  	s8 =	sld [smem:s26+$0x0]  }
0x141: {  	s14 =	sld [smem:s26+$0x1];
	_ =	sdelay $0x2  }
0x142: {  	s21 =	smov.u32 s7;
	s15 =	sadd.s32 s4, s8;
	s8 =	sadd.s32 s4, s14  }
0x143: {  	s14 =	smov.u32 s12;
	p3 =	sgt.s32 s15, s12;
	p4 =	slt.s32 s8, s7  }
0x144: {  	s14 =	smov.u32 @p3 s15;
	s21 =	smov.u32 @p4 s8  }
0x145: {  	p3 =	sge.s32 s14, s21  }
.Ltmp14:
0x146: {  	_ = 	snop;
	(pc) =	sbr.rel @p3 .LBB2_24-.Ltmp14, $4  }
0x147: {  	_ = 	snop  }
0x148: {  	v8 =	vimm.f32 $0.0e+00;
	v2 =	vimm.f32 $0.0e+00  }
0x149: {  	v3 =	vimm.f32 $0.0e+00;
	v4 =	vimm.f32 $0.0e+00;
	v6 =	vimm.f32 $0.0e+00  }
0x14a: {  	v7 =	vimm.f32 $0.0e+00;
	v5 =	vimm.f32 $0.0e+00;
	v1 =	vimm.f32 $0.0e+00  }
0x14b: {  	p3 =	sgt.s32 s30, s15  }
0x14c: {  	s15 =	smov.u32 @p3 s30  }
0x14d: {  	s15 =	sshll.u32 s15, $0x9  }
0x14e: {  	s15 =	sshra.s32 s15, $0x2  }
0x14f: {  	s10 =	sadd.s32 s15, s9  }
0x150: {  	v1 =	vld [tilespmem:s10+$0x30]  }
0x151: {  	v2 =	vld [tilespmem:s10+$0xFFFFFFD0]  }
0x152: {  	v3 =	vld [tilespmem:s10+$0xFFFFFFE0]  }
0x153: {  	s15 =	sadd.s32 $0x1, s14;
	v5 =	vld [tilespmem:s10+$0xFFFFFFF0]  }
0x154: {  	v7 =	vld [tilespmem:s10+$0x0];
	p3 =	slt.s32 s15, s21  }
.Ltmp15:
0x155: {  	v8 =	vld [tilespmem:s10+$0x10];
	(pc) =	sbr.rel @!p3 .LBB2_23-.Ltmp15, $4  }
0x156: {  	v12 =	vld [tilespmem:s10+$0x20]  }
0x157: {  	v4 =	vimm.f32 $0.0e+00;
	v6 =	vimm.f32 $0.0e+00;
	v13 =	vld [tilespmem:s10+$0xFFFFFFC0]  }
0x158: {  	v9 =	vimm.f32 $0.0e+00;
	v10 =	vimm.f32 $0.0e+00;
	v1 =	vadd.f32 v1, v4  }
0x159: {  	v11 =	vimm.f32 $0.0e+00;
	s14 =	sadd.s32 $0x80, s10;
	v2 =	vadd.f32 v2, v4;
	v3 =	vadd.f32 v3, v4  }
.LBB2_22:
0x15a: {  	v14 =	vld [tilespmem:s14+$0x30];
	s15 =	sadd.s32 $0x1, s15;
	v4 =	vadd.f32 v5, v4  }
0x15b: {  	v6 =	vadd.f32 v7, v6;
	v15 =	vld [tilespmem:s14+$0xFFFFFFD0];
	p3 =	slt.s32 s15, s21  }
0x15c: {  	v9 =	vadd.f32 v8, v9;
	v16 =	vld [tilespmem:s14+$0xFFFFFFE0]  }
.Ltmp16:
0x15d: {  	v10 =	vadd.f32 v12, v10;
	v5 =	vld [tilespmem:s14+$0xFFFFFFF0];
	(pc) =	sbr.rel @p3 .LBB2_22-.Ltmp16, $4  }
0x15e: {  	v11 =	vadd.f32 v13, v11;
	v7 =	vld [tilespmem:s14+$0x0]  }
0x15f: {  	v8 =	vld [tilespmem:s14+$0x10];
	v1 =	vadd.f32 v14, v1  }
0x160: {  	v2 =	vadd.f32 v15, v2;
	v12 =	vld [tilespmem:s14+$0x20]  }
0x161: {  	v13 =	vld [tilespmem:s14+$0xFFFFFFC0];
	v3 =	vadd.f32 v16, v3;
	s14 =	sadd.s32 $0x80, s14  }
.Ltmp17:
0x162: {  	_ = 	snop;
	(pc) =	sbr.rel .LBB2_23-.Ltmp17, $1  }
0x163: {  	_ =	sdelay $0x3  }
.LBB2_25:
0x164: {  	s3 =	sadd.s32 $0x2, s3  }
0x165: {  	p3 =	sge.s32 s3, s23  }
0x166: {  	s3 =	smul.u32 @!p3 $0x180, s3;
	_ =	sdelay $0x1  }
0x167: {  	s3 =	sadd.s32 @!p3 s22, s3  }
0x168: {  	p4 =	sgt.s32 @!p3 s3, $0x0  }
0x169: {  	p4 =	por !p4, p3  }
0x16a: {  	s3 =	simm.s32 @p4 $0x0  }
0x16b: {  	s3 =	smin.u32 @!p3 s3, $0xFE80  }
0x16c: {  	s3 =	sshll.u32 @!p3 s3, $0x4  }
0x16d: {  	s7 =	simm.s32 @!p3 $0x0;
	s8 =	simm.s32 @!p3 $0x100;
	s3 =	sadd.s32 @!p3 s1, s3  }
0x16e: {  	[tilespmem:s8], [sflag:$0x1] =	stream.linear.gather @!p3 [hbm4b:s3+s7], $0xC000, $0x38;
	[tilespmem:$0x1C100] =	vst v63  }
0x16f: {  	_ =	swait.ge [sflag:s18], $0xC000  }
0x170: {  	s0 =	smin.u32 s0, $0xD;
	[sflag:s18] =	ssyncset.done $0x0  }
0x171: {  	s0 =	sor.u32 $0x100, s0;
	[sflag:s18] =	ssyncadd.s32 $0xFFFF4000  }
0x172: {  	s0 =	sld [smem:s0+$0x0];
	_ =	sdelay $0x2  }
0x173: {  	s26 =	sadd.s32 $0x1, s0  }
0x174: {  	p3 =	sge.s32 s5, s26  }
.Ltmp18:
0x175: {  	_ = 	snop;
	(pc) =	sbr.rel @p3 .LBB2_32-.Ltmp18, $1  }
0x176: {  	_ =	sdelay $0x3  }
0x177: {  	p3 =	sgt.s32 s28, $0x0;
	s3 =	smov.u32 s28  }
0x178: {  	s3 =	simm.s32 @!p3 $0x0  }
.Ltmp19:
0x179: {  	s3 =	smin.u32 s3, $0xFE80;
	(pc) =	sbr.rel .LBB2_27-.Ltmp19, $4  }
0x17a: {  	s3 =	sshll.u32 s3, $0x9  }
0x17b: {  	s8 =	sadd.s32 $0x180, s31;
	s7 =	ssub.s32 $0x0, s3  }
0x17c: {  	p3 =	slt.s32 s8, s6;
	s3 =	smov.u32 s6;
	s7 =	sshra.s32 s7, $0x2  }
0x17d: {  	s12 =	smov.u32 s5;
	s3 =	smov.u32 @p3 s8;
	s9 =	sadd.s32 $0xC140, s7  }
.LBB2_30:
0x17e: {  	v4 =	vadd.f32 v5, v4  }
0x17f: {  	v6 =	vadd.f32 v7, v6;
	v7 =	vadd.f32 v8, v9  }
0x180: {  	v5 =	vadd.f32 v12, v10;
	v8 =	vadd.f32 v13, v11  }
.LBB2_31:
0x181: {  	s7 =	ssub.s32 s12, s11  }
0x182: {  	s7 =	sshll.u32 s7, $0x9  }
0x183: {  	s7 =	sshra.s32 s7, $0x2  }
0x184: {  	[tilespmem:s7+$0x18100] =	vst.add.f32.msk $0xffff, v8  }
0x185: {  	p3 =	sle.s32 s8, s3;
	s8 =	simm.s32 $0x1;
	[tilespmem:s7+$0x18110] =	vst.add.f32.msk $0xffff, v2  }
0x186: {  	s8 =	simm.s32 @!p3 $0x0;
	p3 =	sne.s32 s12, s0;
	[tilespmem:s7+$0x18120] =	vst.add.f32.msk $0xffff, v3  }
.Ltmp20:
0x187: {  	[tilespmem:s7+$0x18130] =	vst.add.f32.msk $0xffff, v4;
	(pc) =	sbr.rel @!p3 .LBB2_32-.Ltmp20, $4  }
0x188: {  	[tilespmem:s7+$0x18140] =	vst.add.f32.msk $0xffff, v6  }
0x189: {  	[tilespmem:s7+$0x18150] =	vst.add.f32.msk $0xffff, v7  }
0x18a: {  	s10 =	sadd.s32 $0x1, s12;
	[tilespmem:s7+$0x18160] =	vst.add.f32.msk $0xffff, v5  }
0x18b: {  	s12 =	smov.u32 s10;
	s5 =	sadd.s32 s8, s5;
	[tilespmem:s7+$0x18170] =	vst.add.f32.msk $0xffff, v1  }
.LBB2_27:
0x18c: {  	s7 =	sld [smem:s12+$0x0]  }
0x18d: {  	s8 =	sld [smem:s12+$0x1];
	_ =	sdelay $0x2  }
0x18e: {  	s14 =	smov.u32 s31;
	s15 =	sadd.s32 s4, s7;
	s8 =	sadd.s32 s4, s8  }
0x18f: {  	s7 =	smov.u32 s3;
	p3 =	sgt.s32 s15, s31;
	p4 =	slt.s32 s8, s3  }
0x190: {  	s14 =	smov.u32 @p3 s15;
	s7 =	smov.u32 @p4 s8  }
0x191: {  	p3 =	sge.s32 s14, s7  }
.Ltmp21:
0x192: {  	_ = 	snop;
	(pc) =	sbr.rel @p3 .LBB2_31-.Ltmp21, $4  }
0x193: {  	_ = 	snop  }
0x194: {  	v8 =	vimm.f32 $0.0e+00;
	v2 =	vimm.f32 $0.0e+00  }
0x195: {  	v3 =	vimm.f32 $0.0e+00;
	v4 =	vimm.f32 $0.0e+00;
	v6 =	vimm.f32 $0.0e+00  }
0x196: {  	v7 =	vimm.f32 $0.0e+00;
	v5 =	vimm.f32 $0.0e+00;
	v1 =	vimm.f32 $0.0e+00  }
0x197: {  	p3 =	sgt.s32 s28, s15  }
0x198: {  	s15 =	smov.u32 @p3 s28  }
0x199: {  	s10 =	sshll.u32 s15, $0x9  }
0x19a: {  	s10 =	sshra.s32 s10, $0x2  }
0x19b: {  	s10 =	sadd.s32 s10, s9  }
0x19c: {  	v1 =	vld [tilespmem:s10+$0x30]  }
0x19d: {  	v2 =	vld [tilespmem:s10+$0xFFFFFFD0]  }
0x19e: {  	v3 =	vld [tilespmem:s10+$0xFFFFFFE0]  }
0x19f: {  	s15 =	sadd.s32 $0x1, s14;
	v5 =	vld [tilespmem:s10+$0xFFFFFFF0]  }
0x1a0: {  	p3 =	slt.s32 s15, s7;
	v7 =	vld [tilespmem:s10+$0x0]  }
.Ltmp22:
0x1a1: {  	v8 =	vld [tilespmem:s10+$0x10];
	(pc) =	sbr.rel @!p3 .LBB2_30-.Ltmp22, $4  }
0x1a2: {  	v12 =	vld [tilespmem:s10+$0x20]  }
0x1a3: {  	v4 =	vimm.f32 $0.0e+00;
	v6 =	vimm.f32 $0.0e+00;
	v13 =	vld [tilespmem:s10+$0xFFFFFFC0]  }
0x1a4: {  	v9 =	vimm.f32 $0.0e+00;
	v10 =	vimm.f32 $0.0e+00;
	v1 =	vadd.f32 v1, v4  }
0x1a5: {  	v11 =	vimm.f32 $0.0e+00;
	s14 =	sadd.s32 $0x80, s10;
	v2 =	vadd.f32 v2, v4;
	v3 =	vadd.f32 v3, v4  }
.LBB2_29:
0x1a6: {  	v14 =	vld [tilespmem:s14+$0x30];
	s15 =	sadd.s32 $0x1, s15;
	v4 =	vadd.f32 v5, v4  }
0x1a7: {  	v6 =	vadd.f32 v7, v6;
	v15 =	vld [tilespmem:s14+$0xFFFFFFD0];
	p3 =	slt.s32 s15, s7  }
0x1a8: {  	v9 =	vadd.f32 v8, v9;
	v16 =	vld [tilespmem:s14+$0xFFFFFFE0]  }
.Ltmp23:
0x1a9: {  	v10 =	vadd.f32 v12, v10;
	v5 =	vld [tilespmem:s14+$0xFFFFFFF0];
	(pc) =	sbr.rel @p3 .LBB2_29-.Ltmp23, $4  }
0x1aa: {  	v11 =	vadd.f32 v13, v11;
	v7 =	vld [tilespmem:s14+$0x0]  }
0x1ab: {  	v8 =	vld [tilespmem:s14+$0x10];
	v1 =	vadd.f32 v14, v1  }
0x1ac: {  	v2 =	vadd.f32 v15, v2;
	v12 =	vld [tilespmem:s14+$0x20]  }
0x1ad: {  	v13 =	vld [tilespmem:s14+$0xFFFFFFC0];
	v3 =	vadd.f32 v16, v3;
	s14 =	sadd.s32 $0x80, s14  }
.Ltmp24:
0x1ae: {  	_ = 	snop;
	(pc) =	sbr.rel .LBB2_30-.Ltmp24, $1  }
0x1af: {  	_ =	sdelay $0x3  }
.LBB2_33:
0x1b0: {  	s0 =	sand.u32 $0x1, s23  }
0x1b1: {  	p3 =	seq.s32 s0, $0x0  }
0x1b2: {  	s0 =	sadd.s32 @!p3 $0xFFFFFFFF, s23  }
0x1b3: {  	p4 =	sgt.s32 @!p3 s0, $0x0  }
0x1b4: {  	s3 =	simm.s32 @!p3 $0x1;
	s7 =	smov.u32 s0;
	p4 =	por !p4, p3  }
0x1b5: {  	_ =	swait.ge @!p3 [sflag:s3], $0xC000;
	s7 =	simm.s32 @p4 $0x0  }
0x1b6: {  	[sflag:s3] =	ssyncset.done @!p3 $0x0;
	s7 =	smin.u32 @!p3 s7, $0xD  }
0x1b7: {  	[sflag:s3] =	ssyncadd.s32 @!p3 $0xFFFF4000;
	s3 =	sor.u32 @!p3 $0x100, s7  }
0x1b8: {  	s23 =	sld @!p3 [smem:s3+$0x0];
	_ =	sdelay $0x2  }
0x1b9: {  	s3 =	sadd.s32 @!p3 $0x1, s23  }
0x1ba: {  	p4 =	sge.s32 @!p3 s5, s3  }
0x1bb: {  	p4 =	por p3, p4  }
.Ltmp25:
0x1bc: {  	_ = 	snop;
	(pc) =	sbr.rel @p4 .LBB2_43-.Ltmp25, $1  }
0x1bd: {  	_ =	sdelay $0x3  }
0x1be: {  	s0 =	smul.u32 @!p3 $0x180, s0;
	_ =	sdelay $0x1  }
0x1bf: {  	s0 =	sadd.s32 @!p3 s22, s0  }
0x1c0: {  	p4 =	sgt.s32 s0, $0x0;
	s3 =	smov.u32 s0  }
0x1c1: {  	s3 =	simm.s32 @!p4 $0x0  }
.Ltmp26:
0x1c2: {  	s3 =	smin.u32 s3, $0xFE80;
	(pc) =	sbr.rel .LBB2_35-.Ltmp26, $4  }
0x1c3: {  	s22 =	sadd.s32 @!p3 $0x180, s0;
	s3 =	sshll.u32 s3, $0x9  }
0x1c4: {  	p4 =	slt.s32 @!p3 s22, s6;
	s3 =	ssub.s32 $0x0, s3  }
0x1c5: {  	p3 =	por !p4, p3;
	s3 =	sshra.s32 s3, $0x2  }
0x1c6: {  	s22 =	smov.u32 @p3 s6;
	s21 =	sadd.s32 $0x140, s3  }
.LBB2_37:
0x1c7: {  	v7 =	vimm.f32 $0.0e+00;
	v11 =	vimm.f32 $0.0e+00  }
0x1c8: {  	v13 =	vimm.f32 $0.0e+00;
	v14 =	vimm.f32 $0.0e+00;
	v2 =	vimm.f32 $0.0e+00  }
0x1c9: {  	v4 =	vimm.f32 $0.0e+00;
	v5 =	vimm.f32 $0.0e+00;
	v6 =	vimm.f32 $0.0e+00  }
.LBB2_41:
0x1ca: {  	v15 =	vld [tilespmem:s3+$0xFFFFFFD0]  }
0x1cb: {  	v16 =	vld [tilespmem:s3+$0xFFFFFFE0]  }
0x1cc: {  	v17 =	vld [tilespmem:s3+$0xFFFFFFF0]  }
0x1cd: {  	v18 =	vld [tilespmem:s3+$0x0]  }
0x1ce: {  	v19 =	vld [tilespmem:s3+$0x10]  }
0x1cf: {  	v7 =	vadd.f32 @p3 v8, v7;
	v8 =	vadd.f32 @p3 v9, v11;
	v9 =	vld [tilespmem:s3+$0x20]  }
0x1d0: {  	v10 =	vadd.f32 @p3 v10, v13;
	v11 =	vadd.f32 @p3 v12, v14;
	v63 =	vld [tilespmem:s3+$0xFFFFFFC0]  }
0x1d1: {  	v2 =	vadd.f32 v3, v2;
	v3 =	vadd.f32 v15, v4  }
0x1d2: {  	v4 =	vadd.f32 v16, v5;
	v5 =	vadd.f32 v17, v6  }
0x1d3: {  	v6 =	vpsel p3, v7, v1;
	v7 =	vpsel p3, v8, v1;
	v8 =	vpsel p3, v10, v1  }
0x1d4: {  	v10 =	vpsel p3, v11, v1;
	v1 =	vadd.f32 v18, v6;
	v6 =	vadd.f32 v19, v7  }
0x1d5: {  	v7 =	vadd.f32 v9, v8;
	v8 =	vadd.f32 v63, v10  }
.LBB2_42:
0x1d6: {  	s3 =	ssub.s32 s5, s11  }
0x1d7: {  	s3 =	sshll.u32 s3, $0x9  }
0x1d8: {  	s3 =	sshra.s32 s3, $0x2  }
0x1d9: {  	[tilespmem:s3+$0x18100] =	vst.add.f32.msk $0xffff, v8  }
0x1da: {  	[tilespmem:s3+$0x18110] =	vst.add.f32.msk $0xffff, v3  }
0x1db: {  	p3 =	sne.s32 s5, s23;
	[tilespmem:s3+$0x18120] =	vst.add.f32.msk $0xffff, v4  }
.Ltmp27:
0x1dc: {  	[tilespmem:s3+$0x18130] =	vst.add.f32.msk $0xffff, v5;
	(pc) =	sbr.rel @!p3 .LBB2_43-.Ltmp27, $4  }
0x1dd: {  	[tilespmem:s3+$0x18140] =	vst.add.f32.msk $0xffff, v1  }
0x1de: {  	[tilespmem:s3+$0x18150] =	vst.add.f32.msk $0xffff, v6  }
0x1df: {  	s6 =	sadd.s32 $0x1, s5;
	[tilespmem:s3+$0x18160] =	vst.add.f32.msk $0xffff, v7  }
0x1e0: {  	s5 =	smov.u32 s6;
	[tilespmem:s3+$0x18170] =	vst.add.f32.msk $0xffff, v2  }
.LBB2_35:
0x1e1: {  	s3 =	sld [smem:s5+$0x0]  }
0x1e2: {  	s6 =	sld [smem:s5+$0x1];
	_ =	sdelay $0x2  }
0x1e3: {  	s7 =	sadd.s32 s4, s3;
	s8 =	sadd.s32 s4, s6;
	s3 =	smov.u32 s0  }
0x1e4: {  	s6 =	smov.u32 s22;
	p3 =	sgt.s32 s7, s0;
	p4 =	slt.s32 s8, s22  }
0x1e5: {  	s3 =	smov.u32 @p3 s7;
	s6 =	smov.u32 @p4 s8  }
0x1e6: {  	p3 =	sle.s32 s6, s3  }
.Ltmp28:
0x1e7: {  	_ = 	snop;
	(pc) =	sbr.rel @p3 .LBB2_42-.Ltmp28, $4  }
0x1e8: {  	_ = 	snop  }
0x1e9: {  	v8 =	vimm.f32 $0.0e+00;
	v3 =	vimm.f32 $0.0e+00  }
0x1ea: {  	v4 =	vimm.f32 $0.0e+00;
	v5 =	vimm.f32 $0.0e+00;
	v1 =	vimm.f32 $0.0e+00  }
0x1eb: {  	v6 =	vimm.f32 $0.0e+00;
	v7 =	vimm.f32 $0.0e+00;
	v2 =	vimm.f32 $0.0e+00  }
0x1ec: {  	s6 =	ssub.s32 s6, s3  }
0x1ed: {  	p4 =	sne.s32 s6, $0x1  }
.Ltmp29:
0x1ee: {  	_ = 	snop;
	(pc) =	sbr.rel @!p4 .LBB2_37-.Ltmp29, $4  }
0x1ef: {  	s7 =	sshll.u32 s3, $0x9  }
0x1f0: {  	s31 =	sshra.s32 s7, $0x2  }
0x1f1: {  	s3 =	sadd.s32 s31, s21  }
0x1f2: {  	v1 =	vimm.f32 $0.0e+00;
	p3 =	por $0x0, $0x0;
	s6 =	sadd.s32 $0xFFFFFFFF, s6;
	v3 =	vld [tilespmem:s3+$0x30]  }
0x1f3: {  	v4 =	vld [tilespmem:s3+$0xFFFFFFD0]  }
0x1f4: {  	v5 =	vld [tilespmem:s3+$0xFFFFFFE0]  }
0x1f5: {  	v6 =	vld [tilespmem:s3+$0xFFFFFFF0];
	p4 =	sne.s32 s6, $0x1  }
.Ltmp30:
0x1f6: {  	v8 =	vld [tilespmem:s3+$0x0];
	(pc) =	sbr.rel @!p4 .LBB2_39-.Ltmp30, $4  }
0x1f7: {  	v9 =	vld [tilespmem:s3+$0x10]  }
0x1f8: {  	v10 =	vld [tilespmem:s3+$0x20];
	v7 =	vimm.f32 $0.0e+00;
	v11 =	vimm.f32 $0.0e+00  }
0x1f9: {  	v12 =	vld [tilespmem:s3+$0xFFFFFFC0];
	s3 =	sadd.s32 $0x80, s3;
	v13 =	vimm.f32 $0.0e+00;
	v2 =	vadd.f32 v3, v1;
	v4 =	vadd.f32 v4, v1  }
0x1fa: {  	s6 =	sadd.s32 $0xFFFFFFFF, s6;
	p3 =	por $0x1, $0x1;
	v14 =	vimm.f32 $0.0e+00;
	v3 =	vld [tilespmem:s3+$0x30];
	v5 =	vadd.f32 v5, v1;
	v6 =	vadd.f32 v6, v1  }
.LBB2_40:
0x1fb: {  	p4 =	sne.s32 s6, $0x1;
	v15 =	vld [tilespmem:s3+$0xFFFFFFD0];
	v7 =	vadd.f32 v8, v7  }
0x1fc: {  	v11 =	vadd.f32 v9, v11;
	v16 =	vld [tilespmem:s3+$0xFFFFFFE0]  }
0x1fd: {  	v13 =	vadd.f32 v10, v13;
	v17 =	vld [tilespmem:s3+$0xFFFFFFF0]  }
.Ltmp31:
0x1fe: {  	v14 =	vadd.f32 v12, v14;
	v8 =	vld [tilespmem:s3+$0x0];
	(pc) =	sbr.rel @p4 .LBB2_40-.Ltmp31, $4  }
0x1ff: {  	v2 =	vadd.f32 v3, v2;
	v9 =	vld [tilespmem:s3+$0x10]  }
0x200: {  	v4 =	vadd.f32 v15, v4;
	v10 =	vld [tilespmem:s3+$0x20]  }
0x201: {  	v12 =	vld [tilespmem:s3+$0xFFFFFFC0];
	v5 =	vadd.f32 v16, v5;
	s3 =	sadd.s32 $0x80, s3  }
0x202: {  	s6 =	sadd.s32 $0xFFFFFFFF, s6;
	v3 =	vld [tilespmem:s3+$0x30];
	v6 =	vadd.f32 v17, v6  }
.Ltmp32:
0x203: {  	_ = 	snop;
	(pc) =	sbr.rel .LBB2_41-.Ltmp32, $1  }
0x204: {  	_ =	sdelay $0x3  }
.LBB2_39:
.Ltmp33:
0x205: {  	(pc) =	sbr.rel .LBB2_41-.Ltmp33, $3  }
0x206: {  	_ =	sdelay $0x1  }
0x207: {  	v7 =	vimm.f32 $0.0e+00  }
0x208: {  	v11 =	vimm.f32 $0.0e+00;
	v13 =	vimm.f32 $0.0e+00;
	v14 =	vimm.f32 $0.0e+00  }
.LBB2_43:
0x209: {  	s5 =	rddreg [dreg:$0xb]  }
0x20a: {  	s0 =	sld [smem:s5+$0x0]  }
0x20b: {  	s3 =	sld [smem:s5+$0xFFFFFFFF];
	_ =	sdelay $0x1  }
.Ltmp34:
0x20c: {  	_ = 	snop;
	(pc) =	sbr.rel @!p2 .LBB2_44-.Ltmp34, $4  }
0x20d: {  	s0 =	ssub.s32 s0, s3  }
0x20e: {  	s3 =	scvt.s32.f32 s0  }
0x20f: {  	s21 =	simm.s32 $0x18140  }
0x210: {  	p3 =	por $0x0, $0x0;
	p4 =	por $0x0, $0x0;
	v2 =	vmov s3;
	s3 =	sadd.s32 $0x1, s5  }
0x211: {  	s5 =	sld [smem:s3+$0x0]  }
0x212: {  	s6 =	sld [smem:s3+$0xFFFFFFFF]  }
0x213: {  	p2 =	sne.s32 s24, $0x1  }
.Ltmp35:
0x214: {  	_ = 	snop;
	(pc) =	sbr.rel @!p2 .LBB2_46-.Ltmp35, $4  }
0x215: {  	s5 =	ssub.s32 s5, s6  }
0x216: {  	s6 =	scvt.s32.f32 s5  }
0x217: {  	v3 =	vld [tilespmem:s21+$0xFFFFFFC0]  }
0x218: {  	(erf) = vrcp.f32 v2;
	s7 =	sadd.s32 $0xFFFFFFFF, s24;
	v4 =	vld [tilespmem:s21+$0xFFFFFFD0];
	p3 =	por $0x1, $0x1;
	v2 =	vmov s6;
	s6 =	sadd.s32 $0x1, s3  }
0x219: {  	_ =	sdelay $0x6  }
0x21a: {  	v7 =	vld [tilespmem:s21+$0xFFFFFFE0]  }
0x21b: {  	s31 =	sld [smem:s6+$0x0];
	v1 =	vpop (erf);
	(erf) = vrcp.f32 v2  }
0x21c: {  	p2 =	sgt.s32 s0, $0x0;
	s8 =	sld [smem:s6+$0xFFFFFFFF];
	v8 =	vld [tilespmem:s21+$0x0]  }
0x21d: {  	v9 =	vld [tilespmem:s21+$0x10];
	v1 =	vpsel !p2, $0x0, v1;
	p2 =	sne.s32 s7, $0x1  }
.Ltmp36:
0x21e: {  	v6 =	vld [tilespmem:s21+$0x20];
	v3 =	vmul.f32 v1, v3;
	(pc) =	sbr.rel @!p2 .LBB2_48-.Ltmp36, $4  }
0x21f: {  	s0 =	ssub.s32 s31, s8;
	v4 =	vmul.f32 v1, v4;
	v10 =	vmul.f32 v1, v7;
	v7 =	vld [tilespmem:s21+$0x30]  }
0x220: {  	v5 =	vld [tilespmem:s21+$0xFFFFFFF0];
	s3 =	simm.s32 $0x181C0;
	s8 =	scvt.s32.f32 s0;
	[tilespmem:s21+$0xFFFFFFC0] =	vst v3  }
0x221: {  	s6 =	sadd.s32 $0x1, s6;
	p4 =	por $0x1, $0x1;
	v8 =	vmul.f32 v8, v1;
	v3 =	vld [tilespmem:s3+$0xFFFFFFC0];
	[tilespmem:s21+$0xFFFFFFD0] =	vst v4  }
0x222: {  	s12 =	simm.s32 $0x3;
	v2 =	vmov s8;
	s8 =	sadd.s32 $0xFFFFFFFF, s7;
	s7 =	simm.s32 $0x18140;
	v9 =	vmul.f32 v9, v1;
	v4 =	vld [tilespmem:s3+$0xFFFFFFD0];
	[tilespmem:s21+$0xFFFFFFE0] =	vst v10  }
.LBB2_49:
0x223: {  	s9 =	sld [smem:s6+$0x0];
	p2 =	sne.s32 s8, $0x1;
	(erf) = vrcp.f32 v2;
	v2 =	vld [tilespmem:s3+$0xFFFFFFE0];
	[tilespmem:s7+$0x0] =	vst v8;
	v6 =	vmul.f32 v6, v1  }
0x224: {  	p5 =	sgt.s32 s5, $0x0;
	s5 =	smov.u32 s0;
	s10 =	sld [smem:s6+$0xFFFFFFFF];
	v8 =	vld [tilespmem:s3+$0x0];
	v10 =	vpop (erf);
	[tilespmem:s7+$0x10] =	vst v9;
	v7 =	vmul.f32 v7, v1  }
0x225: {  	v9 =	vld [tilespmem:s3+$0x10];
	v5 =	vmul.f32 v5, v1;
	v1 =	vpsel !p5, $0x0, v10;
	[tilespmem:s7+$0x20] =	vst v6  }
.Ltmp37:
0x226: {  	v3 =	vmul.f32 v1, v3;
	v6 =	vld [tilespmem:s3+$0x20];
	[tilespmem:s7+$0x30] =	vst v7;
	(pc) =	sbr.rel @p2 .LBB2_49-.Ltmp37, $4  }
0x227: {  	s0 =	ssub.s32 s9, s10;
	v4 =	vmul.f32 v1, v4;
	v7 =	vld [tilespmem:s3+$0x30];
	[tilespmem:s7+$0xFFFFFFF0] =	vst v5;
	s7 =	smov.u32 s3  }
0x228: {  	s3 =	sadd.s32 $0x80, s3;
	s9 =	scvt.s32.f32 s0;
	[tilespmem:s7+$0xFFFFFFC0] =	vst v3;
	v10 =	vmul.f32 v1, v2;
	v5 =	vld [tilespmem:s7+$0xFFFFFFF0]  }
0x229: {  	v3 =	vld [tilespmem:s3+$0xFFFFFFC0];
	[tilespmem:s7+$0xFFFFFFD0] =	vst v4;
	v8 =	vmul.f32 v8, v1  }
0x22a: {  	s8 =	sadd.s32 $0xFFFFFFFF, s8;
	s6 =	sadd.s32 $0x1, s6;
	v2 =	vmov s9;
	v4 =	vld [tilespmem:s3+$0xFFFFFFD0];
	[tilespmem:s7+$0xFFFFFFE0] =	vst v10;
	v9 =	vmul.f32 v9, v1  }
0x22b: {  	s6 =	smov.u32 s5  }
.LBB2_51:
0x22c: {  	v10 =	vld @p3 [tilespmem:s3+$0xFFFFFFE0];
	[tilespmem:s7+$0x0] =	vst @p4 v8;
	v6 =	vmul.f32 @p4 v6, v1;
	p2 =	sgt.s32 @p3 s6, $0x0  }
0x22d: {  	v8 =	vld @p3 [tilespmem:s3+$0x0];
	[tilespmem:s7+$0x10] =	vst @p4 v9;
	v9 =	vpop @p3 (erf);
	p2 =	por !p2, !p3;
	v5 =	vmul.f32 @p4 v5, v1;
	v1 =	vmul.f32 @p4 v7, v1  }
0x22e: {  	(erf) = vrcp.f32 v2;
	v11 =	vld @p3 [tilespmem:s3+$0x10];
	v9 =	vpsel p2, $0x0, v9;
	[tilespmem:s7+$0x20] =	vst @p4 v6  }
0x22f: {  	v3 =	vmul.f32 @p3 v9, v3;
	v6 =	vld @p3 [tilespmem:s3+$0x20];
	[tilespmem:s7+$0x30] =	vst @p4 v1  }
0x230: {  	s5 =	smov.u32 @p3 s3;
	s6 =	sadd.s32 @p3 $0x80, s3;
	[tilespmem:s7+$0xFFFFFFF0] =	vst @p4 v5;
	v4 =	vmul.f32 @p3 v9, v4;
	v2 =	vld @p3 [tilespmem:s3+$0x30]  }
0x231: {  	s21 =	smov.u32 @p3 s6;
	v7 =	vld @p3 [tilespmem:s5+$0xFFFFFFF0];
	[tilespmem:s5+$0xFFFFFFC0] =	vst @p3 v3  }
0x232: {  	v3 =	vmul.f32 @p3 v9, v10;
	v1 =	vld [tilespmem:s21+$0xFFFFFFC0];
	[tilespmem:s5+$0xFFFFFFD0] =	vst @p3 v4;
	v4 =	vmul.f32 @p3 v8, v9;
	_ =	sdelay $0x1  }
0x233: {  	s3 =	smov.u32 @p3 s5;
	v5 =	vld [tilespmem:s21+$0xFFFFFFD0];
	[tilespmem:s5+$0xFFFFFFE0] =	vst @p3 v3;
	v3 =	vmul.f32 @p3 v11, v9;
	v4 =	vpsel p3, v4, v0  }
0x234: {  	v57 =	vld [tilespmem:s21+$0xFFFFFFE0];
	v6 =	vpsel p3, v6, v0;
	[tilespmem:s3+$0x0] =	vst @p3 v4;
	v4 =	vpsel p3, v9, v0  }
0x235: {  	v3 =	vpsel p3, v3, v0;
	v2 =	vpsel p3, v2, v0;
	v6 =	vmul.f32 @p3 v6, v4  }
0x236: {  	p6 =	sgt.s32 s0, $0x0;
	v7 =	vpsel p3, v7, v0;
	v58 =	vld [tilespmem:s21+$0x0];
	[tilespmem:s3+$0x10] =	vst @p3 v3;
	v59 =	vpop (erf);
	v2 =	vmul.f32 @p3 v2, v4  }
0x237: {  	v4 =	vmul.f32 @p3 v7, v4;
	v3 =	vld [tilespmem:s21+$0x10];
	v60 =	vpsel !p6, $0x0, v59;
	[tilespmem:s3+$0x20] =	vst @p3 v6  }
0x238: {  	v1 =	vmul.f32 v60, v1;
	v61 =	vld [tilespmem:s21+$0x20];
	[tilespmem:s3+$0x30] =	vst @p3 v2  }
0x239: {  	[tilespmem:s3+$0xFFFFFFF0] =	vst @p3 v4;
	v2 =	vmul.f32 v60, v5;
	v62 =	vld [tilespmem:s21+$0x30]  }
0x23a: {  	[tilespmem:s21+$0xFFFFFFC0] =	vst v1;
	v1 =	vmul.f32 v60, v57;
	v63 =	vld [tilespmem:s21+$0xFFFFFFF0]  }
0x23b: {  	[tilespmem:s21+$0xFFFFFFD0] =	vst v2;
	v2 =	vmul.f32 v58, v60  }
0x23c: {  	[tilespmem:s21+$0xFFFFFFE0] =	vst v1;
	v1 =	vmul.f32 v3, v60  }
0x23d: {  	[tilespmem:s21+$0x0] =	vst v2;
	v2 =	vmul.f32 v61, v60  }
0x23e: {  	[tilespmem:s21+$0x10] =	vst v1;
	v1 =	vmul.f32 v62, v60  }
0x23f: {  	v3 =	vmul.f32 v63, v60;
	[tilespmem:s21+$0x20] =	vst v2  }
0x240: {  	[tilespmem:s21+$0x30] =	vst v1  }
0x241: {  	[tilespmem:s21+$0xFFFFFFF0] =	vst v3;
	v1 =	vimm.f32 @!p1 $0.0e+00  }
0x242: {  	[tilespmem:$0x1C080] =	vst @!p1 v1  }
0x243: {  	[tilespmem:$0x1C090] =	vst @!p1 v1  }
0x244: {  	[tilespmem:$0x1C0A0] =	vst @!p1 v1  }
0x245: {  	[tilespmem:$0x1C0B0] =	vst @!p1 v1  }
0x246: {  	[tilespmem:$0x1C0C0] =	vst @!p1 v1  }
0x247: {  	[tilespmem:$0x1C0D0] =	vst @!p1 v1  }
0x248: {  	[tilespmem:$0x1C0E0] =	vst @!p1 v1  }
0x249: {  	s29 =	rddreg [dreg:$0x7];
	s30 =	simm.s32 $0x18100;
	[tilespmem:$0x1C0F0] =	vst @!p1 v1  }
0x24a: {  	[hbm4b:s29+s2] =	stream.linear.scatter [tilespmem:s30], [sflag:$0x3], $0x4000, $0x38;
	[tilespmem:$0x1C100] =	vst v63  }
0x24b: {  	_ =	swait.ge [sflag:s12], $0x4000  }
0x24c: {  	s20 =	sadd.s32 $0x1, s20;
	s31 =	rddreg [dreg:$0x8]  }
0x24d: {  	p2 =	sne.s32 s20, s31  }
.Ltmp38:
0x24e: {  	_ = 	snop;
	(pc) =	sbr.rel @p2 .LBB2_1-.Ltmp38, $4  }
.Ltmp39:
0x24f: {  	_ = 	snop;
	(pc) =	sbr.rel @!p2 .LBB2_52-.Ltmp39, $4  }
0x250: {  	_ = 	snop  }
0x251: {  	[sflag:s12] =	ssyncset.done $0x0  }
0x252: {  	[sflag:s12] =	ssyncadd.s32 $0xFFFFC000  }
0x253: {  	_ = 	snop  }
.LBB2_3:
.Ltmp40:
0x254: {  	(pc) =	sbr.rel .LBB2_14-.Ltmp40, $2  }
0x255: {  	_ =	sdelay $0x2  }
0x256: {  	s0 =	smov.u32 s11  }
.LBB2_44:
.Ltmp41:
0x257: {  	(pc) =	sbr.rel .LBB2_51-.Ltmp41, $2  }
0x258: {  	_ =	sdelay $0x2  }
0x259: {  	s3 =	simm.s32 $0x18140;
	s12 =	simm.s32 $0x3  }
.LBB2_12:
.Ltmp42:
0x25a: {  	(pc) =	sbr.rel .LBB2_14-.Ltmp42, $2  }
0x25b: {  	_ =	sdelay $0x2  }
0x25c: {  	s0 =	smov.u32 s11  }
.LBB2_46:
.Ltmp43:
0x25d: {  	(pc) =	sbr.rel .LBB2_51-.Ltmp43, $3  }
0x25e: {  	_ =	sdelay $0x1  }
0x25f: {  	s6 =	smov.u32 s0  }
0x260: {  	s3 =	simm.s32 $0x18140;
	s0 =	smov.u32 s5;
	s12 =	simm.s32 $0x3  }
.LBB2_48:
.Ltmp44:
0x261: {  	(pc) =	sbr.rel .LBB2_51-.Ltmp44, $2  }
0x262: {  	_ =	sdelay $0x2  }
0x263: {  	s7 =	simm.s32 $0x18140;
	s6 =	smov.u32 s5  }
.LBB2_5:
.Ltmp45:
0x264: {  	(pc) =	sbr.rel .LBB2_10-.Ltmp45, $2  }
0x265: {  	_ =	sdelay $0x2  }
0x266: {  	s3 =	rddreg [dreg:$0xa]  }
.LBB2_7:
.Ltmp46:
0x267: {  	(pc) =	sbr.rel .LBB2_10-.Ltmp46, $2  }
0x268: {  	_ =	sdelay $0x2  }
0x269: {  	s3 =	rddreg [dreg:$0xa];
	v2 =	vmov v1  }
.LBB2_52:
0x26a: {  	_ =	sfence.sel $0x180000  }
0x26b: {  	[bflag:$0x0] =	sbarrier.arrive $0xFFFF  }
0x26c: {  	_ =	strace $0x90000047  }
0x26d: {  	s0 =	stileid.u32;
	[bflag:$0x2] =	sbarrier.arrive $0xFFFF  }
0x26e: {  	p0 =	sne.s32 s0, $0x0;
	s0 =	rddreg [dreg:$0x3]  }
0x26f: {  	s0 =	sadd.s32 @!p0 $0x100000, s0  }
0x270: {  	[sflag:s0] =	ssyncadd.tile.s32 @!p0 $0x1;
	_ =	shalt  }
.Lfunc_end2:
_tile_overlayer_lowered:
.L_overlay_start_2:
0x271: {  	(tag) =	ssettag $0x2  }
0x272: {  	s0 =	rddreg [dreg:$0x0];
	s2 =	stileid.u32  }
0x273: {  	s1 =	rddreg [dreg:$0x1];
	p0 =	sne.s32 s2, $0x0  }
0x274: {  	s3 =	rddreg [dreg:$0x2];
	[bflag:$0x3] =	sbarrier.arrive $0xFFFF;
	s2 =	simm.s32 @!p0 $0x1C03  }
0x275: {  	[timem:s3], [sflag:s2] =	dma.local @!p0 [hbm:s0], s1  }
0x276: {  	s0 =	simm.s32 @!p0 $0x3  }
0x277: {  	_ =	swait.ge @!p0 [sflag:s0], s1  }
0x278: {  	s1 =	ssub.s32 @!p0 $0x0, s1;
	[sflag:s0] =	ssyncset.done @!p0 $0x0  }
0x279: {  	[sflag:s0] =	ssyncadd.s32 @!p0 s1  }
0x27a: {  	[bflag:$0x3] =	sbarrier.arrive $0xFFFF  }
0x27b: {  	_ =	shalt  }

</sc_bundles>
